<compile_context>
chip_gen: v7x
topology: tpu7x:2x2x1
jax: 0.10.2.dev20260603
libtpu: 0.0.44.dev20260713+nightly
codegen_flags: <defaults>
</compile_context>

<pallas_src>
import functools

import jax
import jax.numpy as jnp
from jax import lax
from jax.experimental import pallas as pl
from jax.experimental.pallas import tpu as pltpu
from jax.experimental.pallas import tpu_sc as plsc

N = 10000
NP = 10240
D = 128
G = 64
E = 320000
NC, NS = 2, 16
NW = NC * NS
CH = 128
NCHUNK = 80
EPT = NCHUNK * CH
EPAD = EPT * NW
RPS = NP // NS
BLK = 1024


def _leaky(v):
    return jnp.where(v > 0, v, 0.01 * v)


def _dot(a, b):
    return jnp.dot(a, b, preferred_element_type=jnp.float32)



@functools.lru_cache(maxsize=None)
def _mesh():
    return plsc.VectorSubcoreMesh(core_axis_name="c", subcore_axis_name="s",
                                  num_cores=NC, num_subcores=NS)


def _zero_acc(sid, stage_v, acc_sh):
    def zrow(i, _):
        for j in range(D // 16):
            stage_v[i, pl.ds(j * 16, 16)] = jnp.zeros((16,), jnp.float32)
        return 0
    lax.fori_loop(0, CH, zrow, 0)

    def zacc(j, _):
        pltpu.sync_copy(stage_v, acc_sh.at[pl.ds(sid * RPS + j * CH, CH)])
        return 0
    lax.fori_loop(0, RPS // CH, zacc, 0)


def _emit_acc(cid, sid, stage_v, acc_sh, out_hbm):
    def out(j, _):
        r = sid * RPS + j * CH
        pltpu.sync_copy(acc_sh.at[pl.ds(r, CH)], stage_v)
        pltpu.sync_copy(stage_v, out_hbm.at[cid, pl.ds(r, CH)])
        return 0
    lax.fori_loop(0, RPS // CH, out, 0)


def _degs_body(ones_hbm, dst_hbm, out_hbm, didx_v, ones_v, acc_sh, ssem):
    cid = lax.axis_index("c")
    sid = lax.axis_index("s")
    wid = sid * NC + cid

    _zero_acc(sid, ones_v, acc_sh)
    pltpu.sync_copy(ones_hbm, ones_v)
    pltpu.sync_copy(dst_hbm.at[wid], didx_v)
    plsc.subcore_barrier()

    def chunk(t, _):
        pltpu.async_copy(ones_v, acc_sh.at[didx_v.at[t]], ssem, add=True)

        @pl.when(t >= 4)
        def _():
            pltpu.make_async_copy(ones_v, acc_sh.at[didx_v.at[t - 4]],
                                  ssem).wait()
        return 0
    lax.fori_loop(0, NCHUNK, chunk, 0)
    for k in range(4):
        pltpu.make_async_copy(ones_v, acc_sh.at[didx_v.at[NCHUNK - 4 + k]],
                              ssem).wait()
    plsc.subcore_barrier()
    _emit_acc(cid, sid, ones_v, acc_sh, out_hbm)


@functools.lru_cache(maxsize=None)
def _degs_call():
    return pl.kernel(
        _degs_body,
        out_type=jax.ShapeDtypeStruct((NC, NP, D), jnp.float32),
        mesh=_mesh(),
        scratch_types=[
            pltpu.VMEM((NCHUNK, CH), jnp.int32),
            pltpu.VMEM((CH, D), jnp.float32),
            pltpu.VMEM_SHARED((NP, D), jnp.float32),
            pltpu.SemaphoreType.DMA,
        ],
    )


HALF = NCHUNK // 2


def _prop_body(u_hbm, src_hbm, dst_hbm, out_hbm,
               sidx_v, didx_v, rows_v, acc_sh, gsem):
    cid = lax.axis_index("c")
    sid = lax.axis_index("s")
    wid = sid * NC + cid

    _zero_acc(sid, rows_v.at[0], acc_sh)
    plsc.subcore_barrier()

    for h in range(2):
        pltpu.sync_copy(src_hbm.at[wid, pl.ds(h * HALF, HALF)], sidx_v)
        pltpu.sync_copy(dst_hbm.at[wid, pl.ds(h * HALF, HALF)], didx_v)
        pltpu.async_copy(u_hbm.at[sidx_v.at[0]], rows_v.at[0], gsem)

        def body(j, _):
            for b in range(2):
                t = 2 * j + b

                @pl.when(t + 1 < HALF)
                def _():
                    pltpu.async_copy(u_hbm.at[sidx_v.at[t + 1]],
                                     rows_v.at[1 - b], gsem)

                pltpu.make_async_copy(u_hbm.at[sidx_v.at[t]],
                                      rows_v.at[b], gsem).wait()
                pltpu.sync_copy(rows_v.at[b], acc_sh.at[didx_v.at[t]],
                                add=True)
            return 0
        lax.fori_loop(0, HALF // 2, body, 0)
    plsc.subcore_barrier()
    _emit_acc(cid, sid, rows_v.at[0], acc_sh, out_hbm)


@functools.lru_cache(maxsize=None)
def _prop_call():
    return pl.kernel(
        _prop_body,
        out_type=jax.ShapeDtypeStruct((NC, NP, D), jnp.float32),
        mesh=_mesh(),
        scratch_types=[
            pltpu.VMEM((HALF, CH), jnp.int32),
            pltpu.VMEM((HALF, CH), jnp.int32),
            pltpu.VMEM((2, CH, D), jnp.float32),
            pltpu.VMEM_SHARED((NP, D), jnp.float32),
            pltpu.SemaphoreType.DMA,
        ],
    )



def _proa_body(x_ref, W1_ref, b1_ref, W2_ref, b2_ref,
               xlx_ref, W8_ref, b8_ref, W9_ref, b9_ref,
               W5_ref, b5_ref, W6_ref, b6_ref,
               h_ref, ts_ref, xl_ref):
    x = x_ref[...]
    t1 = _leaky(_dot(x, W1_ref[...]) + b1_ref[...])
    h_ref[...] = t1 + _leaky(_dot(t1, W2_ref[...]) + b2_ref[...])

    @pl.when(pl.program_id(0) == 0)
    def _():
        xlx = xlx_ref[...]
        t = _leaky(_dot(xlx, W8_ref[...]) + b8_ref[...])
        ts_ref[...] = _leaky(_dot(t, W9_ref[...]) + b9_ref[...])
        xl_ref[...] = _leaky(_dot(_dot(xlx, W5_ref[...]) + b5_ref[...],
                                  W6_ref[...]) + b6_ref[...])


def _prob_body(h_ref, dga_ref, dgb_ref, u0_ref, dis_ref):
    deg = dga_ref[0, :, 0:1] + dgb_ref[0, :, 0:1]
    dis = jnp.where(deg > 0, lax.rsqrt(jnp.maximum(deg, 1e-12)), 0.0)
    u0_ref[...] = h_ref[...] * dis
    dis_ref[...] = jnp.broadcast_to(dis, (BLK, 8))


def _mid_body(s1a_ref, s1b_ref, dis_ref, tx1_ref, u1_ref):
    dis = dis_ref[:, 0:1]
    tx1 = -dis * (s1a_ref[0] + s1b_ref[0])
    tx1_ref[...] = tx1
    u1_ref[...] = tx1 * dis


def _head_body(tx0_ref, tx1_ref, s2a_ref, s2b_ref, dis_ref, P_ref, ts_ref,
               A0_ref, A1_ref, A2_ref, bcc_ref, W3_ref, b3_ref, W4_ref, b4_ref,
               xl_ref, W7a_ref, W7b_ref, b7_ref, out_ref, hg_acc):
    tx0 = tx0_ref[...]
    tx1 = tx1_ref[...]
    tx2 = -2.0 * dis_ref[:, 0:1] * (s2a_ref[0] + s2b_ref[0]) - tx0
    hf = (_dot(tx0, A0_ref[...]) + _dot(tx1, A1_ref[...])
          + _dot(tx2, A2_ref[...]) + bcc_ref[...])
    h2 = _leaky(_dot(hf, W3_ref[...]) + b3_ref[...])
    h3 = _leaky(_dot(h2, W4_ref[...]) + b4_ref[...])
    P = P_ref[...]
    tsb = _dot(P, ts_ref[...])
    scores = jnp.sum(h3 * tsb, axis=1, keepdims=True)
    contrib = lax.dot_general(P, scores * h3, (((0,), (0,)), ((), ())),
                              preferred_element_type=jnp.float32)

    @pl.when(pl.program_id(0) == 0)
    def _():
        hg_acc[...] = contrib

    @pl.when(pl.program_id(0) > 0)
    def _():
        hg_acc[...] += contrib

    @pl.when(pl.program_id(0) == _GRID - 1)
    def _():
        out_ref[...] = (_dot(hg_acc[...], W7a_ref[...])
                        + _dot(xl_ref[...], W7b_ref[...]) + b7_ref[...])


def _row_spec(w):
    return pl.BlockSpec((BLK, w), lambda i: (i, 0))


def _const_spec(shape):
    return pl.BlockSpec(shape, lambda i: tuple(0 for _ in shape))


_GRID = NP // BLK

_PROA_KW = dict(
    grid=(_GRID,),
    in_specs=[
        _row_spec(D),
        _const_spec((D, D)), _const_spec((1, D)),
        _const_spec((D, D)), _const_spec((1, D)),
        _const_spec((G, D)),
        _const_spec((D, D)), _const_spec((1, D)),
        _const_spec((D, D)), _const_spec((1, D)),
        _const_spec((D, D)), _const_spec((1, D)),
        _const_spec((D, D)), _const_spec((1, D)),
    ],
    out_specs=[_row_spec(D), _const_spec((G, D)), _const_spec((G, D))],
    out_shape=[jax.ShapeDtypeStruct((NP, D), jnp.float32),
               jax.ShapeDtypeStruct((G, D), jnp.float32),
               jax.ShapeDtypeStruct((G, D), jnp.float32)],
)
_proa_call = pl.pallas_call(_proa_body, **_PROA_KW)

_PROB_KW = dict(
    grid=(_GRID,),
    in_specs=[
        _row_spec(D),
        pl.BlockSpec((1, BLK, D), lambda i: (0, i, 0)),
        pl.BlockSpec((1, BLK, D), lambda i: (1, i, 0)),
    ],
    out_specs=[_row_spec(D), _row_spec(8)],
    out_shape=[jax.ShapeDtypeStruct((NP, D), jnp.float32),
               jax.ShapeDtypeStruct((NP, 8), jnp.float32)],
)
_prob_call = pl.pallas_call(_prob_body, **_PROB_KW)

_MID_KW = dict(
    grid=(_GRID,),
    in_specs=[pl.BlockSpec((1, BLK, D), lambda i: (0, i, 0)),
              pl.BlockSpec((1, BLK, D), lambda i: (1, i, 0)),
              _row_spec(8)],
    out_specs=[_row_spec(D), _row_spec(D)],
    out_shape=[jax.ShapeDtypeStruct((NP, D), jnp.float32),
               jax.ShapeDtypeStruct((NP, D), jnp.float32)],
)
_mid_call = pl.pallas_call(_mid_body, **_MID_KW)

_HEAD_KW = dict(
    grid=(_GRID,),
    in_specs=[
        _row_spec(D), _row_spec(D),
        pl.BlockSpec((1, BLK, D), lambda i: (0, i, 0)),
        pl.BlockSpec((1, BLK, D), lambda i: (1, i, 0)),
        _row_spec(8),
        _row_spec(G),
        _const_spec((G, D)),
        _const_spec((D, 2 * D)), _const_spec((D, 2 * D)), _const_spec((D, 2 * D)),
        _const_spec((1, 2 * D)),
        _const_spec((2 * D, D)), _const_spec((1, D)),
        _const_spec((D, D)), _const_spec((1, D)),
        _const_spec((G, D)),
        _const_spec((D, 2)), _const_spec((D, 2)), _const_spec((1, 2)),
    ],
    out_specs=_const_spec((G, 2)),
    out_shape=jax.ShapeDtypeStruct((G, 2), jnp.float32),
    scratch_shapes=[pltpu.VMEM((G, D), jnp.float32)],
)
_head_call = pl.pallas_call(_head_body, **_HEAD_KW)


def kernel(features_list, edge_index, batch, xLx_batch, W1, b1, W2, b2, Wc, bc,
           W3, b3, W4, b4, W8, b8, W9, b9, W5, b5, W6, b6, W7, b7):
    f32 = jnp.float32
    x = jnp.zeros((NP, D), f32).at[:N].set(features_list)
    src = edge_index[0].astype(jnp.int32)
    dst = edge_index[1].astype(jnp.int32)
    npad = EPAD - E
    ar = jnp.arange(npad, dtype=jnp.int32)
    src_p = jnp.concatenate([src, ar % N]).reshape(NW, NCHUNK, CH)
    dst_p = jnp.concatenate([dst, N + (ar % (NP - N))]).reshape(NW, NCHUNK, CH)
    batch_p = jnp.concatenate(
        [batch.astype(jnp.int32), jnp.full((NP - N,), G, jnp.int32)])
    P = (batch_p[:, None] == jnp.arange(G, dtype=jnp.int32)[None, :]).astype(f32)
    A0 = jnp.concatenate([Wc[0, 0], Wc[1, 0]], axis=1)
    A1 = jnp.concatenate([Wc[0, 1], Wc[1, 1]], axis=1)
    A2 = jnp.concatenate([Wc[0, 2], Wc[1, 2]], axis=1)
    bcc = jnp.concatenate([bc[0], bc[1]])[None, :]

    ones2d = jnp.ones((CH, D), f32)
    deg_s = _degs_call()(ones2d, dst_p)
    h, ts, xl = _proa_call(
        x, W1, b1[None, :], W2, b2[None, :],
        xLx_batch, W8, b8[None, :], W9, b9[None, :],
        W5, b5[None, :], W6, b6[None, :])
    u0, dis = _prob_call(h, deg_s, deg_s)
    s1 = _prop_call()(u0, src_p, dst_p)
    tx1, u1 = _mid_call(s1, s1, dis)
    s2 = _prop_call()(u1, src_p, dst_p)
    out = _head_call(h, tx1, s2, s2, dis, P, ts,
                     A0, A1, A2, bcc, W3, b3[None, :], W4, b4[None, :],
                     xl, W7[:D], W7[D:], b7[None, :])
    return out

# --- scband reference (transcript-rebuilt; emitter-appended) ---
"""Pipeline reference for scband-enhanced-rqgnn-40948218200435 (READ-ONLY COPY).

The authoritative reference and input builder live on the scoring server;
editing this copy changes nothing except your own understanding.
"""

import jax, jax.numpy as jnp
import numpy as np

N = 10000
E = 320000
D = 128
H = 128
G = 64
WIDTH = 2
K = 3
NCLASS = 2

def _glorot(key, shape):
    lim = 1.0 / np.sqrt(shape[-2])
    return jax.random.uniform(key, shape, jnp.float32, -lim, lim)

def setup_inputs(seed: int = 0):
    key = jax.random.key(seed)
    ks = jax.random.split(key, 24)
    inp = {}
    inp["features_list"] = jax.random.normal(ks[0], (N, D), jnp.float32)
    inp["edge_index"] = jax.random.randint(ks[1], (2, E), 0, N)
    inp["batch"] = jnp.sort(jax.random.randint(ks[2], (N,), 0, G))
    inp["xLx_batch"] = jax.random.normal(ks[3], (G, D), jnp.float32)
    inp["W1"] = _glorot(ks[4], (D, D)); inp["b1"] = jnp.zeros((D,), jnp.float32)
    inp["W2"] = _glorot(ks[5], (D, D)); inp["b2"] = jnp.zeros((D,), jnp.float32)
    inp["Wc"] = _glorot(ks[6], (WIDTH, K, D, D))
    inp["bc"] = jnp.zeros((WIDTH, D), jnp.float32)
    inp["W3"] = _glorot(ks[7], (D * WIDTH, H)); inp["b3"] = jnp.zeros((H,), jnp.float32)
    inp["W4"] = _glorot(ks[8], (H, H)); inp["b4"] = jnp.zeros((H,), jnp.float32)
    inp["W8"] = _glorot(ks[9], (D, H)); inp["b8"] = jnp.zeros((H,), jnp.float32)
    inp["W9"] = _glorot(ks[10], (H, H)); inp["b9"] = jnp.zeros((H,), jnp.float32)
    inp["W5"] = _glorot(ks[11], (D, H)); inp["b5"] = jnp.zeros((H,), jnp.float32)
    inp["W6"] = _glorot(ks[12], (H, H)); inp["b6"] = jnp.zeros((H,), jnp.float32)
    inp["W7"] = _glorot(ks[13], (2 * H, NCLASS)); inp["b7"] = jnp.zeros((NCLASS,), jnp.float32)
    return inp

def reference(features_list, edge_index, batch, xLx_batch, W1, b1, W2, b2, Wc, bc, W3, b3, W4, b4, W8, b8, W9, b9, W5, b5, W6, b6, W7, b7):
    leaky = lambda v: jnp.where(v > 0, v, 0.01 * v)
    n = features_list.shape[0]
    g = xLx_batch.shape[0]
    h = leaky(features_list @ W1 + b1)
    residual = h
    h = leaky(h @ W2 + b2)
    h = h + residual
    src = edge_index[0]
    dst = edge_index[1]
    deg = jnp.zeros((n,), jnp.float32).at[dst].add(1.0)
    dis = jnp.where(deg > 0, 1.0 / jnp.sqrt(jnp.maximum(deg, 1e-12)), 0.0)
    norm = -(dis[src] * dis[dst])
    def prop(t):
        # scaled Laplacian L_hat = -D^{-1/2} A D^{-1/2} (lambda_max=2, sym norm)
        msg = t[src] * norm[:, None]
        return jnp.zeros_like(t).at[dst].add(msg)
    h_final = []
    for w in range(Wc.shape[0]):
        Tx0 = h
        out = Tx0 @ Wc[w, 0]
        Tx1 = prop(h)
        out = out + Tx1 @ Wc[w, 1]
        for kk in range(2, Wc.shape[1]):
            Tx2 = 2.0 * prop(Tx1) - Tx0
            out = out + Tx2 @ Wc[w, kk]
            Tx0, Tx1 = Tx1, Tx2
        out = out + bc[w]
        h_final.append(out)
    hf = jnp.concatenate(h_final, axis=-1)
    h = leaky(hf @ W3 + b3)
    h = leaky(h @ W4 + b4)
    ts = leaky(xLx_batch @ W8 + b8)
    ts = leaky(ts @ W9 + b9)
    # scores[node] = dot(h[node], tmpscores[graph_of(node)])  (per-graph loop in torch)
    scores = jnp.sum(h * ts[batch], axis=1, keepdims=True)
    # temp = (graphpool.T * scores).T ; h = temp @ h  == weighted sum-pool per graph
    hg = jax.ops.segment_sum(scores * h, batch, num_segments=G)
    xl = leaky((xLx_batch @ W5 + b5) @ W6 + b6)
    hcat = jnp.concatenate([hg, xl], axis=-1)
    # normalize=False -> no BatchNorm; dropout p=0 -> identity
    return hcat @ W7 + b7

if __name__ == "__main__":
    import jax
    _d = setup_inputs()
    print(jax.jit(kernel)(*tuple(_d.values())))

</pallas_src>

<mosaic_0001>
#map = affine_map<(d0, d1) -> (0, 0)>
#map1 = affine_map<(d0, d1) -> (0, 0, 0)>
module attributes {stable_mosaic.version = 14 : i64} {
  func.func @_degs_body(%arg0: i32, %arg1: i32, %arg2: memref<128x128xf32, #tpu.memory_space<hbm>>, %arg3: memref<32x80x128xi32, #tpu.memory_space<hbm>>, %arg4: memref<2x10240x128xf32, #tpu.memory_space<hbm>>, %arg5: memref<80x128xi32, #tpu.memory_space<vmem>>, %arg6: memref<128x128xf32, #tpu.memory_space<vmem>>, %arg7: memref<10240x128xf32, #tpu.memory_space<vmem_shared>>, %arg8: memref<!tpu.dma_semaphore, #tpu.memory_space<semaphore_mem>>) attributes {dimension_semantics = [#tpu.dimension_semantics<core_parallel>, #tpu.dimension_semantics<subcore_parallel>], iteration_bounds = array<i64: 2, 16>, scalar_prefetch = 0 : i64, scratch_operands = 4 : i64, tpu.core_type = #tpu.core_type<sc_vector_subcore>, window_params = [{transform_indices = #map}, {transform_indices = #map1}, {transform_indices = #map1}]} {
    %mul3A = arith.constant 2 : i32
    %mul3A_0 = arith.muli %arg1, %mul3A : i32
    %add3A = arith.addi %mul3A_0, %arg0 : i32
    %scan3A = arith.constant 0 : i32
    %scan3A_1 = arith.constant 0 : i32
    %scan3A_2 = arith.constant 128 : i32
    %scan3A_3 = arith.addi %scan3A_1, %scan3A_2 : i32
    %scan3A_4 = arith.constant 1 : i32
    %scan3A_5 = scf.for %scan3A_56 = %scan3A_1 to %scan3A_3 step %scan3A_4 iter_args(%scan3A_57 = %scan3A) -> (i32)  : i32 {
      %broadcast_in_dim3A = arith.constant 0.000000e+00 : f32
      %broadcast_in_dim3A_58 = vector.broadcast %broadcast_in_dim3A : f32 to vector<16xf32>
      %swap3A = arith.index_cast %scan3A_56 : i32 to index
      %swap3A_59 = arith.constant 0 : index
      %swap3A_60 = tpu.vector_load %arg6[%swap3A, %swap3A_59] {strides = array<i32>} : memref<128x128xf32, #tpu.memory_space<vmem>>, vector<1x16xf32>,
      %swap3A_61 = vector.shape_cast %swap3A_60 : vector<1x16xf32> to vector<16xf32>
      %swap3A_62 = vector.shape_cast %broadcast_in_dim3A_58 : vector<16xf32> to vector<1x16xf32>
      tpu.vector_store %arg6[%swap3A, %swap3A_59], %swap3A_62 {strides = array<i32>} : memref<128x128xf32, #tpu.memory_space<vmem>>, vector<1x16xf32>,
      %broadcast_in_dim3A_63 = arith.constant 0.000000e+00 : f32
      %broadcast_in_dim3A_64 = vector.broadcast %broadcast_in_dim3A_63 : f32 to vector<16xf32>
      %swap3A_65 = arith.index_cast %scan3A_56 : i32 to index
      %swap3A_66 = arith.constant 16 : index
      %swap3A_67 = tpu.vector_load %arg6[%swap3A_65, %swap3A_66] {strides = array<i32>} : memref<128x128xf32, #tpu.memory_space<vmem>>, vector<1x16xf32>,
      %swap3A_68 = vector.shape_cast %swap3A_67 : vector<1x16xf32> to vector<16xf32>
      %swap3A_69 = vector.shape_cast %broadcast_in_dim3A_64 : vector<16xf32> to vector<1x16xf32>
      tpu.vector_store %arg6[%swap3A_65, %swap3A_66], %swap3A_69 {strides = array<i32>} : memref<128x128xf32, #tpu.memory_space<vmem>>, vector<1x16xf32>,
      %broadcast_in_dim3A_70 = arith.constant 0.000000e+00 : f32
      %broadcast_in_dim3A_71 = vector.broadcast %broadcast_in_dim3A_70 : f32 to vector<16xf32>
      %swap3A_72 = arith.index_cast %scan3A_56 : i32 to index
      %swap3A_73 = arith.constant 32 : index
      %swap3A_74 = tpu.vector_load %arg6[%swap3A_72, %swap3A_73] {strides = array<i32>} : memref<128x128xf32, #tpu.memory_space<vmem>>, vector<1x16xf32>,
      %swap3A_75 = vector.shape_cast %swap3A_74 : vector<1x16xf32> to vector<16xf32>
      %swap3A_76 = vector.shape_cast %broadcast_in_dim3A_71 : vector<16xf32> to vector<1x16xf32>
      tpu.vector_store %arg6[%swap3A_72, %swap3A_73], %swap3A_76 {strides = array<i32>} : memref<128x128xf32, #tpu.memory_space<vmem>>, vector<1x16xf32>,
      %broadcast_in_dim3A_77 = arith.constant 0.000000e+00 : f32
      %broadcast_in_dim3A_78 = vector.broadcast %broadcast_in_dim3A_77 : f32 to vector<16xf32>
      %swap3A_79 = arith.index_cast %scan3A_56 : i32 to index
      %swap3A_80 = arith.constant 48 : index
      %swap3A_81 = tpu.vector_load %arg6[%swap3A_79, %swap3A_80] {strides = array<i32>} : memref<128x128xf32, #tpu.memory_space<vmem>>, vector<1x16xf32>,
      %swap3A_82 = vector.shape_cast %swap3A_81 : vector<1x16xf32> to vector<16xf32>
      %swap3A_83 = vector.shape_cast %broadcast_in_dim3A_78 : vector<16xf32> to vector<1x16xf32>
      tpu.vector_store %arg6[%swap3A_79, %swap3A_80], %swap3A_83 {strides = array<i32>} : memref<128x128xf32, #tpu.memory_space<vmem>>, vector<1x16xf32>,
      %broadcast_in_dim3A_84 = arith.constant 0.000000e+00 : f32
      %broadcast_in_dim3A_85 = vector.broadcast %broadcast_in_dim3A_84 : f32 to vector<16xf32>
      %swap3A_86 = arith.index_cast %scan3A_56 : i32 to index
      %swap3A_87 = arith.constant 64 : index
      %swap3A_88 = tpu.vector_load %arg6[%swap3A_86, %swap3A_87] {strides = array<i32>} : memref<128x128xf32, #tpu.memory_space<vmem>>, vector<1x16xf32>,
      %swap3A_89 = vector.shape_cast %swap3A_88 : vector<1x16xf32> to vector<16xf32>
      %swap3A_90 = vector.shape_cast %broadcast_in_dim3A_85 : vector<16xf32> to vector<1x16xf32>
      tpu.vector_store %arg6[%swap3A_86, %swap3A_87], %swap3A_90 {strides = array<i32>} : memref<128x128xf32, #tpu.memory_space<vmem>>, vector<1x16xf32>,
      %broadcast_in_dim3A_91 = arith.constant 0.000000e+00 : f32
      %broadcast_in_dim3A_92 = vector.broadcast %broadcast_in_dim3A_91 : f32 to vector<16xf32>
      %swap3A_93 = arith.index_cast %scan3A_56 : i32 to index
      %swap3A_94 = arith.constant 80 : index
      %swap3A_95 = tpu.vector_load %arg6[%swap3A_93, %swap3A_94] {strides = array<i32>} : memref<128x128xf32, #tpu.memory_space<vmem>>, vector<1x16xf32>,
      %swap3A_96 = vector.shape_cast %swap3A_95 : vector<1x16xf32> to vector<16xf32>
      %swap3A_97 = vector.shape_cast %broadcast_in_dim3A_92 : vector<16xf32> to vector<1x16xf32>
      tpu.vector_store %arg6[%swap3A_93, %swap3A_94], %swap3A_97 {strides = array<i32>} : memref<128x128xf32, #tpu.memory_space<vmem>>, vector<1x16xf32>,
      %broadcast_in_dim3A_98 = arith.constant 0.000000e+00 : f32
      %broadcast_in_dim3A_99 = vector.broadcast %broadcast_in_dim3A_98 : f32 to vector<16xf32>
      %swap3A_100 = arith.index_cast %scan3A_56 : i32 to index
      %swap3A_101 = arith.constant 96 : index
      %swap3A_102 = tpu.vector_load %arg6[%swap3A_100, %swap3A_101] {strides = array<i32>} : memref<128x128xf32, #tpu.memory_space<vmem>>, vector<1x16xf32>,
      %swap3A_103 = vector.shape_cast %swap3A_102 : vector<1x16xf32> to vector<16xf32>
      %swap3A_104 = vector.shape_cast %broadcast_in_dim3A_99 : vector<16xf32> to vector<1x16xf32>
      tpu.vector_store %arg6[%swap3A_100, %swap3A_101], %swap3A_104 {strides = array<i32>} : memref<128x128xf32, #tpu.memory_space<vmem>>, vector<1x16xf32>,
      %broadcast_in_dim3A_105 = arith.constant 0.000000e+00 : f32
      %broadcast_in_dim3A_106 = vector.broadcast %broadcast_in_dim3A_105 : f32 to vector<16xf32>
      %swap3A_107 = arith.index_cast %scan3A_56 : i32 to index
      %swap3A_108 = arith.constant 112 : index
      %swap3A_109 = tpu.vector_load %arg6[%swap3A_107, %swap3A_108] {strides = array<i32>} : memref<128x128xf32, #tpu.memory_space<vmem>>, vector<1x16xf32>,
      %swap3A_110 = vector.shape_cast %swap3A_109 : vector<1x16xf32> to vector<16xf32>
      %swap3A_111 = vector.shape_cast %broadcast_in_dim3A_106 : vector<16xf32> to vector<1x16xf32>
      tpu.vector_store %arg6[%swap3A_107, %swap3A_108], %swap3A_111 {strides = array<i32>} : memref<128x128xf32, #tpu.memory_space<vmem>>, vector<1x16xf32>,
      %scan3A_112 = arith.constant 0 : i32
      scf.yield %scan3A_112 : i32
    }
    %scan3A_6 = arith.constant 128 : i32
    %scan3A_7 = arith.constant 0 : i32
    %scan3A_8 = arith.constant 0 : i32
    %scan3A_9 = arith.constant 5 : i32
    %scan3A_10 = arith.addi %scan3A_8, %scan3A_9 : i32
    %scan3A_11 = arith.constant 1 : i32
    %scan3A_12 = scf.for %scan3A_56 = %scan3A_8 to %scan3A_10 step %scan3A_11 iter_args(%scan3A_57 = %scan3A_7) -> (i32)  : i32 {
      %mul3A_58 = arith.constant 640 : i32
      %mul3A_59 = arith.muli %arg1, %mul3A_58 : i32
      %mul3A_60 = arith.constant 128 : i32
      %mul3A_61 = arith.muli %scan3A_56, %mul3A_60 : i32
      %add3A_62 = arith.addi %mul3A_59, %mul3A_61 : i32
      "tpu.region"() ({
        %run_scoped3A = tpu.sem_alloc : memref<!tpu.dma_semaphore, #tpu.memory_space<semaphore_mem>>
        %dma_start3A = arith.constant 0 : i32
        %dma_start3A_64 = tpu.memref_slice %arg7[%add3A_62, %dma_start3A] : memref<10240x128xf32, #tpu.memory_space<vmem_shared>> -> memref<128x128xf32, #tpu.memory_space<vmem_shared>>
        %dma_start3A_65 = arith.constant 0 : i32
        %dma_start3A_66 = tpu.memref_slice %arg7[%add3A_62, %dma_start3A_65] : memref<10240x128xf32, #tpu.memory_space<vmem_shared>> -> memref<128x128xf32, #tpu.memory_space<vmem_shared>>
        tpu.enqueue_dma source(%arg6 : memref<128x128xf32, #tpu.memory_space<vmem>>) target(%dma_start3A_66 : memref<128x128xf32, #tpu.memory_space<vmem_shared>>) target_semaphore(%run_scoped3A : memref<!tpu.dma_semaphore, #tpu.memory_space<semaphore_mem>>)
        %dma_wait3A_67 = arith.constant 0 : i32
        %dma_wait3A_68 = tpu.memref_slice %arg7[%add3A_62, %dma_wait3A_67] : memref<10240x128xf32, #tpu.memory_space<vmem_shared>> -> memref<128x128xf32, #tpu.memory_space<vmem_shared>>
        %dma_wait3A_69 = arith.constant 0 : i32
        %dma_wait3A_70 = tpu.memref_slice %arg7[%add3A_62, %dma_wait3A_69] : memref<10240x128xf32, #tpu.memory_space<vmem_shared>> -> memref<128x128xf32, #tpu.memory_space<vmem_shared>>
        tpu.wait_dma2 semaphore(%run_scoped3A : memref<!tpu.dma_semaphore, #tpu.memory_space<semaphore_mem>>) src(%arg6 : memref<128x128xf32, #tpu.memory_space<vmem>>) dst(%dma_wait3A_70 : memref<128x128xf32, #tpu.memory_space<vmem_shared>>)
        tpu.yield
      }) : () -> ()
      %scan3A_63 = arith.constant 0 : i32
      scf.yield %scan3A_63 : i32
    }
    %scan3A_13 = arith.constant 5 : i32
    "tpu.region"() ({
      %run_scoped3A = tpu.sem_alloc : memref<!tpu.dma_semaphore, #tpu.memory_space<semaphore_mem>>
      tpu.enqueue_dma source(%arg2 : memref<128x128xf32, #tpu.memory_space<hbm>>) target(%arg6 : memref<128x128xf32, #tpu.memory_space<vmem>>) target_semaphore(%run_scoped3A : memref<!tpu.dma_semaphore, #tpu.memory_space<semaphore_mem>>)
      tpu.wait_dma2 semaphore(%run_scoped3A : memref<!tpu.dma_semaphore, #tpu.memory_space<semaphore_mem>>) src(%arg2 : memref<128x128xf32, #tpu.memory_space<hbm>>) dst(%arg6 : memref<128x128xf32, #tpu.memory_space<vmem>>)
      tpu.yield
    }) : () -> ()
    "tpu.region"() ({
      %run_scoped3A = tpu.sem_alloc : memref<!tpu.dma_semaphore, #tpu.memory_space<semaphore_mem>>
      %dma_start3A = arith.constant 0 : i32
      %dma_start3A_56 = arith.constant 0 : i32
      %dma_start3A_57 = tpu.memref_slice %arg3[%add3A, %dma_start3A, %dma_start3A_56] : memref<32x80x128xi32, #tpu.memory_space<hbm>> -> memref<1x80x128xi32, #tpu.memory_space<hbm>>
      %dma_start3A_58 = tpu.memref_squeeze %dma_start3A_57 : memref<1x80x128xi32, #tpu.memory_space<hbm>> -> memref<80x128xi32, #tpu.memory_space<hbm>>
      %dma_start3A_59 = arith.constant 0 : i32
      %dma_start3A_60 = arith.constant 0 : i32
      %dma_start3A_61 = tpu.memref_slice %arg3[%add3A, %dma_start3A_59, %dma_start3A_60] : memref<32x80x128xi32, #tpu.memory_space<hbm>> -> memref<1x80x128xi32, #tpu.memory_space<hbm>>
      %dma_start3A_62 = tpu.memref_squeeze %dma_start3A_61 : memref<1x80x128xi32, #tpu.memory_space<hbm>> -> memref<80x128xi32, #tpu.memory_space<hbm>>
      tpu.enqueue_dma source(%dma_start3A_62 : memref<80x128xi32, #tpu.memory_space<hbm>>) target(%arg5 : memref<80x128xi32, #tpu.memory_space<vmem>>) target_semaphore(%run_scoped3A : memref<!tpu.dma_semaphore, #tpu.memory_space<semaphore_mem>>)
      %dma_wait3A_63 = arith.constant 0 : i32
      %dma_wait3A_64 = arith.constant 0 : i32
      %dma_wait3A_65 = tpu.memref_slice %arg3[%add3A, %dma_wait3A_63, %dma_wait3A_64] : memref<32x80x128xi32, #tpu.memory_space<hbm>> -> memref<1x80x128xi32, #tpu.memory_space<hbm>>
      %dma_wait3A_66 = tpu.memref_squeeze %dma_wait3A_65 : memref<1x80x128xi32, #tpu.memory_space<hbm>> -> memref<80x128xi32, #tpu.memory_space<hbm>>
      %dma_wait3A_67 = arith.constant 0 : i32
      %dma_wait3A_68 = arith.constant 0 : i32
      %dma_wait3A_69 = tpu.memref_slice %arg3[%add3A, %dma_wait3A_67, %dma_wait3A_68] : memref<32x80x128xi32, #tpu.memory_space<hbm>> -> memref<1x80x128xi32, #tpu.memory_space<hbm>>
      %dma_wait3A_70 = tpu.memref_squeeze %dma_wait3A_69 : memref<1x80x128xi32, #tpu.memory_space<hbm>> -> memref<80x128xi32, #tpu.memory_space<hbm>>
      tpu.wait_dma2 semaphore(%run_scoped3A : memref<!tpu.dma_semaphore, #tpu.memory_space<semaphore_mem>>) src(%dma_wait3A_70 : memref<80x128xi32, #tpu.memory_space<hbm>>) dst(%arg5 : memref<80x128xi32, #tpu.memory_space<vmem>>)
      tpu.yield
    }) : () -> ()
    %barrier3A = arith.constant 0 : index
    tpu.barrier barrier_id(%barrier3A)
    %scan3A_14 = arith.constant 0 : i32
    %scan3A_15 = arith.constant 0 : i32
    %scan3A_16 = arith.constant 80 : i32
    %scan3A_17 = arith.addi %scan3A_15, %scan3A_16 : i32
    %scan3A_18 = arith.constant 1 : i32
    %scan3A_19 = scf.for %scan3A_56 = %scan3A_15 to %scan3A_17 step %scan3A_18 iter_args(%scan3A_57 = %scan3A_14) -> (i32)  : i32 {
      %dma_start3A = arith.constant 0 : i32
      %dma_start3A_58 = tpu.memref_slice %arg5[%scan3A_56, %dma_start3A] : memref<80x128xi32, #tpu.memory_space<vmem>> -> memref<1x128xi32, #tpu.memory_space<vmem>>
      %dma_start3A_59 = tpu.memref_squeeze %dma_start3A_58 : memref<1x128xi32, #tpu.memory_space<vmem>> -> memref<128xi32, #tpu.memory_space<vmem>>
      %dma_start3A_60 = arith.constant 0 : i32
      %dma_start3A_61 = arith.constant 0 : i32
      %dma_start3A_62 = tpu.memref_slice %arg7[%dma_start3A_60, %dma_start3A_61] : memref<10240x128xf32, #tpu.memory_space<vmem_shared>> -> memref<10240x128xf32, #tpu.memory_space<vmem_shared>>
      tpu.enqueue_indirect_dma source(%arg6 : memref<128x128xf32, #tpu.memory_space<vmem>>) target(%dma_start3A_62 : memref<10240x128xf32, #tpu.memory_space<vmem_shared>>) offsets(%dma_start3A_59 : memref<128xi32, #tpu.memory_space<vmem>>) semaphore(%arg8 : memref<!tpu.dma_semaphore, #tpu.memory_space<semaphore_mem>>) {add = true}
      %ge3A = arith.constant 4 : i32
      %ge3A_63 = arith.cmpi sge, %scan3A_56, %ge3A : i32
      %convert_element_type3A = arith.extui %ge3A_63 : i1 to i32
      %cond3A = arith.constant 0 : i32
      %cond3A_64 = arith.cmpi ne, %convert_element_type3A, %cond3A : i32
      scf.if %cond3A_64 {
        %sub3A = arith.constant 4 : i32
        %sub3A_66 = arith.subi %scan3A_56, %sub3A : i32
        %dma_wait3A_67 = arith.constant 0 : i32
        %dma_wait3A_68 = tpu.memref_slice %arg5[%sub3A_66, %dma_wait3A_67] : memref<80x128xi32, #tpu.memory_space<vmem>> -> memref<1x128xi32, #tpu.memory_space<vmem>>
        %dma_wait3A_69 = tpu.memref_squeeze %dma_wait3A_68 : memref<1x128xi32, #tpu.memory_space<vmem>> -> memref<128xi32, #tpu.memory_space<vmem>>
        %dma_wait3A_70 = arith.constant 0 : i32
        %dma_wait3A_71 = arith.constant 0 : i32
        %dma_wait3A_72 = tpu.memref_slice %arg7[%dma_wait3A_70, %dma_wait3A_71] : memref<10240x128xf32, #tpu.memory_space<vmem_shared>> -> memref<10240x128xf32, #tpu.memory_space<vmem_shared>>
        tpu.wait_indirect_dma semaphore(%arg8 : memref<!tpu.dma_semaphore, #tpu.memory_space<semaphore_mem>>) src(%arg6 : memref<128x128xf32, #tpu.memory_space<vmem>>) dst(%dma_wait3A_72 : memref<10240x128xf32, #tpu.memory_space<vmem_shared>>)
      } else {
      }
      %scan3A_65 = arith.constant 0 : i32
      scf.yield %scan3A_65 : i32
    }
    %scan3A_20 = arith.constant 80 : i32
    %dma_wait3A = arith.constant 76 : i32
    %dma_wait3A_21 = arith.constant 0 : i32
    %dma_wait3A_22 = tpu.memref_slice %arg5[%dma_wait3A, %dma_wait3A_21] : memref<80x128xi32, #tpu.memory_space<vmem>> -> memref<1x128xi32, #tpu.memory_space<vmem>>
    %dma_wait3A_23 = tpu.memref_squeeze %dma_wait3A_22 : memref<1x128xi32, #tpu.memory_space<vmem>> -> memref<128xi32, #tpu.memory_space<vmem>>
    %dma_wait3A_24 = arith.constant 0 : i32
    %dma_wait3A_25 = arith.constant 0 : i32
    %dma_wait3A_26 = tpu.memref_slice %arg7[%dma_wait3A_24, %dma_wait3A_25] : memref<10240x128xf32, #tpu.memory_space<vmem_shared>> -> memref<10240x128xf32, #tpu.memory_space<vmem_shared>>
    tpu.wait_indirect_dma semaphore(%arg8 : memref<!tpu.dma_semaphore, #tpu.memory_space<semaphore_mem>>) src(%arg6 : memref<128x128xf32, #tpu.memory_space<vmem>>) dst(%dma_wait3A_26 : memref<10240x128xf32, #tpu.memory_space<vmem_shared>>)
    %dma_wait3A_27 = arith.constant 77 : i32
    %dma_wait3A_28 = arith.constant 0 : i32
    %dma_wait3A_29 = tpu.memref_slice %arg5[%dma_wait3A_27, %dma_wait3A_28] : memref<80x128xi32, #tpu.memory_space<vmem>> -> memref<1x128xi32, #tpu.memory_space<vmem>>
    %dma_wait3A_30 = tpu.memref_squeeze %dma_wait3A_29 : memref<1x128xi32, #tpu.memory_space<vmem>> -> memref<128xi32, #tpu.memory_space<vmem>>
    %dma_wait3A_31 = arith.constant 0 : i32
    %dma_wait3A_32 = arith.constant 0 : i32
    %dma_wait3A_33 = tpu.memref_slice %arg7[%dma_wait3A_31, %dma_wait3A_32] : memref<10240x128xf32, #tpu.memory_space<vmem_shared>> -> memref<10240x128xf32, #tpu.memory_space<vmem_shared>>
    tpu.wait_indirect_dma semaphore(%arg8 : memref<!tpu.dma_semaphore, #tpu.memory_space<semaphore_mem>>) src(%arg6 : memref<128x128xf32, #tpu.memory_space<vmem>>) dst(%dma_wait3A_33 : memref<10240x128xf32, #tpu.memory_space<vmem_shared>>)
    %dma_wait3A_34 = arith.constant 78 : i32
    %dma_wait3A_35 = arith.constant 0 : i32
    %dma_wait3A_36 = tpu.memref_slice %arg5[%dma_wait3A_34, %dma_wait3A_35] : memref<80x128xi32, #tpu.memory_space<vmem>> -> memref<1x128xi32, #tpu.memory_space<vmem>>
    %dma_wait3A_37 = tpu.memref_squeeze %dma_wait3A_36 : memref<1x128xi32, #tpu.memory_space<vmem>> -> memref<128xi32, #tpu.memory_space<vmem>>
    %dma_wait3A_38 = arith.constant 0 : i32
    %dma_wait3A_39 = arith.constant 0 : i32
    %dma_wait3A_40 = tpu.memref_slice %arg7[%dma_wait3A_38, %dma_wait3A_39] : memref<10240x128xf32, #tpu.memory_space<vmem_shared>> -> memref<10240x128xf32, #tpu.memory_space<vmem_shared>>
    tpu.wait_indirect_dma semaphore(%arg8 : memref<!tpu.dma_semaphore, #tpu.memory_space<semaphore_mem>>) src(%arg6 : memref<128x128xf32, #tpu.memory_space<vmem>>) dst(%dma_wait3A_40 : memref<10240x128xf32, #tpu.memory_space<vmem_shared>>)
    %dma_wait3A_41 = arith.constant 79 : i32
    %dma_wait3A_42 = arith.constant 0 : i32
    %dma_wait3A_43 = tpu.memref_slice %arg5[%dma_wait3A_41, %dma_wait3A_42] : memref<80x128xi32, #tpu.memory_space<vmem>> -> memref<1x128xi32, #tpu.memory_space<vmem>>
    %dma_wait3A_44 = tpu.memref_squeeze %dma_wait3A_43 : memref<1x128xi32, #tpu.memory_space<vmem>> -> memref<128xi32, #tpu.memory_space<vmem>>
    %dma_wait3A_45 = arith.constant 0 : i32
    %dma_wait3A_46 = arith.constant 0 : i32
    %dma_wait3A_47 = tpu.memref_slice %arg7[%dma_wait3A_45, %dma_wait3A_46] : memref<10240x128xf32, #tpu.memory_space<vmem_shared>> -> memref<10240x128xf32, #tpu.memory_space<vmem_shared>>
    tpu.wait_indirect_dma semaphore(%arg8 : memref<!tpu.dma_semaphore, #tpu.memory_space<semaphore_mem>>) src(%arg6 : memref<128x128xf32, #tpu.memory_space<vmem>>) dst(%dma_wait3A_47 : memref<10240x128xf32, #tpu.memory_space<vmem_shared>>)
    %barrier3A_48 = arith.constant 0 : index
    tpu.barrier barrier_id(%barrier3A_48)
    %scan3A_49 = arith.constant 0 : i32
    %scan3A_50 = arith.constant 0 : i32
    %scan3A_51 = arith.constant 5 : i32
    %scan3A_52 = arith.addi %scan3A_50, %scan3A_51 : i32
    %scan3A_53 = arith.constant 1 : i32
    %scan3A_54 = scf.for %scan3A_56 = %scan3A_50 to %scan3A_52 step %scan3A_53 iter_args(%scan3A_57 = %scan3A_49) -> (i32)  : i32 {
      %mul3A_58 = arith.constant 640 : i32
      %mul3A_59 = arith.muli %arg1, %mul3A_58 : i32
      %mul3A_60 = arith.constant 128 : i32
      %mul3A_61 = arith.muli %scan3A_56, %mul3A_60 : i32
      %add3A_62 = arith.addi %mul3A_59, %mul3A_61 : i32
      "tpu.region"() ({
        %run_scoped3A = tpu.sem_alloc : memref<!tpu.dma_semaphore, #tpu.memory_space<semaphore_mem>>
        %dma_start3A = arith.constant 0 : i32
        %dma_start3A_64 = tpu.memref_slice %arg7[%add3A_62, %dma_start3A] : memref<10240x128xf32, #tpu.memory_space<vmem_shared>> -> memref<128x128xf32, #tpu.memory_space<vmem_shared>>
        %dma_start3A_65 = arith.constant 0 : i32
        %dma_start3A_66 = tpu.memref_slice %arg7[%add3A_62, %dma_start3A_65] : memref<10240x128xf32, #tpu.memory_space<vmem_shared>> -> memref<128x128xf32, #tpu.memory_space<vmem_shared>>
        tpu.enqueue_dma source(%dma_start3A_66 : memref<128x128xf32, #tpu.memory_space<vmem_shared>>) target(%arg6 : memref<128x128xf32, #tpu.memory_space<vmem>>) target_semaphore(%run_scoped3A : memref<!tpu.dma_semaphore, #tpu.memory_space<semaphore_mem>>)
        %dma_wait3A_67 = arith.constant 0 : i32
        %dma_wait3A_68 = tpu.memref_slice %arg7[%add3A_62, %dma_wait3A_67] : memref<10240x128xf32, #tpu.memory_space<vmem_shared>> -> memref<128x128xf32, #tpu.memory_space<vmem_shared>>
        %dma_wait3A_69 = arith.constant 0 : i32
        %dma_wait3A_70 = tpu.memref_slice %arg7[%add3A_62, %dma_wait3A_69] : memref<10240x128xf32, #tpu.memory_space<vmem_shared>> -> memref<128x128xf32, #tpu.memory_space<vmem_shared>>
        tpu.wait_dma2 semaphore(%run_scoped3A : memref<!tpu.dma_semaphore, #tpu.memory_space<semaphore_mem>>) src(%dma_wait3A_70 : memref<128x128xf32, #tpu.memory_space<vmem_shared>>) dst(%arg6 : memref<128x128xf32, #tpu.memory_space<vmem>>)
        tpu.yield
      }) : () -> ()
      "tpu.region"() ({
        %run_scoped3A = tpu.sem_alloc : memref<!tpu.dma_semaphore, #tpu.memory_space<semaphore_mem>>
        %dma_start3A = arith.constant 0 : i32
        %dma_start3A_64 = tpu.memref_slice %arg4[%arg0, %add3A_62, %dma_start3A] : memref<2x10240x128xf32, #tpu.memory_space<hbm>> -> memref<1x128x128xf32, #tpu.memory_space<hbm>>
        %dma_start3A_65 = tpu.memref_squeeze %dma_start3A_64 : memref<1x128x128xf32, #tpu.memory_space<hbm>> -> memref<128x128xf32, #tpu.memory_space<hbm>>
        %dma_start3A_66 = arith.constant 0 : i32
        %dma_start3A_67 = tpu.memref_slice %arg4[%arg0, %add3A_62, %dma_start3A_66] : memref<2x10240x128xf32, #tpu.memory_space<hbm>> -> memref<1x128x128xf32, #tpu.memory_space<hbm>>
        %dma_start3A_68 = tpu.memref_squeeze %dma_start3A_67 : memref<1x128x128xf32, #tpu.memory_space<hbm>> -> memref<128x128xf32, #tpu.memory_space<hbm>>
        tpu.enqueue_dma source(%arg6 : memref<128x128xf32, #tpu.memory_space<vmem>>) target(%dma_start3A_68 : memref<128x128xf32, #tpu.memory_space<hbm>>) target_semaphore(%run_scoped3A : memref<!tpu.dma_semaphore, #tpu.memory_space<semaphore_mem>>)
        %dma_wait3A_69 = arith.constant 0 : i32
        %dma_wait3A_70 = tpu.memref_slice %arg4[%arg0, %add3A_62, %dma_wait3A_69] : memref<2x10240x128xf32, #tpu.memory_space<hbm>> -> memref<1x128x128xf32, #tpu.memory_space<hbm>>
        %dma_wait3A_71 = tpu.memref_squeeze %dma_wait3A_70 : memref<1x128x128xf32, #tpu.memory_space<hbm>> -> memref<128x128xf32, #tpu.memory_space<hbm>>
        %dma_wait3A_72 = arith.constant 0 : i32
        %dma_wait3A_73 = tpu.memref_slice %arg4[%arg0, %add3A_62, %dma_wait3A_72] : memref<2x10240x128xf32, #tpu.memory_space<hbm>> -> memref<1x128x128xf32, #tpu.memory_space<hbm>>
        %dma_wait3A_74 = tpu.memref_squeeze %dma_wait3A_73 : memref<1x128x128xf32, #tpu.memory_space<hbm>> -> memref<128x128xf32, #tpu.memory_space<hbm>>
        tpu.wait_dma2 semaphore(%run_scoped3A : memref<!tpu.dma_semaphore, #tpu.memory_space<semaphore_mem>>) src(%arg6 : memref<128x128xf32, #tpu.memory_space<vmem>>) dst(%dma_wait3A_74 : memref<128x128xf32, #tpu.memory_space<hbm>>)
        tpu.yield
      }) : () -> ()
      %scan3A_63 = arith.constant 0 : i32
      scf.yield %scan3A_63 : i32
    }
    %scan3A_55 = arith.constant 5 : i32
    return
  }
}

#map = affine_map<(d0, d1) -> (0, 0)>
#map1 = affine_map<(d0, d1) -> (0, 0, 0)>
module attributes {stable_mosaic.version = 14 : i64} {
  func.func @_prop_body(%arg0: i32, %arg1: i32, %arg2: memref<10240x128xf32, #tpu.memory_space<hbm>>, %arg3: memref<32x80x128xi32, #tpu.memory_space<hbm>>, %arg4: memref<32x80x128xi32, #tpu.memory_space<hbm>>, %arg5: memref<2x10240x128xf32, #tpu.memory_space<hbm>>, %arg6: memref<40x128xi32, #tpu.memory_space<vmem>>, %arg7: memref<40x128xi32, #tpu.memory_space<vmem>>, %arg8: memref<2x128x128xf32, #tpu.memory_space<vmem>>, %arg9: memref<10240x128xf32, #tpu.memory_space<vmem_shared>>, %arg10: memref<!tpu.dma_semaphore, #tpu.memory_space<semaphore_mem>>) attributes {dimension_semantics = [#tpu.dimension_semantics<core_parallel>, #tpu.dimension_semantics<subcore_parallel>], iteration_bounds = array<i64: 2, 16>, scalar_prefetch = 0 : i64, scratch_operands = 5 : i64, tpu.core_type = #tpu.core_type<sc_vector_subcore>, window_params = [{transform_indices = #map}, {transform_indices = #map1}, {transform_indices = #map1}, {transform_indices = #map1}]} {
    %mul3A = arith.constant 2 : i32
    %mul3A_0 = arith.muli %arg1, %mul3A : i32
    %add3A = arith.addi %mul3A_0, %arg0 : i32
    %scan3A = arith.constant 0 : i32
    %scan3A_1 = arith.constant 0 : i32
    %scan3A_2 = arith.constant 0 : i32
    %scan3A_3 = arith.constant 128 : i32
    %scan3A_4 = arith.addi %scan3A_2, %scan3A_3 : i32
    %scan3A_5 = arith.constant 1 : i32
    %scan3A_6 = scf.for %scan3A_62 = %scan3A_2 to %scan3A_4 step %scan3A_5 iter_args(%scan3A_63 = %scan3A_1) -> (i32)  : i32 {
      %broadcast_in_dim3A = arith.constant 0.000000e+00 : f32
      %broadcast_in_dim3A_64 = vector.broadcast %broadcast_in_dim3A : f32 to vector<16xf32>
      %swap3A = arith.constant 0 : i32
      %swap3A_65 = arith.constant 0 : i32
      %swap3A_66 = tpu.memref_slice %arg8[%scan3A, %swap3A, %swap3A_65] : memref<2x128x128xf32, #tpu.memory_space<vmem>> -> memref<1x128x128xf32, #tpu.memory_space<vmem>>
      %swap3A_67 = tpu.memref_squeeze %swap3A_66 : memref<1x128x128xf32, #tpu.memory_space<vmem>> -> memref<128x128xf32, #tpu.memory_space<vmem>>
      %swap3A_68 = arith.index_cast %scan3A_62 : i32 to index
      %swap3A_69 = arith.constant 0 : index
      %swap3A_70 = tpu.vector_load %swap3A_67[%swap3A_68, %swap3A_69] {strides = array<i32>} : memref<128x128xf32, #tpu.memory_space<vmem>>, vector<1x16xf32>,
      %swap3A_71 = vector.shape_cast %swap3A_70 : vector<1x16xf32> to vector<16xf32>
      %swap3A_72 = vector.shape_cast %broadcast_in_dim3A_64 : vector<16xf32> to vector<1x16xf32>
      tpu.vector_store %swap3A_67[%swap3A_68, %swap3A_69], %swap3A_72 {strides = array<i32>} : memref<128x128xf32, #tpu.memory_space<vmem>>, vector<1x16xf32>,
      %broadcast_in_dim3A_73 = arith.constant 0.000000e+00 : f32
      %broadcast_in_dim3A_74 = vector.broadcast %broadcast_in_dim3A_73 : f32 to vector<16xf32>
      %swap3A_75 = arith.constant 0 : i32
      %swap3A_76 = arith.constant 0 : i32
      %swap3A_77 = tpu.memref_slice %arg8[%scan3A, %swap3A_75, %swap3A_76] : memref<2x128x128xf32, #tpu.memory_space<vmem>> -> memref<1x128x128xf32, #tpu.memory_space<vmem>>
      %swap3A_78 = tpu.memref_squeeze %swap3A_77 : memref<1x128x128xf32, #tpu.memory_space<vmem>> -> memref<128x128xf32, #tpu.memory_space<vmem>>
      %swap3A_79 = arith.index_cast %scan3A_62 : i32 to index
      %swap3A_80 = arith.constant 16 : index
      %swap3A_81 = tpu.vector_load %swap3A_78[%swap3A_79, %swap3A_80] {strides = array<i32>} : memref<128x128xf32, #tpu.memory_space<vmem>>, vector<1x16xf32>,
      %swap3A_82 = vector.shape_cast %swap3A_81 : vector<1x16xf32> to vector<16xf32>
      %swap3A_83 = vector.shape_cast %broadcast_in_dim3A_74 : vector<16xf32> to vector<1x16xf32>
      tpu.vector_store %swap3A_78[%swap3A_79, %swap3A_80], %swap3A_83 {strides = array<i32>} : memref<128x128xf32, #tpu.memory_space<vmem>>, vector<1x16xf32>,
      %broadcast_in_dim3A_84 = arith.constant 0.000000e+00 : f32
      %broadcast_in_dim3A_85 = vector.broadcast %broadcast_in_dim3A_84 : f32 to vector<16xf32>
      %swap3A_86 = arith.constant 0 : i32
      %swap3A_87 = arith.constant 0 : i32
      %swap3A_88 = tpu.memref_slice %arg8[%scan3A, %swap3A_86, %swap3A_87] : memref<2x128x128xf32, #tpu.memory_space<vmem>> -> memref<1x128x128xf32, #tpu.memory_space<vmem>>
      %swap3A_89 = tpu.memref_squeeze %swap3A_88 : memref<1x128x128xf32, #tpu.memory_space<vmem>> -> memref<128x128xf32, #tpu.memory_space<vmem>>
      %swap3A_90 = arith.index_cast %scan3A_62 : i32 to index
      %swap3A_91 = arith.constant 32 : index
      %swap3A_92 = tpu.vector_load %swap3A_89[%swap3A_90, %swap3A_91] {strides = array<i32>} : memref<128x128xf32, #tpu.memory_space<vmem>>, vector<1x16xf32>,
      %swap3A_93 = vector.shape_cast %swap3A_92 : vector<1x16xf32> to vector<16xf32>
      %swap3A_94 = vector.shape_cast %broadcast_in_dim3A_85 : vector<16xf32> to vector<1x16xf32>
      tpu.vector_store %swap3A_89[%swap3A_90, %swap3A_91], %swap3A_94 {strides = array<i32>} : memref<128x128xf32, #tpu.memory_space<vmem>>, vector<1x16xf32>,
      %broadcast_in_dim3A_95 = arith.constant 0.000000e+00 : f32
      %broadcast_in_dim3A_96 = vector.broadcast %broadcast_in_dim3A_95 : f32 to vector<16xf32>
      %swap3A_97 = arith.constant 0 : i32
      %swap3A_98 = arith.constant 0 : i32
      %swap3A_99 = tpu.memref_slice %arg8[%scan3A, %swap3A_97, %swap3A_98] : memref<2x128x128xf32, #tpu.memory_space<vmem>> -> memref<1x128x128xf32, #tpu.memory_space<vmem>>
      %swap3A_100 = tpu.memref_squeeze %swap3A_99 : memref<1x128x128xf32, #tpu.memory_space<vmem>> -> memref<128x128xf32, #tpu.memory_space<vmem>>
      %swap3A_101 = arith.index_cast %scan3A_62 : i32 to index
      %swap3A_102 = arith.constant 48 : index
      %swap3A_103 = tpu.vector_load %swap3A_100[%swap3A_101, %swap3A_102] {strides = array<i32>} : memref<128x128xf32, #tpu.memory_space<vmem>>, vector<1x16xf32>,
      %swap3A_104 = vector.shape_cast %swap3A_103 : vector<1x16xf32> to vector<16xf32>
      %swap3A_105 = vector.shape_cast %broadcast_in_dim3A_96 : vector<16xf32> to vector<1x16xf32>
      tpu.vector_store %swap3A_100[%swap3A_101, %swap3A_102], %swap3A_105 {strides = array<i32>} : memref<128x128xf32, #tpu.memory_space<vmem>>, vector<1x16xf32>,
      %broadcast_in_dim3A_106 = arith.constant 0.000000e+00 : f32
      %broadcast_in_dim3A_107 = vector.broadcast %broadcast_in_dim3A_106 : f32 to vector<16xf32>
      %swap3A_108 = arith.constant 0 : i32
      %swap3A_109 = arith.constant 0 : i32
      %swap3A_110 = tpu.memref_slice %arg8[%scan3A, %swap3A_108, %swap3A_109] : memref<2x128x128xf32, #tpu.memory_space<vmem>> -> memref<1x128x128xf32, #tpu.memory_space<vmem>>
      %swap3A_111 = tpu.memref_squeeze %swap3A_110 : memref<1x128x128xf32, #tpu.memory_space<vmem>> -> memref<128x128xf32, #tpu.memory_space<vmem>>
      %swap3A_112 = arith.index_cast %scan3A_62 : i32 to index
      %swap3A_113 = arith.constant 64 : index
      %swap3A_114 = tpu.vector_load %swap3A_111[%swap3A_112, %swap3A_113] {strides = array<i32>} : memref<128x128xf32, #tpu.memory_space<vmem>>, vector<1x16xf32>,
      %swap3A_115 = vector.shape_cast %swap3A_114 : vector<1x16xf32> to vector<16xf32>
      %swap3A_116 = vector.shape_cast %broadcast_in_dim3A_107 : vector<16xf32> to vector<1x16xf32>
      tpu.vector_store %swap3A_111[%swap3A_112, %swap3A_113], %swap3A_116 {strides = array<i32>} : memref<128x128xf32, #tpu.memory_space<vmem>>, vector<1x16xf32>,
      %broadcast_in_dim3A_117 = arith.constant 0.000000e+00 : f32
      %broadcast_in_dim3A_118 = vector.broadcast %broadcast_in_dim3A_117 : f32 to vector<16xf32>
      %swap3A_119 = arith.constant 0 : i32
      %swap3A_120 = arith.constant 0 : i32
      %swap3A_121 = tpu.memref_slice %arg8[%scan3A, %swap3A_119, %swap3A_120] : memref<2x128x128xf32, #tpu.memory_space<vmem>> -> memref<1x128x128xf32, #tpu.memory_space<vmem>>
      %swap3A_122 = tpu.memref_squeeze %swap3A_121 : memref<1x128x128xf32, #tpu.memory_space<vmem>> -> memref<128x128xf32, #tpu.memory_space<vmem>>
      %swap3A_123 = arith.index_cast %scan3A_62 : i32 to index
      %swap3A_124 = arith.constant 80 : index
      %swap3A_125 = tpu.vector_load %swap3A_122[%swap3A_123, %swap3A_124] {strides = array<i32>} : memref<128x128xf32, #tpu.memory_space<vmem>>, vector<1x16xf32>,
      %swap3A_126 = vector.shape_cast %swap3A_125 : vector<1x16xf32> to vector<16xf32>
      %swap3A_127 = vector.shape_cast %broadcast_in_dim3A_118 : vector<16xf32> to vector<1x16xf32>
      tpu.vector_store %swap3A_122[%swap3A_123, %swap3A_124], %swap3A_127 {strides = array<i32>} : memref<128x128xf32, #tpu.memory_space<vmem>>, vector<1x16xf32>,
      %broadcast_in_dim3A_128 = arith.constant 0.000000e+00 : f32
      %broadcast_in_dim3A_129 = vector.broadcast %broadcast_in_dim3A_128 : f32 to vector<16xf32>
      %swap3A_130 = arith.constant 0 : i32
      %swap3A_131 = arith.constant 0 : i32
      %swap3A_132 = tpu.memref_slice %arg8[%scan3A, %swap3A_130, %swap3A_131] : memref<2x128x128xf32, #tpu.memory_space<vmem>> -> memref<1x128x128xf32, #tpu.memory_space<vmem>>
      %swap3A_133 = tpu.memref_squeeze %swap3A_132 : memref<1x128x128xf32, #tpu.memory_space<vmem>> -> memref<128x128xf32, #tpu.memory_space<vmem>>
      %swap3A_134 = arith.index_cast %scan3A_62 : i32 to index
      %swap3A_135 = arith.constant 96 : index
      %swap3A_136 = tpu.vector_load %swap3A_133[%swap3A_134, %swap3A_135] {strides = array<i32>} : memref<128x128xf32, #tpu.memory_space<vmem>>, vector<1x16xf32>,
      %swap3A_137 = vector.shape_cast %swap3A_136 : vector<1x16xf32> to vector<16xf32>
      %swap3A_138 = vector.shape_cast %broadcast_in_dim3A_129 : vector<16xf32> to vector<1x16xf32>
      tpu.vector_store %swap3A_133[%swap3A_134, %swap3A_135], %swap3A_138 {strides = array<i32>} : memref<128x128xf32, #tpu.memory_space<vmem>>, vector<1x16xf32>,
      %broadcast_in_dim3A_139 = arith.constant 0.000000e+00 : f32
      %broadcast_in_dim3A_140 = vector.broadcast %broadcast_in_dim3A_139 : f32 to vector<16xf32>
      %swap3A_141 = arith.constant 0 : i32
      %swap3A_142 = arith.constant 0 : i32
      %swap3A_143 = tpu.memref_slice %arg8[%scan3A, %swap3A_141, %swap3A_142] : memref<2x128x128xf32, #tpu.memory_space<vmem>> -> memref<1x128x128xf32, #tpu.memory_space<vmem>>
      %swap3A_144 = tpu.memref_squeeze %swap3A_143 : memref<1x128x128xf32, #tpu.memory_space<vmem>> -> memref<128x128xf32, #tpu.memory_space<vmem>>
      %swap3A_145 = arith.index_cast %scan3A_62 : i32 to index
      %swap3A_146 = arith.constant 112 : index
      %swap3A_147 = tpu.vector_load %swap3A_144[%swap3A_145, %swap3A_146] {strides = array<i32>} : memref<128x128xf32, #tpu.memory_space<vmem>>, vector<1x16xf32>,
      %swap3A_148 = vector.shape_cast %swap3A_147 : vector<1x16xf32> to vector<16xf32>
      %swap3A_149 = vector.shape_cast %broadcast_in_dim3A_140 : vector<16xf32> to vector<1x16xf32>
      tpu.vector_store %swap3A_144[%swap3A_145, %swap3A_146], %swap3A_149 {strides = array<i32>} : memref<128x128xf32, #tpu.memory_space<vmem>>, vector<1x16xf32>,
      %scan3A_150 = arith.constant 0 : i32
      scf.yield %scan3A_150 : i32
    }
    %scan3A_7 = arith.constant 128 : i32
    %scan3A_8 = arith.constant 0 : i32
    %scan3A_9 = arith.constant 0 : i32
    %scan3A_10 = arith.constant 0 : i32
    %scan3A_11 = arith.constant 5 : i32
    %scan3A_12 = arith.addi %scan3A_10, %scan3A_11 : i32
    %scan3A_13 = arith.constant 1 : i32
    %scan3A_14 = scf.for %scan3A_62 = %scan3A_10 to %scan3A_12 step %scan3A_13 iter_args(%scan3A_63 = %scan3A_9) -> (i32)  : i32 {
      %mul3A_64 = arith.constant 640 : i32
      %mul3A_65 = arith.muli %arg1, %mul3A_64 : i32
      %mul3A_66 = arith.constant 128 : i32
      %mul3A_67 = arith.muli %scan3A_62, %mul3A_66 : i32
      %add3A_68 = arith.addi %mul3A_65, %mul3A_67 : i32
      "tpu.region"() ({
        %run_scoped3A = tpu.sem_alloc : memref<!tpu.dma_semaphore, #tpu.memory_space<semaphore_mem>>
        %dma_start3A_70 = arith.constant 0 : i32
        %dma_start3A_71 = arith.constant 0 : i32
        %dma_start3A_72 = tpu.memref_slice %arg8[%scan3A_8, %dma_start3A_70, %dma_start3A_71] : memref<2x128x128xf32, #tpu.memory_space<vmem>> -> memref<1x128x128xf32, #tpu.memory_space<vmem>>
        %dma_start3A_73 = tpu.memref_squeeze %dma_start3A_72 : memref<1x128x128xf32, #tpu.memory_space<vmem>> -> memref<128x128xf32, #tpu.memory_space<vmem>>
        %dma_start3A_74 = arith.constant 0 : i32
        %dma_start3A_75 = tpu.memref_slice %arg9[%add3A_68, %dma_start3A_74] : memref<10240x128xf32, #tpu.memory_space<vmem_shared>> -> memref<128x128xf32, #tpu.memory_space<vmem_shared>>
        %dma_start3A_76 = arith.constant 0 : i32
        %dma_start3A_77 = tpu.memref_slice %arg9[%add3A_68, %dma_start3A_76] : memref<10240x128xf32, #tpu.memory_space<vmem_shared>> -> memref<128x128xf32, #tpu.memory_space<vmem_shared>>
        %dma_start3A_78 = arith.constant 0 : i32
        %dma_start3A_79 = arith.constant 0 : i32
        %dma_start3A_80 = tpu.memref_slice %arg8[%scan3A_8, %dma_start3A_78, %dma_start3A_79] : memref<2x128x128xf32, #tpu.memory_space<vmem>> -> memref<1x128x128xf32, #tpu.memory_space<vmem>>
        %dma_start3A_81 = tpu.memref_squeeze %dma_start3A_80 : memref<1x128x128xf32, #tpu.memory_space<vmem>> -> memref<128x128xf32, #tpu.memory_space<vmem>>
        tpu.enqueue_dma source(%dma_start3A_81 : memref<128x128xf32, #tpu.memory_space<vmem>>) target(%dma_start3A_77 : memref<128x128xf32, #tpu.memory_space<vmem_shared>>) target_semaphore(%run_scoped3A : memref<!tpu.dma_semaphore, #tpu.memory_space<semaphore_mem>>)
        %dma_wait3A = arith.constant 0 : i32
        %dma_wait3A_82 = arith.constant 0 : i32
        %dma_wait3A_83 = tpu.memref_slice %arg8[%scan3A_8, %dma_wait3A, %dma_wait3A_82] : memref<2x128x128xf32, #tpu.memory_space<vmem>> -> memref<1x128x128xf32, #tpu.memory_space<vmem>>
        %dma_wait3A_84 = tpu.memref_squeeze %dma_wait3A_83 : memref<1x128x128xf32, #tpu.memory_space<vmem>> -> memref<128x128xf32, #tpu.memory_space<vmem>>
        %dma_wait3A_85 = arith.constant 0 : i32
        %dma_wait3A_86 = tpu.memref_slice %arg9[%add3A_68, %dma_wait3A_85] : memref<10240x128xf32, #tpu.memory_space<vmem_shared>> -> memref<128x128xf32, #tpu.memory_space<vmem_shared>>
        %dma_wait3A_87 = arith.constant 0 : i32
        %dma_wait3A_88 = tpu.memref_slice %arg9[%add3A_68, %dma_wait3A_87] : memref<10240x128xf32, #tpu.memory_space<vmem_shared>> -> memref<128x128xf32, #tpu.memory_space<vmem_shared>>
        %dma_wait3A_89 = arith.constant 0 : i32
        %dma_wait3A_90 = arith.constant 0 : i32
        %dma_wait3A_91 = tpu.memref_slice %arg8[%scan3A_8, %dma_wait3A_89, %dma_wait3A_90] : memref<2x128x128xf32, #tpu.memory_space<vmem>> -> memref<1x128x128xf32, #tpu.memory_space<vmem>>
        %dma_wait3A_92 = tpu.memref_squeeze %dma_wait3A_91 : memref<1x128x128xf32, #tpu.memory_space<vmem>> -> memref<128x128xf32, #tpu.memory_space<vmem>>
        tpu.wait_dma2 semaphore(%run_scoped3A : memref<!tpu.dma_semaphore, #tpu.memory_space<semaphore_mem>>) src(%dma_wait3A_92 : memref<128x128xf32, #tpu.memory_space<vmem>>) dst(%dma_wait3A_88 : memref<128x128xf32, #tpu.memory_space<vmem_shared>>)
        tpu.yield
      }) : () -> ()
      %scan3A_69 = arith.constant 0 : i32
      scf.yield %scan3A_69 : i32
    }
    %scan3A_15 = arith.constant 5 : i32
    %barrier3A = arith.constant 0 : index
    tpu.barrier barrier_id(%barrier3A)
    "tpu.region"() ({
      %run_scoped3A = tpu.sem_alloc : memref<!tpu.dma_semaphore, #tpu.memory_space<semaphore_mem>>
      %dma_start3A_62 = arith.constant 0 : i32
      %dma_start3A_63 = arith.constant 0 : i32
      %dma_start3A_64 = tpu.memref_slice %arg3[%add3A, %dma_start3A_62, %dma_start3A_63] : memref<32x80x128xi32, #tpu.memory_space<hbm>> -> memref<1x40x128xi32, #tpu.memory_space<hbm>>
      %dma_start3A_65 = tpu.memref_squeeze %dma_start3A_64 : memref<1x40x128xi32, #tpu.memory_space<hbm>> -> memref<40x128xi32, #tpu.memory_space<hbm>>
      %dma_start3A_66 = arith.constant 0 : i32
      %dma_start3A_67 = arith.constant 0 : i32
      %dma_start3A_68 = tpu.memref_slice %arg3[%add3A, %dma_start3A_66, %dma_start3A_67] : memref<32x80x128xi32, #tpu.memory_space<hbm>> -> memref<1x40x128xi32, #tpu.memory_space<hbm>>
      %dma_start3A_69 = tpu.memref_squeeze %dma_start3A_68 : memref<1x40x128xi32, #tpu.memory_space<hbm>> -> memref<40x128xi32, #tpu.memory_space<hbm>>
      tpu.enqueue_dma source(%dma_start3A_69 : memref<40x128xi32, #tpu.memory_space<hbm>>) target(%arg6 : memref<40x128xi32, #tpu.memory_space<vmem>>) target_semaphore(%run_scoped3A : memref<!tpu.dma_semaphore, #tpu.memory_space<semaphore_mem>>)
      %dma_wait3A = arith.constant 0 : i32
      %dma_wait3A_70 = arith.constant 0 : i32
      %dma_wait3A_71 = tpu.memref_slice %arg3[%add3A, %dma_wait3A, %dma_wait3A_70] : memref<32x80x128xi32, #tpu.memory_space<hbm>> -> memref<1x40x128xi32, #tpu.memory_space<hbm>>
      %dma_wait3A_72 = tpu.memref_squeeze %dma_wait3A_71 : memref<1x40x128xi32, #tpu.memory_space<hbm>> -> memref<40x128xi32, #tpu.memory_space<hbm>>
      %dma_wait3A_73 = arith.constant 0 : i32
      %dma_wait3A_74 = arith.constant 0 : i32
      %dma_wait3A_75 = tpu.memref_slice %arg3[%add3A, %dma_wait3A_73, %dma_wait3A_74] : memref<32x80x128xi32, #tpu.memory_space<hbm>> -> memref<1x40x128xi32, #tpu.memory_space<hbm>>
      %dma_wait3A_76 = tpu.memref_squeeze %dma_wait3A_75 : memref<1x40x128xi32, #tpu.memory_space<hbm>> -> memref<40x128xi32, #tpu.memory_space<hbm>>
      tpu.wait_dma2 semaphore(%run_scoped3A : memref<!tpu.dma_semaphore, #tpu.memory_space<semaphore_mem>>) src(%dma_wait3A_76 : memref<40x128xi32, #tpu.memory_space<hbm>>) dst(%arg6 : memref<40x128xi32, #tpu.memory_space<vmem>>)
      tpu.yield
    }) : () -> ()
    "tpu.region"() ({
      %run_scoped3A = tpu.sem_alloc : memref<!tpu.dma_semaphore, #tpu.memory_space<semaphore_mem>>
      %dma_start3A_62 = arith.constant 0 : i32
      %dma_start3A_63 = arith.constant 0 : i32
      %dma_start3A_64 = tpu.memref_slice %arg4[%add3A, %dma_start3A_62, %dma_start3A_63] : memref<32x80x128xi32, #tpu.memory_space<hbm>> -> memref<1x40x128xi32, #tpu.memory_space<hbm>>
      %dma_start3A_65 = tpu.memref_squeeze %dma_start3A_64 : memref<1x40x128xi32, #tpu.memory_space<hbm>> -> memref<40x128xi32, #tpu.memory_space<hbm>>
      %dma_start3A_66 = arith.constant 0 : i32
      %dma_start3A_67 = arith.constant 0 : i32
      %dma_start3A_68 = tpu.memref_slice %arg4[%add3A, %dma_start3A_66, %dma_start3A_67] : memref<32x80x128xi32, #tpu.memory_space<hbm>> -> memref<1x40x128xi32, #tpu.memory_space<hbm>>
      %dma_start3A_69 = tpu.memref_squeeze %dma_start3A_68 : memref<1x40x128xi32, #tpu.memory_space<hbm>> -> memref<40x128xi32, #tpu.memory_space<hbm>>
      tpu.enqueue_dma source(%dma_start3A_69 : memref<40x128xi32, #tpu.memory_space<hbm>>) target(%arg7 : memref<40x128xi32, #tpu.memory_space<vmem>>) target_semaphore(%run_scoped3A : memref<!tpu.dma_semaphore, #tpu.memory_space<semaphore_mem>>)
      %dma_wait3A = arith.constant 0 : i32
      %dma_wait3A_70 = arith.constant 0 : i32
      %dma_wait3A_71 = tpu.memref_slice %arg4[%add3A, %dma_wait3A, %dma_wait3A_70] : memref<32x80x128xi32, #tpu.memory_space<hbm>> -> memref<1x40x128xi32, #tpu.memory_space<hbm>>
      %dma_wait3A_72 = tpu.memref_squeeze %dma_wait3A_71 : memref<1x40x128xi32, #tpu.memory_space<hbm>> -> memref<40x128xi32, #tpu.memory_space<hbm>>
      %dma_wait3A_73 = arith.constant 0 : i32
      %dma_wait3A_74 = arith.constant 0 : i32
      %dma_wait3A_75 = tpu.memref_slice %arg4[%add3A, %dma_wait3A_73, %dma_wait3A_74] : memref<32x80x128xi32, #tpu.memory_space<hbm>> -> memref<1x40x128xi32, #tpu.memory_space<hbm>>
      %dma_wait3A_76 = tpu.memref_squeeze %dma_wait3A_75 : memref<1x40x128xi32, #tpu.memory_space<hbm>> -> memref<40x128xi32, #tpu.memory_space<hbm>>
      tpu.wait_dma2 semaphore(%run_scoped3A : memref<!tpu.dma_semaphore, #tpu.memory_space<semaphore_mem>>) src(%dma_wait3A_76 : memref<40x128xi32, #tpu.memory_space<hbm>>) dst(%arg7 : memref<40x128xi32, #tpu.memory_space<vmem>>)
      tpu.yield
    }) : () -> ()
    %dma_start3A = arith.constant 0 : i32
    %dma_start3A_16 = arith.constant 0 : i32
    %dma_start3A_17 = arith.constant 0 : i32
    %dma_start3A_18 = arith.constant 0 : i32
    %dma_start3A_19 = tpu.memref_slice %arg8[%dma_start3A_16, %dma_start3A_17, %dma_start3A_18] : memref<2x128x128xf32, #tpu.memory_space<vmem>> -> memref<1x128x128xf32, #tpu.memory_space<vmem>>
    %dma_start3A_20 = tpu.memref_squeeze %dma_start3A_19 : memref<1x128x128xf32, #tpu.memory_space<vmem>> -> memref<128x128xf32, #tpu.memory_space<vmem>>
    %dma_start3A_21 = arith.constant 0 : i32
    %dma_start3A_22 = tpu.memref_slice %arg6[%dma_start3A, %dma_start3A_21] : memref<40x128xi32, #tpu.memory_space<vmem>> -> memref<1x128xi32, #tpu.memory_space<vmem>>
    %dma_start3A_23 = tpu.memref_squeeze %dma_start3A_22 : memref<1x128xi32, #tpu.memory_space<vmem>> -> memref<128xi32, #tpu.memory_space<vmem>>
    %dma_start3A_24 = arith.constant 0 : i32
    %dma_start3A_25 = arith.constant 0 : i32
    %dma_start3A_26 = tpu.memref_slice %arg2[%dma_start3A_24, %dma_start3A_25] : memref<10240x128xf32, #tpu.memory_space<hbm>> -> memref<10240x128xf32, #tpu.memory_space<hbm>>
    tpu.enqueue_indirect_dma source(%dma_start3A_26 : memref<10240x128xf32, #tpu.memory_space<hbm>>) target(%dma_start3A_20 : memref<128x128xf32, #tpu.memory_space<vmem>>) offsets(%dma_start3A_23 : memref<128xi32, #tpu.memory_space<vmem>>) semaphore(%arg10 : memref<!tpu.dma_semaphore, #tpu.memory_space<semaphore_mem>>)
    %scan3A_27 = arith.constant 0 : i32
    %scan3A_28 = arith.constant 0 : i32
    %scan3A_29 = arith.constant 20 : i32
    %scan3A_30 = arith.addi %scan3A_28, %scan3A_29 : i32
    %scan3A_31 = arith.constant 1 : i32
    %scan3A_32 = scf.for %scan3A_62 = %scan3A_28 to %scan3A_30 step %scan3A_31 iter_args(%scan3A_63 = %scan3A_27) -> (i32)  : i32 {
      %mul3A_64 = arith.constant 2 : i32
      %mul3A_65 = arith.muli %mul3A_64, %scan3A_62 : i32
      %add3A_66 = arith.constant 0 : i32
      %add3A_67 = arith.addi %mul3A_65, %add3A_66 : i32
      %add3A_68 = arith.constant 1 : i32
      %add3A_69 = arith.addi %add3A_67, %add3A_68 : i32
      %lt3A = arith.constant 40 : i32
      %lt3A_70 = arith.cmpi slt, %add3A_69, %lt3A : i32
      %convert_element_type3A = arith.extui %lt3A_70 : i1 to i32
      %cond3A = arith.constant 0 : i32
      %cond3A_71 = arith.cmpi ne, %convert_element_type3A, %cond3A : i32
      scf.if %cond3A_71 {
        %add3A_106 = arith.constant 1 : i32
        %add3A_107 = arith.addi %add3A_67, %add3A_106 : i32
        %dma_start3A_108 = arith.constant 1 : i32
        %dma_start3A_109 = arith.constant 0 : i32
        %dma_start3A_110 = arith.constant 0 : i32
        %dma_start3A_111 = tpu.memref_slice %arg8[%dma_start3A_108, %dma_start3A_109, %dma_start3A_110] : memref<2x128x128xf32, #tpu.memory_space<vmem>> -> memref<1x128x128xf32, #tpu.memory_space<vmem>>
        %dma_start3A_112 = tpu.memref_squeeze %dma_start3A_111 : memref<1x128x128xf32, #tpu.memory_space<vmem>> -> memref<128x128xf32, #tpu.memory_space<vmem>>
        %dma_start3A_113 = arith.constant 0 : i32
        %dma_start3A_114 = tpu.memref_slice %arg6[%add3A_107, %dma_start3A_113] : memref<40x128xi32, #tpu.memory_space<vmem>> -> memref<1x128xi32, #tpu.memory_space<vmem>>
        %dma_start3A_115 = tpu.memref_squeeze %dma_start3A_114 : memref<1x128xi32, #tpu.memory_space<vmem>> -> memref<128xi32, #tpu.memory_space<vmem>>
        %dma_start3A_116 = arith.constant 0 : i32
        %dma_start3A_117 = arith.constant 0 : i32
        %dma_start3A_118 = tpu.memref_slice %arg2[%dma_start3A_116, %dma_start3A_117] : memref<10240x128xf32, #tpu.memory_space<hbm>> -> memref<10240x128xf32, #tpu.memory_space<hbm>>
        tpu.enqueue_indirect_dma source(%dma_start3A_118 : memref<10240x128xf32, #tpu.memory_space<hbm>>) target(%dma_start3A_112 : memref<128x128xf32, #tpu.memory_space<vmem>>) offsets(%dma_start3A_115 : memref<128xi32, #tpu.memory_space<vmem>>) semaphore(%arg10 : memref<!tpu.dma_semaphore, #tpu.memory_space<semaphore_mem>>)
      } else {
      }
      %dma_wait3A = arith.constant 0 : i32
      %dma_wait3A_72 = arith.constant 0 : i32
      %dma_wait3A_73 = arith.constant 0 : i32
      %dma_wait3A_74 = tpu.memref_slice %arg8[%dma_wait3A, %dma_wait3A_72, %dma_wait3A_73] : memref<2x128x128xf32, #tpu.memory_space<vmem>> -> memref<1x128x128xf32, #tpu.memory_space<vmem>>
      %dma_wait3A_75 = tpu.memref_squeeze %dma_wait3A_74 : memref<1x128x128xf32, #tpu.memory_space<vmem>> -> memref<128x128xf32, #tpu.memory_space<vmem>>
      %dma_wait3A_76 = arith.constant 0 : i32
      %dma_wait3A_77 = tpu.memref_slice %arg6[%add3A_67, %dma_wait3A_76] : memref<40x128xi32, #tpu.memory_space<vmem>> -> memref<1x128xi32, #tpu.memory_space<vmem>>
      %dma_wait3A_78 = tpu.memref_squeeze %dma_wait3A_77 : memref<1x128xi32, #tpu.memory_space<vmem>> -> memref<128xi32, #tpu.memory_space<vmem>>
      %dma_wait3A_79 = arith.constant 0 : i32
      %dma_wait3A_80 = arith.constant 0 : i32
      %dma_wait3A_81 = tpu.memref_slice %arg2[%dma_wait3A_79, %dma_wait3A_80] : memref<10240x128xf32, #tpu.memory_space<hbm>> -> memref<10240x128xf32, #tpu.memory_space<hbm>>
      tpu.wait_indirect_dma semaphore(%arg10 : memref<!tpu.dma_semaphore, #tpu.memory_space<semaphore_mem>>) src(%dma_wait3A_81 : memref<10240x128xf32, #tpu.memory_space<hbm>>) dst(%dma_wait3A_75 : memref<128x128xf32, #tpu.memory_space<vmem>>)
      %run_scoped3A = arith.constant 0 : i32
      "tpu.region"() ({
        %run_scoped3A_106 = tpu.sem_alloc : memref<!tpu.dma_semaphore, #tpu.memory_space<semaphore_mem>>
        %dma_start3A_107 = arith.constant 0 : i32
        %dma_start3A_108 = arith.constant 0 : i32
        %dma_start3A_109 = tpu.memref_slice %arg8[%run_scoped3A, %dma_start3A_107, %dma_start3A_108] : memref<2x128x128xf32, #tpu.memory_space<vmem>> -> memref<1x128x128xf32, #tpu.memory_space<vmem>>
        %dma_start3A_110 = tpu.memref_squeeze %dma_start3A_109 : memref<1x128x128xf32, #tpu.memory_space<vmem>> -> memref<128x128xf32, #tpu.memory_space<vmem>>
        %dma_start3A_111 = arith.constant 0 : i32
        %dma_start3A_112 = tpu.memref_slice %arg7[%add3A_67, %dma_start3A_111] : memref<40x128xi32, #tpu.memory_space<vmem>> -> memref<1x128xi32, #tpu.memory_space<vmem>>
        %dma_start3A_113 = tpu.memref_squeeze %dma_start3A_112 : memref<1x128xi32, #tpu.memory_space<vmem>> -> memref<128xi32, #tpu.memory_space<vmem>>
        %dma_start3A_114 = arith.constant 0 : i32
        %dma_start3A_115 = arith.constant 0 : i32
        %dma_start3A_116 = tpu.memref_slice %arg9[%dma_start3A_114, %dma_start3A_115] : memref<10240x128xf32, #tpu.memory_space<vmem_shared>> -> memref<10240x128xf32, #tpu.memory_space<vmem_shared>>
        tpu.enqueue_indirect_dma source(%dma_start3A_110 : memref<128x128xf32, #tpu.memory_space<vmem>>) target(%dma_start3A_116 : memref<10240x128xf32, #tpu.memory_space<vmem_shared>>) offsets(%dma_start3A_113 : memref<128xi32, #tpu.memory_space<vmem>>) semaphore(%run_scoped3A_106 : memref<!tpu.dma_semaphore, #tpu.memory_space<semaphore_mem>>) {add = true}
        %dma_wait3A_117 = arith.constant 0 : i32
        %dma_wait3A_118 = arith.constant 0 : i32
        %dma_wait3A_119 = tpu.memref_slice %arg8[%run_scoped3A, %dma_wait3A_117, %dma_wait3A_118] : memref<2x128x128xf32, #tpu.memory_space<vmem>> -> memref<1x128x128xf32, #tpu.memory_space<vmem>>
        %dma_wait3A_120 = tpu.memref_squeeze %dma_wait3A_119 : memref<1x128x128xf32, #tpu.memory_space<vmem>> -> memref<128x128xf32, #tpu.memory_space<vmem>>
        %dma_wait3A_121 = arith.constant 0 : i32
        %dma_wait3A_122 = tpu.memref_slice %arg7[%add3A_67, %dma_wait3A_121] : memref<40x128xi32, #tpu.memory_space<vmem>> -> memref<1x128xi32, #tpu.memory_space<vmem>>
        %dma_wait3A_123 = tpu.memref_squeeze %dma_wait3A_122 : memref<1x128xi32, #tpu.memory_space<vmem>> -> memref<128xi32, #tpu.memory_space<vmem>>
        %dma_wait3A_124 = arith.constant 0 : i32
        %dma_wait3A_125 = arith.constant 0 : i32
        %dma_wait3A_126 = tpu.memref_slice %arg9[%dma_wait3A_124, %dma_wait3A_125] : memref<10240x128xf32, #tpu.memory_space<vmem_shared>> -> memref<10240x128xf32, #tpu.memory_space<vmem_shared>>
        tpu.wait_indirect_dma semaphore(%run_scoped3A_106 : memref<!tpu.dma_semaphore, #tpu.memory_space<semaphore_mem>>) src(%dma_wait3A_120 : memref<128x128xf32, #tpu.memory_space<vmem>>) dst(%dma_wait3A_126 : memref<10240x128xf32, #tpu.memory_space<vmem_shared>>)
        tpu.yield
      }) : () -> ()
      %mul3A_82 = arith.constant 2 : i32
      %mul3A_83 = arith.muli %mul3A_82, %scan3A_62 : i32
      %add3A_84 = arith.constant 1 : i32
      %add3A_85 = arith.addi %mul3A_83, %add3A_84 : i32
      %add3A_86 = arith.constant 1 : i32
      %add3A_87 = arith.addi %add3A_85, %add3A_86 : i32
      %lt3A_88 = arith.constant 40 : i32
      %lt3A_89 = arith.cmpi slt, %add3A_87, %lt3A_88 : i32
      %convert_element_type3A_90 = arith.extui %lt3A_89 : i1 to i32
      %cond3A_91 = arith.constant 0 : i32
      %cond3A_92 = arith.cmpi ne, %convert_element_type3A_90, %cond3A_91 : i32
      scf.if %cond3A_92 {
        %add3A_106 = arith.constant 1 : i32
        %add3A_107 = arith.addi %add3A_85, %add3A_106 : i32
        %dma_start3A_108 = arith.constant 0 : i32
        %dma_start3A_109 = arith.constant 0 : i32
        %dma_start3A_110 = arith.constant 0 : i32
        %dma_start3A_111 = tpu.memref_slice %arg8[%dma_start3A_108, %dma_start3A_109, %dma_start3A_110] : memref<2x128x128xf32, #tpu.memory_space<vmem>> -> memref<1x128x128xf32, #tpu.memory_space<vmem>>
        %dma_start3A_112 = tpu.memref_squeeze %dma_start3A_111 : memref<1x128x128xf32, #tpu.memory_space<vmem>> -> memref<128x128xf32, #tpu.memory_space<vmem>>
        %dma_start3A_113 = arith.constant 0 : i32
        %dma_start3A_114 = tpu.memref_slice %arg6[%add3A_107, %dma_start3A_113] : memref<40x128xi32, #tpu.memory_space<vmem>> -> memref<1x128xi32, #tpu.memory_space<vmem>>
        %dma_start3A_115 = tpu.memref_squeeze %dma_start3A_114 : memref<1x128xi32, #tpu.memory_space<vmem>> -> memref<128xi32, #tpu.memory_space<vmem>>
        %dma_start3A_116 = arith.constant 0 : i32
        %dma_start3A_117 = arith.constant 0 : i32
        %dma_start3A_118 = tpu.memref_slice %arg2[%dma_start3A_116, %dma_start3A_117] : memref<10240x128xf32, #tpu.memory_space<hbm>> -> memref<10240x128xf32, #tpu.memory_space<hbm>>
        tpu.enqueue_indirect_dma source(%dma_start3A_118 : memref<10240x128xf32, #tpu.memory_space<hbm>>) target(%dma_start3A_112 : memref<128x128xf32, #tpu.memory_space<vmem>>) offsets(%dma_start3A_115 : memref<128xi32, #tpu.memory_space<vmem>>) semaphore(%arg10 : memref<!tpu.dma_semaphore, #tpu.memory_space<semaphore_mem>>)
      } else {
      }
      %dma_wait3A_93 = arith.constant 1 : i32
      %dma_wait3A_94 = arith.constant 0 : i32
      %dma_wait3A_95 = arith.constant 0 : i32
      %dma_wait3A_96 = tpu.memref_slice %arg8[%dma_wait3A_93, %dma_wait3A_94, %dma_wait3A_95] : memref<2x128x128xf32, #tpu.memory_space<vmem>> -> memref<1x128x128xf32, #tpu.memory_space<vmem>>
      %dma_wait3A_97 = tpu.memref_squeeze %dma_wait3A_96 : memref<1x128x128xf32, #tpu.memory_space<vmem>> -> memref<128x128xf32, #tpu.memory_space<vmem>>
      %dma_wait3A_98 = arith.constant 0 : i32
      %dma_wait3A_99 = tpu.memref_slice %arg6[%add3A_85, %dma_wait3A_98] : memref<40x128xi32, #tpu.memory_space<vmem>> -> memref<1x128xi32, #tpu.memory_space<vmem>>
      %dma_wait3A_100 = tpu.memref_squeeze %dma_wait3A_99 : memref<1x128xi32, #tpu.memory_space<vmem>> -> memref<128xi32, #tpu.memory_space<vmem>>
      %dma_wait3A_101 = arith.constant 0 : i32
      %dma_wait3A_102 = arith.constant 0 : i32
      %dma_wait3A_103 = tpu.memref_slice %arg2[%dma_wait3A_101, %dma_wait3A_102] : memref<10240x128xf32, #tpu.memory_space<hbm>> -> memref<10240x128xf32, #tpu.memory_space<hbm>>
      tpu.wait_indirect_dma semaphore(%arg10 : memref<!tpu.dma_semaphore, #tpu.memory_space<semaphore_mem>>) src(%dma_wait3A_103 : memref<10240x128xf32, #tpu.memory_space<hbm>>) dst(%dma_wait3A_97 : memref<128x128xf32, #tpu.memory_space<vmem>>)
      %run_scoped3A_104 = arith.constant 1 : i32
      "tpu.region"() ({
        %run_scoped3A_106 = tpu.sem_alloc : memref<!tpu.dma_semaphore, #tpu.memory_space<semaphore_mem>>
        %dma_start3A_107 = arith.constant 0 : i32
        %dma_start3A_108 = arith.constant 0 : i32
        %dma_start3A_109 = tpu.memref_slice %arg8[%run_scoped3A_104, %dma_start3A_107, %dma_start3A_108] : memref<2x128x128xf32, #tpu.memory_space<vmem>> -> memref<1x128x128xf32, #tpu.memory_space<vmem>>
        %dma_start3A_110 = tpu.memref_squeeze %dma_start3A_109 : memref<1x128x128xf32, #tpu.memory_space<vmem>> -> memref<128x128xf32, #tpu.memory_space<vmem>>
        %dma_start3A_111 = arith.constant 0 : i32
        %dma_start3A_112 = tpu.memref_slice %arg7[%add3A_85, %dma_start3A_111] : memref<40x128xi32, #tpu.memory_space<vmem>> -> memref<1x128xi32, #tpu.memory_space<vmem>>
        %dma_start3A_113 = tpu.memref_squeeze %dma_start3A_112 : memref<1x128xi32, #tpu.memory_space<vmem>> -> memref<128xi32, #tpu.memory_space<vmem>>
        %dma_start3A_114 = arith.constant 0 : i32
        %dma_start3A_115 = arith.constant 0 : i32
        %dma_start3A_116 = tpu.memref_slice %arg9[%dma_start3A_114, %dma_start3A_115] : memref<10240x128xf32, #tpu.memory_space<vmem_shared>> -> memref<10240x128xf32, #tpu.memory_space<vmem_shared>>
        tpu.enqueue_indirect_dma source(%dma_start3A_110 : memref<128x128xf32, #tpu.memory_space<vmem>>) target(%dma_start3A_116 : memref<10240x128xf32, #tpu.memory_space<vmem_shared>>) offsets(%dma_start3A_113 : memref<128xi32, #tpu.memory_space<vmem>>) semaphore(%run_scoped3A_106 : memref<!tpu.dma_semaphore, #tpu.memory_space<semaphore_mem>>) {add = true}
        %dma_wait3A_117 = arith.constant 0 : i32
        %dma_wait3A_118 = arith.constant 0 : i32
        %dma_wait3A_119 = tpu.memref_slice %arg8[%run_scoped3A_104, %dma_wait3A_117, %dma_wait3A_118] : memref<2x128x128xf32, #tpu.memory_space<vmem>> -> memref<1x128x128xf32, #tpu.memory_space<vmem>>
        %dma_wait3A_120 = tpu.memref_squeeze %dma_wait3A_119 : memref<1x128x128xf32, #tpu.memory_space<vmem>> -> memref<128x128xf32, #tpu.memory_space<vmem>>
        %dma_wait3A_121 = arith.constant 0 : i32
        %dma_wait3A_122 = tpu.memref_slice %arg7[%add3A_85, %dma_wait3A_121] : memref<40x128xi32, #tpu.memory_space<vmem>> -> memref<1x128xi32, #tpu.memory_space<vmem>>
        %dma_wait3A_123 = tpu.memref_squeeze %dma_wait3A_122 : memref<1x128xi32, #tpu.memory_space<vmem>> -> memref<128xi32, #tpu.memory_space<vmem>>
        %dma_wait3A_124 = arith.constant 0 : i32
        %dma_wait3A_125 = arith.constant 0 : i32
        %dma_wait3A_126 = tpu.memref_slice %arg9[%dma_wait3A_124, %dma_wait3A_125] : memref<10240x128xf32, #tpu.memory_space<vmem_shared>> -> memref<10240x128xf32, #tpu.memory_space<vmem_shared>>
        tpu.wait_indirect_dma semaphore(%run_scoped3A_106 : memref<!tpu.dma_semaphore, #tpu.memory_space<semaphore_mem>>) src(%dma_wait3A_120 : memref<128x128xf32, #tpu.memory_space<vmem>>) dst(%dma_wait3A_126 : memref<10240x128xf32, #tpu.memory_space<vmem_shared>>)
        tpu.yield
      }) : () -> ()
      %scan3A_105 = arith.constant 0 : i32
      scf.yield %scan3A_105 : i32
    }
    %scan3A_33 = arith.constant 20 : i32
    "tpu.region"() ({
      %run_scoped3A = tpu.sem_alloc : memref<!tpu.dma_semaphore, #tpu.memory_space<semaphore_mem>>
      %dma_start3A_62 = arith.constant 40 : i32
      %dma_start3A_63 = arith.constant 0 : i32
      %dma_start3A_64 = tpu.memref_slice %arg3[%add3A, %dma_start3A_62, %dma_start3A_63] : memref<32x80x128xi32, #tpu.memory_space<hbm>> -> memref<1x40x128xi32, #tpu.memory_space<hbm>>
      %dma_start3A_65 = tpu.memref_squeeze %dma_start3A_64 : memref<1x40x128xi32, #tpu.memory_space<hbm>> -> memref<40x128xi32, #tpu.memory_space<hbm>>
      %dma_start3A_66 = arith.constant 40 : i32
      %dma_start3A_67 = arith.constant 0 : i32
      %dma_start3A_68 = tpu.memref_slice %arg3[%add3A, %dma_start3A_66, %dma_start3A_67] : memref<32x80x128xi32, #tpu.memory_space<hbm>> -> memref<1x40x128xi32, #tpu.memory_space<hbm>>
      %dma_start3A_69 = tpu.memref_squeeze %dma_start3A_68 : memref<1x40x128xi32, #tpu.memory_space<hbm>> -> memref<40x128xi32, #tpu.memory_space<hbm>>
      tpu.enqueue_dma source(%dma_start3A_69 : memref<40x128xi32, #tpu.memory_space<hbm>>) target(%arg6 : memref<40x128xi32, #tpu.memory_space<vmem>>) target_semaphore(%run_scoped3A : memref<!tpu.dma_semaphore, #tpu.memory_space<semaphore_mem>>)
      %dma_wait3A = arith.constant 40 : i32
      %dma_wait3A_70 = arith.constant 0 : i32
      %dma_wait3A_71 = tpu.memref_slice %arg3[%add3A, %dma_wait3A, %dma_wait3A_70] : memref<32x80x128xi32, #tpu.memory_space<hbm>> -> memref<1x40x128xi32, #tpu.memory_space<hbm>>
      %dma_wait3A_72 = tpu.memref_squeeze %dma_wait3A_71 : memref<1x40x128xi32, #tpu.memory_space<hbm>> -> memref<40x128xi32, #tpu.memory_space<hbm>>
      %dma_wait3A_73 = arith.constant 40 : i32
      %dma_wait3A_74 = arith.constant 0 : i32
      %dma_wait3A_75 = tpu.memref_slice %arg3[%add3A, %dma_wait3A_73, %dma_wait3A_74] : memref<32x80x128xi32, #tpu.memory_space<hbm>> -> memref<1x40x128xi32, #tpu.memory_space<hbm>>
      %dma_wait3A_76 = tpu.memref_squeeze %dma_wait3A_75 : memref<1x40x128xi32, #tpu.memory_space<hbm>> -> memref<40x128xi32, #tpu.memory_space<hbm>>
      tpu.wait_dma2 semaphore(%run_scoped3A : memref<!tpu.dma_semaphore, #tpu.memory_space<semaphore_mem>>) src(%dma_wait3A_76 : memref<40x128xi32, #tpu.memory_space<hbm>>) dst(%arg6 : memref<40x128xi32, #tpu.memory_space<vmem>>)
      tpu.yield
    }) : () -> ()
    "tpu.region"() ({
      %run_scoped3A = tpu.sem_alloc : memref<!tpu.dma_semaphore, #tpu.memory_space<semaphore_mem>>
      %dma_start3A_62 = arith.constant 40 : i32
      %dma_start3A_63 = arith.constant 0 : i32
      %dma_start3A_64 = tpu.memref_slice %arg4[%add3A, %dma_start3A_62, %dma_start3A_63] : memref<32x80x128xi32, #tpu.memory_space<hbm>> -> memref<1x40x128xi32, #tpu.memory_space<hbm>>
      %dma_start3A_65 = tpu.memref_squeeze %dma_start3A_64 : memref<1x40x128xi32, #tpu.memory_space<hbm>> -> memref<40x128xi32, #tpu.memory_space<hbm>>
      %dma_start3A_66 = arith.constant 40 : i32
      %dma_start3A_67 = arith.constant 0 : i32
      %dma_start3A_68 = tpu.memref_slice %arg4[%add3A, %dma_start3A_66, %dma_start3A_67] : memref<32x80x128xi32, #tpu.memory_space<hbm>> -> memref<1x40x128xi32, #tpu.memory_space<hbm>>
      %dma_start3A_69 = tpu.memref_squeeze %dma_start3A_68 : memref<1x40x128xi32, #tpu.memory_space<hbm>> -> memref<40x128xi32, #tpu.memory_space<hbm>>
      tpu.enqueue_dma source(%dma_start3A_69 : memref<40x128xi32, #tpu.memory_space<hbm>>) target(%arg7 : memref<40x128xi32, #tpu.memory_space<vmem>>) target_semaphore(%run_scoped3A : memref<!tpu.dma_semaphore, #tpu.memory_space<semaphore_mem>>)
      %dma_wait3A = arith.constant 40 : i32
      %dma_wait3A_70 = arith.constant 0 : i32
      %dma_wait3A_71 = tpu.memref_slice %arg4[%add3A, %dma_wait3A, %dma_wait3A_70] : memref<32x80x128xi32, #tpu.memory_space<hbm>> -> memref<1x40x128xi32, #tpu.memory_space<hbm>>
      %dma_wait3A_72 = tpu.memref_squeeze %dma_wait3A_71 : memref<1x40x128xi32, #tpu.memory_space<hbm>> -> memref<40x128xi32, #tpu.memory_space<hbm>>
      %dma_wait3A_73 = arith.constant 40 : i32
      %dma_wait3A_74 = arith.constant 0 : i32
      %dma_wait3A_75 = tpu.memref_slice %arg4[%add3A, %dma_wait3A_73, %dma_wait3A_74] : memref<32x80x128xi32, #tpu.memory_space<hbm>> -> memref<1x40x128xi32, #tpu.memory_space<hbm>>
      %dma_wait3A_76 = tpu.memref_squeeze %dma_wait3A_75 : memref<1x40x128xi32, #tpu.memory_space<hbm>> -> memref<40x128xi32, #tpu.memory_space<hbm>>
      tpu.wait_dma2 semaphore(%run_scoped3A : memref<!tpu.dma_semaphore, #tpu.memory_space<semaphore_mem>>) src(%dma_wait3A_76 : memref<40x128xi32, #tpu.memory_space<hbm>>) dst(%arg7 : memref<40x128xi32, #tpu.memory_space<vmem>>)
      tpu.yield
    }) : () -> ()
    %dma_start3A_34 = arith.constant 0 : i32
    %dma_start3A_35 = arith.constant 0 : i32
    %dma_start3A_36 = arith.constant 0 : i32
    %dma_start3A_37 = arith.constant 0 : i32
    %dma_start3A_38 = tpu.memref_slice %arg8[%dma_start3A_35, %dma_start3A_36, %dma_start3A_37] : memref<2x128x128xf32, #tpu.memory_space<vmem>> -> memref<1x128x128xf32, #tpu.memory_space<vmem>>
    %dma_start3A_39 = tpu.memref_squeeze %dma_start3A_38 : memref<1x128x128xf32, #tpu.memory_space<vmem>> -> memref<128x128xf32, #tpu.memory_space<vmem>>
    %dma_start3A_40 = arith.constant 0 : i32
    %dma_start3A_41 = tpu.memref_slice %arg6[%dma_start3A_34, %dma_start3A_40] : memref<40x128xi32, #tpu.memory_space<vmem>> -> memref<1x128xi32, #tpu.memory_space<vmem>>
    %dma_start3A_42 = tpu.memref_squeeze %dma_start3A_41 : memref<1x128xi32, #tpu.memory_space<vmem>> -> memref<128xi32, #tpu.memory_space<vmem>>
    %dma_start3A_43 = arith.constant 0 : i32
    %dma_start3A_44 = arith.constant 0 : i32
    %dma_start3A_45 = tpu.memref_slice %arg2[%dma_start3A_43, %dma_start3A_44] : memref<10240x128xf32, #tpu.memory_space<hbm>> -> memref<10240x128xf32, #tpu.memory_space<hbm>>
    tpu.enqueue_indirect_dma source(%dma_start3A_45 : memref<10240x128xf32, #tpu.memory_space<hbm>>) target(%dma_start3A_39 : memref<128x128xf32, #tpu.memory_space<vmem>>) offsets(%dma_start3A_42 : memref<128xi32, #tpu.memory_space<vmem>>) semaphore(%arg10 : memref<!tpu.dma_semaphore, #tpu.memory_space<semaphore_mem>>)
    %scan3A_46 = arith.constant 0 : i32
    %scan3A_47 = arith.constant 0 : i32
    %scan3A_48 = arith.constant 20 : i32
    %scan3A_49 = arith.addi %scan3A_47, %scan3A_48 : i32
    %scan3A_50 = arith.constant 1 : i32
    %scan3A_51 = scf.for %scan3A_62 = %scan3A_47 to %scan3A_49 step %scan3A_50 iter_args(%scan3A_63 = %scan3A_46) -> (i32)  : i32 {
      %mul3A_64 = arith.constant 2 : i32
      %mul3A_65 = arith.muli %mul3A_64, %scan3A_62 : i32
      %add3A_66 = arith.constant 0 : i32
      %add3A_67 = arith.addi %mul3A_65, %add3A_66 : i32
      %add3A_68 = arith.constant 1 : i32
      %add3A_69 = arith.addi %add3A_67, %add3A_68 : i32
      %lt3A = arith.constant 40 : i32
      %lt3A_70 = arith.cmpi slt, %add3A_69, %lt3A : i32
      %convert_element_type3A = arith.extui %lt3A_70 : i1 to i32
      %cond3A = arith.constant 0 : i32
      %cond3A_71 = arith.cmpi ne, %convert_element_type3A, %cond3A : i32
      scf.if %cond3A_71 {
        %add3A_106 = arith.constant 1 : i32
        %add3A_107 = arith.addi %add3A_67, %add3A_106 : i32
        %dma_start3A_108 = arith.constant 1 : i32
        %dma_start3A_109 = arith.constant 0 : i32
        %dma_start3A_110 = arith.constant 0 : i32
        %dma_start3A_111 = tpu.memref_slice %arg8[%dma_start3A_108, %dma_start3A_109, %dma_start3A_110] : memref<2x128x128xf32, #tpu.memory_space<vmem>> -> memref<1x128x128xf32, #tpu.memory_space<vmem>>
        %dma_start3A_112 = tpu.memref_squeeze %dma_start3A_111 : memref<1x128x128xf32, #tpu.memory_space<vmem>> -> memref<128x128xf32, #tpu.memory_space<vmem>>
        %dma_start3A_113 = arith.constant 0 : i32
        %dma_start3A_114 = tpu.memref_slice %arg6[%add3A_107, %dma_start3A_113] : memref<40x128xi32, #tpu.memory_space<vmem>> -> memref<1x128xi32, #tpu.memory_space<vmem>>
        %dma_start3A_115 = tpu.memref_squeeze %dma_start3A_114 : memref<1x128xi32, #tpu.memory_space<vmem>> -> memref<128xi32, #tpu.memory_space<vmem>>
        %dma_start3A_116 = arith.constant 0 : i32
        %dma_start3A_117 = arith.constant 0 : i32
        %dma_start3A_118 = tpu.memref_slice %arg2[%dma_start3A_116, %dma_start3A_117] : memref<10240x128xf32, #tpu.memory_space<hbm>> -> memref<10240x128xf32, #tpu.memory_space<hbm>>
        tpu.enqueue_indirect_dma source(%dma_start3A_118 : memref<10240x128xf32, #tpu.memory_space<hbm>>) target(%dma_start3A_112 : memref<128x128xf32, #tpu.memory_space<vmem>>) offsets(%dma_start3A_115 : memref<128xi32, #tpu.memory_space<vmem>>) semaphore(%arg10 : memref<!tpu.dma_semaphore, #tpu.memory_space<semaphore_mem>>)
      } else {
      }
      %dma_wait3A = arith.constant 0 : i32
      %dma_wait3A_72 = arith.constant 0 : i32
      %dma_wait3A_73 = arith.constant 0 : i32
      %dma_wait3A_74 = tpu.memref_slice %arg8[%dma_wait3A, %dma_wait3A_72, %dma_wait3A_73] : memref<2x128x128xf32, #tpu.memory_space<vmem>> -> memref<1x128x128xf32, #tpu.memory_space<vmem>>
      %dma_wait3A_75 = tpu.memref_squeeze %dma_wait3A_74 : memref<1x128x128xf32, #tpu.memory_space<vmem>> -> memref<128x128xf32, #tpu.memory_space<vmem>>
      %dma_wait3A_76 = arith.constant 0 : i32
      %dma_wait3A_77 = tpu.memref_slice %arg6[%add3A_67, %dma_wait3A_76] : memref<40x128xi32, #tpu.memory_space<vmem>> -> memref<1x128xi32, #tpu.memory_space<vmem>>
      %dma_wait3A_78 = tpu.memref_squeeze %dma_wait3A_77 : memref<1x128xi32, #tpu.memory_space<vmem>> -> memref<128xi32, #tpu.memory_space<vmem>>
      %dma_wait3A_79 = arith.constant 0 : i32
      %dma_wait3A_80 = arith.constant 0 : i32
      %dma_wait3A_81 = tpu.memref_slice %arg2[%dma_wait3A_79, %dma_wait3A_80] : memref<10240x128xf32, #tpu.memory_space<hbm>> -> memref<10240x128xf32, #tpu.memory_space<hbm>>
      tpu.wait_indirect_dma semaphore(%arg10 : memref<!tpu.dma_semaphore, #tpu.memory_space<semaphore_mem>>) src(%dma_wait3A_81 : memref<10240x128xf32, #tpu.memory_space<hbm>>) dst(%dma_wait3A_75 : memref<128x128xf32, #tpu.memory_space<vmem>>)
      %run_scoped3A = arith.constant 0 : i32
      "tpu.region"() ({
        %run_scoped3A_106 = tpu.sem_alloc : memref<!tpu.dma_semaphore, #tpu.memory_space<semaphore_mem>>
        %dma_start3A_107 = arith.constant 0 : i32
        %dma_start3A_108 = arith.constant 0 : i32
        %dma_start3A_109 = tpu.memref_slice %arg8[%run_scoped3A, %dma_start3A_107, %dma_start3A_108] : memref<2x128x128xf32, #tpu.memory_space<vmem>> -> memref<1x128x128xf32, #tpu.memory_space<vmem>>
        %dma_start3A_110 = tpu.memref_squeeze %dma_start3A_109 : memref<1x128x128xf32, #tpu.memory_space<vmem>> -> memref<128x128xf32, #tpu.memory_space<vmem>>
        %dma_start3A_111 = arith.constant 0 : i32
        %dma_start3A_112 = tpu.memref_slice %arg7[%add3A_67, %dma_start3A_111] : memref<40x128xi32, #tpu.memory_space<vmem>> -> memref<1x128xi32, #tpu.memory_space<vmem>>
        %dma_start3A_113 = tpu.memref_squeeze %dma_start3A_112 : memref<1x128xi32, #tpu.memory_space<vmem>> -> memref<128xi32, #tpu.memory_space<vmem>>
        %dma_start3A_114 = arith.constant 0 : i32
        %dma_start3A_115 = arith.constant 0 : i32
        %dma_start3A_116 = tpu.memref_slice %arg9[%dma_start3A_114, %dma_start3A_115] : memref<10240x128xf32, #tpu.memory_space<vmem_shared>> -> memref<10240x128xf32, #tpu.memory_space<vmem_shared>>
        tpu.enqueue_indirect_dma source(%dma_start3A_110 : memref<128x128xf32, #tpu.memory_space<vmem>>) target(%dma_start3A_116 : memref<10240x128xf32, #tpu.memory_space<vmem_shared>>) offsets(%dma_start3A_113 : memref<128xi32, #tpu.memory_space<vmem>>) semaphore(%run_scoped3A_106 : memref<!tpu.dma_semaphore, #tpu.memory_space<semaphore_mem>>) {add = true}
        %dma_wait3A_117 = arith.constant 0 : i32
        %dma_wait3A_118 = arith.constant 0 : i32
        %dma_wait3A_119 = tpu.memref_slice %arg8[%run_scoped3A, %dma_wait3A_117, %dma_wait3A_118] : memref<2x128x128xf32, #tpu.memory_space<vmem>> -> memref<1x128x128xf32, #tpu.memory_space<vmem>>
        %dma_wait3A_120 = tpu.memref_squeeze %dma_wait3A_119 : memref<1x128x128xf32, #tpu.memory_space<vmem>> -> memref<128x128xf32, #tpu.memory_space<vmem>>
        %dma_wait3A_121 = arith.constant 0 : i32
        %dma_wait3A_122 = tpu.memref_slice %arg7[%add3A_67, %dma_wait3A_121] : memref<40x128xi32, #tpu.memory_space<vmem>> -> memref<1x128xi32, #tpu.memory_space<vmem>>
        %dma_wait3A_123 = tpu.memref_squeeze %dma_wait3A_122 : memref<1x128xi32, #tpu.memory_space<vmem>> -> memref<128xi32, #tpu.memory_space<vmem>>
        %dma_wait3A_124 = arith.constant 0 : i32
        %dma_wait3A_125 = arith.constant 0 : i32
        %dma_wait3A_126 = tpu.memref_slice %arg9[%dma_wait3A_124, %dma_wait3A_125] : memref<10240x128xf32, #tpu.memory_space<vmem_shared>> -> memref<10240x128xf32, #tpu.memory_space<vmem_shared>>
        tpu.wait_indirect_dma semaphore(%run_scoped3A_106 : memref<!tpu.dma_semaphore, #tpu.memory_space<semaphore_mem>>) src(%dma_wait3A_120 : memref<128x128xf32, #tpu.memory_space<vmem>>) dst(%dma_wait3A_126 : memref<10240x128xf32, #tpu.memory_space<vmem_shared>>)
        tpu.yield
      }) : () -> ()
      %mul3A_82 = arith.constant 2 : i32
      %mul3A_83 = arith.muli %mul3A_82, %scan3A_62 : i32
      %add3A_84 = arith.constant 1 : i32
      %add3A_85 = arith.addi %mul3A_83, %add3A_84 : i32
      %add3A_86 = arith.constant 1 : i32
      %add3A_87 = arith.addi %add3A_85, %add3A_86 : i32
      %lt3A_88 = arith.constant 40 : i32
      %lt3A_89 = arith.cmpi slt, %add3A_87, %lt3A_88 : i32
      %convert_element_type3A_90 = arith.extui %lt3A_89 : i1 to i32
      %cond3A_91 = arith.constant 0 : i32
      %cond3A_92 = arith.cmpi ne, %convert_element_type3A_90, %cond3A_91 : i32
      scf.if %cond3A_92 {
        %add3A_106 = arith.constant 1 : i32
        %add3A_107 = arith.addi %add3A_85, %add3A_106 : i32
        %dma_start3A_108 = arith.constant 0 : i32
        %dma_start3A_109 = arith.constant 0 : i32
        %dma_start3A_110 = arith.constant 0 : i32
        %dma_start3A_111 = tpu.memref_slice %arg8[%dma_start3A_108, %dma_start3A_109, %dma_start3A_110] : memref<2x128x128xf32, #tpu.memory_space<vmem>> -> memref<1x128x128xf32, #tpu.memory_space<vmem>>
        %dma_start3A_112 = tpu.memref_squeeze %dma_start3A_111 : memref<1x128x128xf32, #tpu.memory_space<vmem>> -> memref<128x128xf32, #tpu.memory_space<vmem>>
        %dma_start3A_113 = arith.constant 0 : i32
        %dma_start3A_114 = tpu.memref_slice %arg6[%add3A_107, %dma_start3A_113] : memref<40x128xi32, #tpu.memory_space<vmem>> -> memref<1x128xi32, #tpu.memory_space<vmem>>
        %dma_start3A_115 = tpu.memref_squeeze %dma_start3A_114 : memref<1x128xi32, #tpu.memory_space<vmem>> -> memref<128xi32, #tpu.memory_space<vmem>>
        %dma_start3A_116 = arith.constant 0 : i32
        %dma_start3A_117 = arith.constant 0 : i32
        %dma_start3A_118 = tpu.memref_slice %arg2[%dma_start3A_116, %dma_start3A_117] : memref<10240x128xf32, #tpu.memory_space<hbm>> -> memref<10240x128xf32, #tpu.memory_space<hbm>>
        tpu.enqueue_indirect_dma source(%dma_start3A_118 : memref<10240x128xf32, #tpu.memory_space<hbm>>) target(%dma_start3A_112 : memref<128x128xf32, #tpu.memory_space<vmem>>) offsets(%dma_start3A_115 : memref<128xi32, #tpu.memory_space<vmem>>) semaphore(%arg10 : memref<!tpu.dma_semaphore, #tpu.memory_space<semaphore_mem>>)
      } else {
      }
      %dma_wait3A_93 = arith.constant 1 : i32
      %dma_wait3A_94 = arith.constant 0 : i32
      %dma_wait3A_95 = arith.constant 0 : i32
      %dma_wait3A_96 = tpu.memref_slice %arg8[%dma_wait3A_93, %dma_wait3A_94, %dma_wait3A_95] : memref<2x128x128xf32, #tpu.memory_space<vmem>> -> memref<1x128x128xf32, #tpu.memory_space<vmem>>
      %dma_wait3A_97 = tpu.memref_squeeze %dma_wait3A_96 : memref<1x128x128xf32, #tpu.memory_space<vmem>> -> memref<128x128xf32, #tpu.memory_space<vmem>>
      %dma_wait3A_98 = arith.constant 0 : i32
      %dma_wait3A_99 = tpu.memref_slice %arg6[%add3A_85, %dma_wait3A_98] : memref<40x128xi32, #tpu.memory_space<vmem>> -> memref<1x128xi32, #tpu.memory_space<vmem>>
      %dma_wait3A_100 = tpu.memref_squeeze %dma_wait3A_99 : memref<1x128xi32, #tpu.memory_space<vmem>> -> memref<128xi32, #tpu.memory_space<vmem>>
      %dma_wait3A_101 = arith.constant 0 : i32
      %dma_wait3A_102 = arith.constant 0 : i32
      %dma_wait3A_103 = tpu.memref_slice %arg2[%dma_wait3A_101, %dma_wait3A_102] : memref<10240x128xf32, #tpu.memory_space<hbm>> -> memref<10240x128xf32, #tpu.memory_space<hbm>>
      tpu.wait_indirect_dma semaphore(%arg10 : memref<!tpu.dma_semaphore, #tpu.memory_space<semaphore_mem>>) src(%dma_wait3A_103 : memref<10240x128xf32, #tpu.memory_space<hbm>>) dst(%dma_wait3A_97 : memref<128x128xf32, #tpu.memory_space<vmem>>)
      %run_scoped3A_104 = arith.constant 1 : i32
      "tpu.region"() ({
        %run_scoped3A_106 = tpu.sem_alloc : memref<!tpu.dma_semaphore, #tpu.memory_space<semaphore_mem>>
        %dma_start3A_107 = arith.constant 0 : i32
        %dma_start3A_108 = arith.constant 0 : i32
        %dma_start3A_109 = tpu.memref_slice %arg8[%run_scoped3A_104, %dma_start3A_107, %dma_start3A_108] : memref<2x128x128xf32, #tpu.memory_space<vmem>> -> memref<1x128x128xf32, #tpu.memory_space<vmem>>
        %dma_start3A_110 = tpu.memref_squeeze %dma_start3A_109 : memref<1x128x128xf32, #tpu.memory_space<vmem>> -> memref<128x128xf32, #tpu.memory_space<vmem>>
        %dma_start3A_111 = arith.constant 0 : i32
        %dma_start3A_112 = tpu.memref_slice %arg7[%add3A_85, %dma_start3A_111] : memref<40x128xi32, #tpu.memory_space<vmem>> -> memref<1x128xi32, #tpu.memory_space<vmem>>
        %dma_start3A_113 = tpu.memref_squeeze %dma_start3A_112 : memref<1x128xi32, #tpu.memory_space<vmem>> -> memref<128xi32, #tpu.memory_space<vmem>>
        %dma_start3A_114 = arith.constant 0 : i32
        %dma_start3A_115 = arith.constant 0 : i32
        %dma_start3A_116 = tpu.memref_slice %arg9[%dma_start3A_114, %dma_start3A_115] : memref<10240x128xf32, #tpu.memory_space<vmem_shared>> -> memref<10240x128xf32, #tpu.memory_space<vmem_shared>>
        tpu.enqueue_indirect_dma source(%dma_start3A_110 : memref<128x128xf32, #tpu.memory_space<vmem>>) target(%dma_start3A_116 : memref<10240x128xf32, #tpu.memory_space<vmem_shared>>) offsets(%dma_start3A_113 : memref<128xi32, #tpu.memory_space<vmem>>) semaphore(%run_scoped3A_106 : memref<!tpu.dma_semaphore, #tpu.memory_space<semaphore_mem>>) {add = true}
        %dma_wait3A_117 = arith.constant 0 : i32
        %dma_wait3A_118 = arith.constant 0 : i32
        %dma_wait3A_119 = tpu.memref_slice %arg8[%run_scoped3A_104, %dma_wait3A_117, %dma_wait3A_118] : memref<2x128x128xf32, #tpu.memory_space<vmem>> -> memref<1x128x128xf32, #tpu.memory_space<vmem>>
        %dma_wait3A_120 = tpu.memref_squeeze %dma_wait3A_119 : memref<1x128x128xf32, #tpu.memory_space<vmem>> -> memref<128x128xf32, #tpu.memory_space<vmem>>
        %dma_wait3A_121 = arith.constant 0 : i32
        %dma_wait3A_122 = tpu.memref_slice %arg7[%add3A_85, %dma_wait3A_121] : memref<40x128xi32, #tpu.memory_space<vmem>> -> memref<1x128xi32, #tpu.memory_space<vmem>>
        %dma_wait3A_123 = tpu.memref_squeeze %dma_wait3A_122 : memref<1x128xi32, #tpu.memory_space<vmem>> -> memref<128xi32, #tpu.memory_space<vmem>>
        %dma_wait3A_124 = arith.constant 0 : i32
        %dma_wait3A_125 = arith.constant 0 : i32
        %dma_wait3A_126 = tpu.memref_slice %arg9[%dma_wait3A_124, %dma_wait3A_125] : memref<10240x128xf32, #tpu.memory_space<vmem_shared>> -> memref<10240x128xf32, #tpu.memory_space<vmem_shared>>
        tpu.wait_indirect_dma semaphore(%run_scoped3A_106 : memref<!tpu.dma_semaphore, #tpu.memory_space<semaphore_mem>>) src(%dma_wait3A_120 : memref<128x128xf32, #tpu.memory_space<vmem>>) dst(%dma_wait3A_126 : memref<10240x128xf32, #tpu.memory_space<vmem_shared>>)
        tpu.yield
      }) : () -> ()
      %scan3A_105 = arith.constant 0 : i32
      scf.yield %scan3A_105 : i32
    }
    %scan3A_52 = arith.constant 20 : i32
    %barrier3A_53 = arith.constant 0 : index
    tpu.barrier barrier_id(%barrier3A_53)
    %scan3A_54 = arith.constant 0 : i32
    %scan3A_55 = arith.constant 0 : i32
    %scan3A_56 = arith.constant 0 : i32
    %scan3A_57 = arith.constant 5 : i32
    %scan3A_58 = arith.addi %scan3A_56, %scan3A_57 : i32
    %scan3A_59 = arith.constant 1 : i32
    %scan3A_60 = scf.for %scan3A_62 = %scan3A_56 to %scan3A_58 step %scan3A_59 iter_args(%scan3A_63 = %scan3A_55) -> (i32)  : i32 {
      %mul3A_64 = arith.constant 640 : i32
      %mul3A_65 = arith.muli %arg1, %mul3A_64 : i32
      %mul3A_66 = arith.constant 128 : i32
      %mul3A_67 = arith.muli %scan3A_62, %mul3A_66 : i32
      %add3A_68 = arith.addi %mul3A_65, %mul3A_67 : i32
      "tpu.region"() ({
        %run_scoped3A = tpu.sem_alloc : memref<!tpu.dma_semaphore, #tpu.memory_space<semaphore_mem>>
        %dma_start3A_70 = arith.constant 0 : i32
        %dma_start3A_71 = arith.constant 0 : i32
        %dma_start3A_72 = tpu.memref_slice %arg8[%scan3A_54, %dma_start3A_70, %dma_start3A_71] : memref<2x128x128xf32, #tpu.memory_space<vmem>> -> memref<1x128x128xf32, #tpu.memory_space<vmem>>
        %dma_start3A_73 = tpu.memref_squeeze %dma_start3A_72 : memref<1x128x128xf32, #tpu.memory_space<vmem>> -> memref<128x128xf32, #tpu.memory_space<vmem>>
        %dma_start3A_74 = arith.constant 0 : i32
        %dma_start3A_75 = tpu.memref_slice %arg9[%add3A_68, %dma_start3A_74] : memref<10240x128xf32, #tpu.memory_space<vmem_shared>> -> memref<128x128xf32, #tpu.memory_space<vmem_shared>>
        %dma_start3A_76 = arith.constant 0 : i32
        %dma_start3A_77 = arith.constant 0 : i32
        %dma_start3A_78 = tpu.memref_slice %arg8[%scan3A_54, %dma_start3A_76, %dma_start3A_77] : memref<2x128x128xf32, #tpu.memory_space<vmem>> -> memref<1x128x128xf32, #tpu.memory_space<vmem>>
        %dma_start3A_79 = tpu.memref_squeeze %dma_start3A_78 : memref<1x128x128xf32, #tpu.memory_space<vmem>> -> memref<128x128xf32, #tpu.memory_space<vmem>>
        %dma_start3A_80 = arith.constant 0 : i32
        %dma_start3A_81 = tpu.memref_slice %arg9[%add3A_68, %dma_start3A_80] : memref<10240x128xf32, #tpu.memory_space<vmem_shared>> -> memref<128x128xf32, #tpu.memory_space<vmem_shared>>
        tpu.enqueue_dma source(%dma_start3A_81 : memref<128x128xf32, #tpu.memory_space<vmem_shared>>) target(%dma_start3A_79 : memref<128x128xf32, #tpu.memory_space<vmem>>) target_semaphore(%run_scoped3A : memref<!tpu.dma_semaphore, #tpu.memory_space<semaphore_mem>>)
        %dma_wait3A = arith.constant 0 : i32
        %dma_wait3A_82 = arith.constant 0 : i32
        %dma_wait3A_83 = tpu.memref_slice %arg8[%scan3A_54, %dma_wait3A, %dma_wait3A_82] : memref<2x128x128xf32, #tpu.memory_space<vmem>> -> memref<1x128x128xf32, #tpu.memory_space<vmem>>
        %dma_wait3A_84 = tpu.memref_squeeze %dma_wait3A_83 : memref<1x128x128xf32, #tpu.memory_space<vmem>> -> memref<128x128xf32, #tpu.memory_space<vmem>>
        %dma_wait3A_85 = arith.constant 0 : i32
        %dma_wait3A_86 = tpu.memref_slice %arg9[%add3A_68, %dma_wait3A_85] : memref<10240x128xf32, #tpu.memory_space<vmem_shared>> -> memref<128x128xf32, #tpu.memory_space<vmem_shared>>
        %dma_wait3A_87 = arith.constant 0 : i32
        %dma_wait3A_88 = arith.constant 0 : i32
        %dma_wait3A_89 = tpu.memref_slice %arg8[%scan3A_54, %dma_wait3A_87, %dma_wait3A_88] : memref<2x128x128xf32, #tpu.memory_space<vmem>> -> memref<1x128x128xf32, #tpu.memory_space<vmem>>
        %dma_wait3A_90 = tpu.memref_squeeze %dma_wait3A_89 : memref<1x128x128xf32, #tpu.memory_space<vmem>> -> memref<128x128xf32, #tpu.memory_space<vmem>>
        %dma_wait3A_91 = arith.constant 0 : i32
        %dma_wait3A_92 = tpu.memref_slice %arg9[%add3A_68, %dma_wait3A_91] : memref<10240x128xf32, #tpu.memory_space<vmem_shared>> -> memref<128x128xf32, #tpu.memory_space<vmem_shared>>
        tpu.wait_dma2 semaphore(%run_scoped3A : memref<!tpu.dma_semaphore, #tpu.memory_space<semaphore_mem>>) src(%dma_wait3A_92 : memref<128x128xf32, #tpu.memory_space<vmem_shared>>) dst(%dma_wait3A_90 : memref<128x128xf32, #tpu.memory_space<vmem>>)
        tpu.yield
      }) : () -> ()
      "tpu.region"() ({
        %run_scoped3A = tpu.sem_alloc : memref<!tpu.dma_semaphore, #tpu.memory_space<semaphore_mem>>
        %dma_start3A_70 = arith.constant 0 : i32
        %dma_start3A_71 = arith.constant 0 : i32
        %dma_start3A_72 = tpu.memref_slice %arg8[%scan3A_54, %dma_start3A_70, %dma_start3A_71] : memref<2x128x128xf32, #tpu.memory_space<vmem>> -> memref<1x128x128xf32, #tpu.memory_space<vmem>>
        %dma_start3A_73 = tpu.memref_squeeze %dma_start3A_72 : memref<1x128x128xf32, #tpu.memory_space<vmem>> -> memref<128x128xf32, #tpu.memory_space<vmem>>
        %dma_start3A_74 = arith.constant 0 : i32
        %dma_start3A_75 = tpu.memref_slice %arg5[%arg0, %add3A_68, %dma_start3A_74] : memref<2x10240x128xf32, #tpu.memory_space<hbm>> -> memref<1x128x128xf32, #tpu.memory_space<hbm>>
        %dma_start3A_76 = tpu.memref_squeeze %dma_start3A_75 : memref<1x128x128xf32, #tpu.memory_space<hbm>> -> memref<128x128xf32, #tpu.memory_space<hbm>>
        %dma_start3A_77 = arith.constant 0 : i32
        %dma_start3A_78 = tpu.memref_slice %arg5[%arg0, %add3A_68, %dma_start3A_77] : memref<2x10240x128xf32, #tpu.memory_space<hbm>> -> memref<1x128x128xf32, #tpu.memory_space<hbm>>
        %dma_start3A_79 = tpu.memref_squeeze %dma_start3A_78 : memref<1x128x128xf32, #tpu.memory_space<hbm>> -> memref<128x128xf32, #tpu.memory_space<hbm>>
        %dma_start3A_80 = arith.constant 0 : i32
        %dma_start3A_81 = arith.constant 0 : i32
        %dma_start3A_82 = tpu.memref_slice %arg8[%scan3A_54, %dma_start3A_80, %dma_start3A_81] : memref<2x128x128xf32, #tpu.memory_space<vmem>> -> memref<1x128x128xf32, #tpu.memory_space<vmem>>
        %dma_start3A_83 = tpu.memref_squeeze %dma_start3A_82 : memref<1x128x128xf32, #tpu.memory_space<vmem>> -> memref<128x128xf32, #tpu.memory_space<vmem>>
        tpu.enqueue_dma source(%dma_start3A_83 : memref<128x128xf32, #tpu.memory_space<vmem>>) target(%dma_start3A_79 : memref<128x128xf32, #tpu.memory_space<hbm>>) target_semaphore(%run_scoped3A : memref<!tpu.dma_semaphore, #tpu.memory_space<semaphore_mem>>)
        %dma_wait3A = arith.constant 0 : i32
        %dma_wait3A_84 = arith.constant 0 : i32
        %dma_wait3A_85 = tpu.memref_slice %arg8[%scan3A_54, %dma_wait3A, %dma_wait3A_84] : memref<2x128x128xf32, #tpu.memory_space<vmem>> -> memref<1x128x128xf32, #tpu.memory_space<vmem>>
        %dma_wait3A_86 = tpu.memref_squeeze %dma_wait3A_85 : memref<1x128x128xf32, #tpu.memory_space<vmem>> -> memref<128x128xf32, #tpu.memory_space<vmem>>
        %dma_wait3A_87 = arith.constant 0 : i32
        %dma_wait3A_88 = tpu.memref_slice %arg5[%arg0, %add3A_68, %dma_wait3A_87] : memref<2x10240x128xf32, #tpu.memory_space<hbm>> -> memref<1x128x128xf32, #tpu.memory_space<hbm>>
        %dma_wait3A_89 = tpu.memref_squeeze %dma_wait3A_88 : memref<1x128x128xf32, #tpu.memory_space<hbm>> -> memref<128x128xf32, #tpu.memory_space<hbm>>
        %dma_wait3A_90 = arith.constant 0 : i32
        %dma_wait3A_91 = tpu.memref_slice %arg5[%arg0, %add3A_68, %dma_wait3A_90] : memref<2x10240x128xf32, #tpu.memory_space<hbm>> -> memref<1x128x128xf32, #tpu.memory_space<hbm>>
        %dma_wait3A_92 = tpu.memref_squeeze %dma_wait3A_91 : memref<1x128x128xf32, #tpu.memory_space<hbm>> -> memref<128x128xf32, #tpu.memory_space<hbm>>
        %dma_wait3A_93 = arith.constant 0 : i32
        %dma_wait3A_94 = arith.constant 0 : i32
        %dma_wait3A_95 = tpu.memref_slice %arg8[%scan3A_54, %dma_wait3A_93, %dma_wait3A_94] : memref<2x128x128xf32, #tpu.memory_space<vmem>> -> memref<1x128x128xf32, #tpu.memory_space<vmem>>
        %dma_wait3A_96 = tpu.memref_squeeze %dma_wait3A_95 : memref<1x128x128xf32, #tpu.memory_space<vmem>> -> memref<128x128xf32, #tpu.memory_space<vmem>>
        tpu.wait_dma2 semaphore(%run_scoped3A : memref<!tpu.dma_semaphore, #tpu.memory_space<semaphore_mem>>) src(%dma_wait3A_96 : memref<128x128xf32, #tpu.memory_space<vmem>>) dst(%dma_wait3A_92 : memref<128x128xf32, #tpu.memory_space<hbm>>)
        tpu.yield
      }) : () -> ()
      %scan3A_69 = arith.constant 0 : i32
      scf.yield %scan3A_69 : i32
    }
    %scan3A_61 = arith.constant 5 : i32
    return
  }
}

#map = affine_map<(d0, d1) -> (0, 0)>
#map1 = affine_map<(d0, d1) -> (0, 0, 0)>
module attributes {stable_mosaic.version = 14 : i64} {
  func.func @_prop_body(%arg0: i32, %arg1: i32, %arg2: memref<10240x128xf32, #tpu.memory_space<hbm>>, %arg3: memref<32x80x128xi32, #tpu.memory_space<hbm>>, %arg4: memref<32x80x128xi32, #tpu.memory_space<hbm>>, %arg5: memref<2x10240x128xf32, #tpu.memory_space<hbm>>, %arg6: memref<40x128xi32, #tpu.memory_space<vmem>>, %arg7: memref<40x128xi32, #tpu.memory_space<vmem>>, %arg8: memref<2x128x128xf32, #tpu.memory_space<vmem>>, %arg9: memref<10240x128xf32, #tpu.memory_space<vmem_shared>>, %arg10: memref<!tpu.dma_semaphore, #tpu.memory_space<semaphore_mem>>) attributes {dimension_semantics = [#tpu.dimension_semantics<core_parallel>, #tpu.dimension_semantics<subcore_parallel>], iteration_bounds = array<i64: 2, 16>, scalar_prefetch = 0 : i64, scratch_operands = 5 : i64, tpu.core_type = #tpu.core_type<sc_vector_subcore>, window_params = [{transform_indices = #map}, {transform_indices = #map1}, {transform_indices = #map1}, {transform_indices = #map1}]} {
    %mul3A = arith.constant 2 : i32
    %mul3A_0 = arith.muli %arg1, %mul3A : i32
    %add3A = arith.addi %mul3A_0, %arg0 : i32
    %scan3A = arith.constant 0 : i32
    %scan3A_1 = arith.constant 0 : i32
    %scan3A_2 = arith.constant 0 : i32
    %scan3A_3 = arith.constant 128 : i32
    %scan3A_4 = arith.addi %scan3A_2, %scan3A_3 : i32
    %scan3A_5 = arith.constant 1 : i32
    %scan3A_6 = scf.for %scan3A_62 = %scan3A_2 to %scan3A_4 step %scan3A_5 iter_args(%scan3A_63 = %scan3A_1) -> (i32)  : i32 {
      %broadcast_in_dim3A = arith.constant 0.000000e+00 : f32
      %broadcast_in_dim3A_64 = vector.broadcast %broadcast_in_dim3A : f32 to vector<16xf32>
      %swap3A = arith.constant 0 : i32
      %swap3A_65 = arith.constant 0 : i32
      %swap3A_66 = tpu.memref_slice %arg8[%scan3A, %swap3A, %swap3A_65] : memref<2x128x128xf32, #tpu.memory_space<vmem>> -> memref<1x128x128xf32, #tpu.memory_space<vmem>>
      %swap3A_67 = tpu.memref_squeeze %swap3A_66 : memref<1x128x128xf32, #tpu.memory_space<vmem>> -> memref<128x128xf32, #tpu.memory_space<vmem>>
      %swap3A_68 = arith.index_cast %scan3A_62 : i32 to index
      %swap3A_69 = arith.constant 0 : index
      %swap3A_70 = tpu.vector_load %swap3A_67[%swap3A_68, %swap3A_69] {strides = array<i32>} : memref<128x128xf32, #tpu.memory_space<vmem>>, vector<1x16xf32>,
      %swap3A_71 = vector.shape_cast %swap3A_70 : vector<1x16xf32> to vector<16xf32>
      %swap3A_72 = vector.shape_cast %broadcast_in_dim3A_64 : vector<16xf32> to vector<1x16xf32>
      tpu.vector_store %swap3A_67[%swap3A_68, %swap3A_69], %swap3A_72 {strides = array<i32>} : memref<128x128xf32, #tpu.memory_space<vmem>>, vector<1x16xf32>,
      %broadcast_in_dim3A_73 = arith.constant 0.000000e+00 : f32
      %broadcast_in_dim3A_74 = vector.broadcast %broadcast_in_dim3A_73 : f32 to vector<16xf32>
      %swap3A_75 = arith.constant 0 : i32
      %swap3A_76 = arith.constant 0 : i32
      %swap3A_77 = tpu.memref_slice %arg8[%scan3A, %swap3A_75, %swap3A_76] : memref<2x128x128xf32, #tpu.memory_space<vmem>> -> memref<1x128x128xf32, #tpu.memory_space<vmem>>
      %swap3A_78 = tpu.memref_squeeze %swap3A_77 : memref<1x128x128xf32, #tpu.memory_space<vmem>> -> memref<128x128xf32, #tpu.memory_space<vmem>>
      %swap3A_79 = arith.index_cast %scan3A_62 : i32 to index
      %swap3A_80 = arith.constant 16 : index
      %swap3A_81 = tpu.vector_load %swap3A_78[%swap3A_79, %swap3A_80] {strides = array<i32>} : memref<128x128xf32, #tpu.memory_space<vmem>>, vector<1x16xf32>,
      %swap3A_82 = vector.shape_cast %swap3A_81 : vector<1x16xf32> to vector<16xf32>
      %swap3A_83 = vector.shape_cast %broadcast_in_dim3A_74 : vector<16xf32> to vector<1x16xf32>
      tpu.vector_store %swap3A_78[%swap3A_79, %swap3A_80], %swap3A_83 {strides = array<i32>} : memref<128x128xf32, #tpu.memory_space<vmem>>, vector<1x16xf32>,
      %broadcast_in_dim3A_84 = arith.constant 0.000000e+00 : f32
      %broadcast_in_dim3A_85 = vector.broadcast %broadcast_in_dim3A_84 : f32 to vector<16xf32>
      %swap3A_86 = arith.constant 0 : i32
      %swap3A_87 = arith.constant 0 : i32
      %swap3A_88 = tpu.memref_slice %arg8[%scan3A, %swap3A_86, %swap3A_87] : memref<2x128x128xf32, #tpu.memory_space<vmem>> -> memref<1x128x128xf32, #tpu.memory_space<vmem>>
      %swap3A_89 = tpu.memref_squeeze %swap3A_88 : memref<1x128x128xf32, #tpu.memory_space<vmem>> -> memref<128x128xf32, #tpu.memory_space<vmem>>
      %swap3A_90 = arith.index_cast %scan3A_62 : i32 to index
      %swap3A_91 = arith.constant 32 : index
      %swap3A_92 = tpu.vector_load %swap3A_89[%swap3A_90, %swap3A_91] {strides = array<i32>} : memref<128x128xf32, #tpu.memory_space<vmem>>, vector<1x16xf32>,
      %swap3A_93 = vector.shape_cast %swap3A_92 : vector<1x16xf32> to vector<16xf32>
      %swap3A_94 = vector.shape_cast %broadcast_in_dim3A_85 : vector<16xf32> to vector<1x16xf32>
      tpu.vector_store %swap3A_89[%swap3A_90, %swap3A_91], %swap3A_94 {strides = array<i32>} : memref<128x128xf32, #tpu.memory_space<vmem>>, vector<1x16xf32>,
      %broadcast_in_dim3A_95 = arith.constant 0.000000e+00 : f32
      %broadcast_in_dim3A_96 = vector.broadcast %broadcast_in_dim3A_95 : f32 to vector<16xf32>
      %swap3A_97 = arith.constant 0 : i32
      %swap3A_98 = arith.constant 0 : i32
      %swap3A_99 = tpu.memref_slice %arg8[%scan3A, %swap3A_97, %swap3A_98] : memref<2x128x128xf32, #tpu.memory_space<vmem>> -> memref<1x128x128xf32, #tpu.memory_space<vmem>>
      %swap3A_100 = tpu.memref_squeeze %swap3A_99 : memref<1x128x128xf32, #tpu.memory_space<vmem>> -> memref<128x128xf32, #tpu.memory_space<vmem>>
      %swap3A_101 = arith.index_cast %scan3A_62 : i32 to index
      %swap3A_102 = arith.constant 48 : index
      %swap3A_103 = tpu.vector_load %swap3A_100[%swap3A_101, %swap3A_102] {strides = array<i32>} : memref<128x128xf32, #tpu.memory_space<vmem>>, vector<1x16xf32>,
      %swap3A_104 = vector.shape_cast %swap3A_103 : vector<1x16xf32> to vector<16xf32>
      %swap3A_105 = vector.shape_cast %broadcast_in_dim3A_96 : vector<16xf32> to vector<1x16xf32>
      tpu.vector_store %swap3A_100[%swap3A_101, %swap3A_102], %swap3A_105 {strides = array<i32>} : memref<128x128xf32, #tpu.memory_space<vmem>>, vector<1x16xf32>,
      %broadcast_in_dim3A_106 = arith.constant 0.000000e+00 : f32
      %broadcast_in_dim3A_107 = vector.broadcast %broadcast_in_dim3A_106 : f32 to vector<16xf32>
      %swap3A_108 = arith.constant 0 : i32
      %swap3A_109 = arith.constant 0 : i32
      %swap3A_110 = tpu.memref_slice %arg8[%scan3A, %swap3A_108, %swap3A_109] : memref<2x128x128xf32, #tpu.memory_space<vmem>> -> memref<1x128x128xf32, #tpu.memory_space<vmem>>
      %swap3A_111 = tpu.memref_squeeze %swap3A_110 : memref<1x128x128xf32, #tpu.memory_space<vmem>> -> memref<128x128xf32, #tpu.memory_space<vmem>>
      %swap3A_112 = arith.index_cast %scan3A_62 : i32 to index
      %swap3A_113 = arith.constant 64 : index
      %swap3A_114 = tpu.vector_load %swap3A_111[%swap3A_112, %swap3A_113] {strides = array<i32>} : memref<128x128xf32, #tpu.memory_space<vmem>>, vector<1x16xf32>,
      %swap3A_115 = vector.shape_cast %swap3A_114 : vector<1x16xf32> to vector<16xf32>
      %swap3A_116 = vector.shape_cast %broadcast_in_dim3A_107 : vector<16xf32> to vector<1x16xf32>
      tpu.vector_store %swap3A_111[%swap3A_112, %swap3A_113], %swap3A_116 {strides = array<i32>} : memref<128x128xf32, #tpu.memory_space<vmem>>, vector<1x16xf32>,
      %broadcast_in_dim3A_117 = arith.constant 0.000000e+00 : f32
      %broadcast_in_dim3A_118 = vector.broadcast %broadcast_in_dim3A_117 : f32 to vector<16xf32>
      %swap3A_119 = arith.constant 0 : i32
      %swap3A_120 = arith.constant 0 : i32
      %swap3A_121 = tpu.memref_slice %arg8[%scan3A, %swap3A_119, %swap3A_120] : memref<2x128x128xf32, #tpu.memory_space<vmem>> -> memref<1x128x128xf32, #tpu.memory_space<vmem>>
      %swap3A_122 = tpu.memref_squeeze %swap3A_121 : memref<1x128x128xf32, #tpu.memory_space<vmem>> -> memref<128x128xf32, #tpu.memory_space<vmem>>
      %swap3A_123 = arith.index_cast %scan3A_62 : i32 to index
      %swap3A_124 = arith.constant 80 : index
      %swap3A_125 = tpu.vector_load %swap3A_122[%swap3A_123, %swap3A_124] {strides = array<i32>} : memref<128x128xf32, #tpu.memory_space<vmem>>, vector<1x16xf32>,
      %swap3A_126 = vector.shape_cast %swap3A_125 : vector<1x16xf32> to vector<16xf32>
      %swap3A_127 = vector.shape_cast %broadcast_in_dim3A_118 : vector<16xf32> to vector<1x16xf32>
      tpu.vector_store %swap3A_122[%swap3A_123, %swap3A_124], %swap3A_127 {strides = array<i32>} : memref<128x128xf32, #tpu.memory_space<vmem>>, vector<1x16xf32>,
      %broadcast_in_dim3A_128 = arith.constant 0.000000e+00 : f32
      %broadcast_in_dim3A_129 = vector.broadcast %broadcast_in_dim3A_128 : f32 to vector<16xf32>
      %swap3A_130 = arith.constant 0 : i32
      %swap3A_131 = arith.constant 0 : i32
      %swap3A_132 = tpu.memref_slice %arg8[%scan3A, %swap3A_130, %swap3A_131] : memref<2x128x128xf32, #tpu.memory_space<vmem>> -> memref<1x128x128xf32, #tpu.memory_space<vmem>>
      %swap3A_133 = tpu.memref_squeeze %swap3A_132 : memref<1x128x128xf32, #tpu.memory_space<vmem>> -> memref<128x128xf32, #tpu.memory_space<vmem>>
      %swap3A_134 = arith.index_cast %scan3A_62 : i32 to index
      %swap3A_135 = arith.constant 96 : index
      %swap3A_136 = tpu.vector_load %swap3A_133[%swap3A_134, %swap3A_135] {strides = array<i32>} : memref<128x128xf32, #tpu.memory_space<vmem>>, vector<1x16xf32>,
      %swap3A_137 = vector.shape_cast %swap3A_136 : vector<1x16xf32> to vector<16xf32>
      %swap3A_138 = vector.shape_cast %broadcast_in_dim3A_129 : vector<16xf32> to vector<1x16xf32>
      tpu.vector_store %swap3A_133[%swap3A_134, %swap3A_135], %swap3A_138 {strides = array<i32>} : memref<128x128xf32, #tpu.memory_space<vmem>>, vector<1x16xf32>,
      %broadcast_in_dim3A_139 = arith.constant 0.000000e+00 : f32
      %broadcast_in_dim3A_140 = vector.broadcast %broadcast_in_dim3A_139 : f32 to vector<16xf32>
      %swap3A_141 = arith.constant 0 : i32
      %swap3A_142 = arith.constant 0 : i32
      %swap3A_143 = tpu.memref_slice %arg8[%scan3A, %swap3A_141, %swap3A_142] : memref<2x128x128xf32, #tpu.memory_space<vmem>> -> memref<1x128x128xf32, #tpu.memory_space<vmem>>
      %swap3A_144 = tpu.memref_squeeze %swap3A_143 : memref<1x128x128xf32, #tpu.memory_space<vmem>> -> memref<128x128xf32, #tpu.memory_space<vmem>>
      %swap3A_145 = arith.index_cast %scan3A_62 : i32 to index
      %swap3A_146 = arith.constant 112 : index
      %swap3A_147 = tpu.vector_load %swap3A_144[%swap3A_145, %swap3A_146] {strides = array<i32>} : memref<128x128xf32, #tpu.memory_space<vmem>>, vector<1x16xf32>,
      %swap3A_148 = vector.shape_cast %swap3A_147 : vector<1x16xf32> to vector<16xf32>
      %swap3A_149 = vector.shape_cast %broadcast_in_dim3A_140 : vector<16xf32> to vector<1x16xf32>
      tpu.vector_store %swap3A_144[%swap3A_145, %swap3A_146], %swap3A_149 {strides = array<i32>} : memref<128x128xf32, #tpu.memory_space<vmem>>, vector<1x16xf32>,
      %scan3A_150 = arith.constant 0 : i32
      scf.yield %scan3A_150 : i32
    }
    %scan3A_7 = arith.constant 128 : i32
    %scan3A_8 = arith.constant 0 : i32
    %scan3A_9 = arith.constant 0 : i32
    %scan3A_10 = arith.constant 0 : i32
    %scan3A_11 = arith.constant 5 : i32
    %scan3A_12 = arith.addi %scan3A_10, %scan3A_11 : i32
    %scan3A_13 = arith.constant 1 : i32
    %scan3A_14 = scf.for %scan3A_62 = %scan3A_10 to %scan3A_12 step %scan3A_13 iter_args(%scan3A_63 = %scan3A_9) -> (i32)  : i32 {
      %mul3A_64 = arith.constant 640 : i32
      %mul3A_65 = arith.muli %arg1, %mul3A_64 : i32
      %mul3A_66 = arith.constant 128 : i32
      %mul3A_67 = arith.muli %scan3A_62, %mul3A_66 : i32
      %add3A_68 = arith.addi %mul3A_65, %mul3A_67 : i32
      "tpu.region"() ({
        %run_scoped3A = tpu.sem_alloc : memref<!tpu.dma_semaphore, #tpu.memory_space<semaphore_mem>>
        %dma_start3A_70 = arith.constant 0 : i32
        %dma_start3A_71 = arith.constant 0 : i32
        %dma_start3A_72 = tpu.memref_slice %arg8[%scan3A_8, %dma_start3A_70, %dma_start3A_71] : memref<2x128x128xf32, #tpu.memory_space<vmem>> -> memref<1x128x128xf32, #tpu.memory_space<vmem>>
        %dma_start3A_73 = tpu.memref_squeeze %dma_start3A_72 : memref<1x128x128xf32, #tpu.memory_space<vmem>> -> memref<128x128xf32, #tpu.memory_space<vmem>>
        %dma_start3A_74 = arith.constant 0 : i32
        %dma_start3A_75 = tpu.memref_slice %arg9[%add3A_68, %dma_start3A_74] : memref<10240x128xf32, #tpu.memory_space<vmem_shared>> -> memref<128x128xf32, #tpu.memory_space<vmem_shared>>
        %dma_start3A_76 = arith.constant 0 : i32
        %dma_start3A_77 = tpu.memref_slice %arg9[%add3A_68, %dma_start3A_76] : memref<10240x128xf32, #tpu.memory_space<vmem_shared>> -> memref<128x128xf32, #tpu.memory_space<vmem_shared>>
        %dma_start3A_78 = arith.constant 0 : i32
        %dma_start3A_79 = arith.constant 0 : i32
        %dma_start3A_80 = tpu.memref_slice %arg8[%scan3A_8, %dma_start3A_78, %dma_start3A_79] : memref<2x128x128xf32, #tpu.memory_space<vmem>> -> memref<1x128x128xf32, #tpu.memory_space<vmem>>
        %dma_start3A_81 = tpu.memref_squeeze %dma_start3A_80 : memref<1x128x128xf32, #tpu.memory_space<vmem>> -> memref<128x128xf32, #tpu.memory_space<vmem>>
        tpu.enqueue_dma source(%dma_start3A_81 : memref<128x128xf32, #tpu.memory_space<vmem>>) target(%dma_start3A_77 : memref<128x128xf32, #tpu.memory_space<vmem_shared>>) target_semaphore(%run_scoped3A : memref<!tpu.dma_semaphore, #tpu.memory_space<semaphore_mem>>)
        %dma_wait3A = arith.constant 0 : i32
        %dma_wait3A_82 = arith.constant 0 : i32
        %dma_wait3A_83 = tpu.memref_slice %arg8[%scan3A_8, %dma_wait3A, %dma_wait3A_82] : memref<2x128x128xf32, #tpu.memory_space<vmem>> -> memref<1x128x128xf32, #tpu.memory_space<vmem>>
        %dma_wait3A_84 = tpu.memref_squeeze %dma_wait3A_83 : memref<1x128x128xf32, #tpu.memory_space<vmem>> -> memref<128x128xf32, #tpu.memory_space<vmem>>
        %dma_wait3A_85 = arith.constant 0 : i32
        %dma_wait3A_86 = tpu.memref_slice %arg9[%add3A_68, %dma_wait3A_85] : memref<10240x128xf32, #tpu.memory_space<vmem_shared>> -> memref<128x128xf32, #tpu.memory_space<vmem_shared>>
        %dma_wait3A_87 = arith.constant 0 : i32
        %dma_wait3A_88 = tpu.memref_slice %arg9[%add3A_68, %dma_wait3A_87] : memref<10240x128xf32, #tpu.memory_space<vmem_shared>> -> memref<128x128xf32, #tpu.memory_space<vmem_shared>>
        %dma_wait3A_89 = arith.constant 0 : i32
        %dma_wait3A_90 = arith.constant 0 : i32
        %dma_wait3A_91 = tpu.memref_slice %arg8[%scan3A_8, %dma_wait3A_89, %dma_wait3A_90] : memref<2x128x128xf32, #tpu.memory_space<vmem>> -> memref<1x128x128xf32, #tpu.memory_space<vmem>>
        %dma_wait3A_92 = tpu.memref_squeeze %dma_wait3A_91 : memref<1x128x128xf32, #tpu.memory_space<vmem>> -> memref<128x128xf32, #tpu.memory_space<vmem>>
        tpu.wait_dma2 semaphore(%run_scoped3A : memref<!tpu.dma_semaphore, #tpu.memory_space<semaphore_mem>>) src(%dma_wait3A_92 : memref<128x128xf32, #tpu.memory_space<vmem>>) dst(%dma_wait3A_88 : memref<128x128xf32, #tpu.memory_space<vmem_shared>>)
        tpu.yield
      }) : () -> ()
      %scan3A_69 = arith.constant 0 : i32
      scf.yield %scan3A_69 : i32
    }
    %scan3A_15 = arith.constant 5 : i32
    %barrier3A = arith.constant 0 : index
    tpu.barrier barrier_id(%barrier3A)
    "tpu.region"() ({
      %run_scoped3A = tpu.sem_alloc : memref<!tpu.dma_semaphore, #tpu.memory_space<semaphore_mem>>
      %dma_start3A_62 = arith.constant 0 : i32
      %dma_start3A_63 = arith.constant 0 : i32
      %dma_start3A_64 = tpu.memref_slice %arg3[%add3A, %dma_start3A_62, %dma_start3A_63] : memref<32x80x128xi32, #tpu.memory_space<hbm>> -> memref<1x40x128xi32, #tpu.memory_space<hbm>>
      %dma_start3A_65 = tpu.memref_squeeze %dma_start3A_64 : memref<1x40x128xi32, #tpu.memory_space<hbm>> -> memref<40x128xi32, #tpu.memory_space<hbm>>
      %dma_start3A_66 = arith.constant 0 : i32
      %dma_start3A_67 = arith.constant 0 : i32
      %dma_start3A_68 = tpu.memref_slice %arg3[%add3A, %dma_start3A_66, %dma_start3A_67] : memref<32x80x128xi32, #tpu.memory_space<hbm>> -> memref<1x40x128xi32, #tpu.memory_space<hbm>>
      %dma_start3A_69 = tpu.memref_squeeze %dma_start3A_68 : memref<1x40x128xi32, #tpu.memory_space<hbm>> -> memref<40x128xi32, #tpu.memory_space<hbm>>
      tpu.enqueue_dma source(%dma_start3A_69 : memref<40x128xi32, #tpu.memory_space<hbm>>) target(%arg6 : memref<40x128xi32, #tpu.memory_space<vmem>>) target_semaphore(%run_scoped3A : memref<!tpu.dma_semaphore, #tpu.memory_space<semaphore_mem>>)
      %dma_wait3A = arith.constant 0 : i32
      %dma_wait3A_70 = arith.constant 0 : i32
      %dma_wait3A_71 = tpu.memref_slice %arg3[%add3A, %dma_wait3A, %dma_wait3A_70] : memref<32x80x128xi32, #tpu.memory_space<hbm>> -> memref<1x40x128xi32, #tpu.memory_space<hbm>>
      %dma_wait3A_72 = tpu.memref_squeeze %dma_wait3A_71 : memref<1x40x128xi32, #tpu.memory_space<hbm>> -> memref<40x128xi32, #tpu.memory_space<hbm>>
      %dma_wait3A_73 = arith.constant 0 : i32
      %dma_wait3A_74 = arith.constant 0 : i32
      %dma_wait3A_75 = tpu.memref_slice %arg3[%add3A, %dma_wait3A_73, %dma_wait3A_74] : memref<32x80x128xi32, #tpu.memory_space<hbm>> -> memref<1x40x128xi32, #tpu.memory_space<hbm>>
      %dma_wait3A_76 = tpu.memref_squeeze %dma_wait3A_75 : memref<1x40x128xi32, #tpu.memory_space<hbm>> -> memref<40x128xi32, #tpu.memory_space<hbm>>
      tpu.wait_dma2 semaphore(%run_scoped3A : memref<!tpu.dma_semaphore, #tpu.memory_space<semaphore_mem>>) src(%dma_wait3A_76 : memref<40x128xi32, #tpu.memory_space<hbm>>) dst(%arg6 : memref<40x128xi32, #tpu.memory_space<vmem>>)
      tpu.yield
    }) : () -> ()
    "tpu.region"() ({
      %run_scoped3A = tpu.sem_alloc : memref<!tpu.dma_semaphore, #tpu.memory_space<semaphore_mem>>
      %dma_start3A_62 = arith.constant 0 : i32
      %dma_start3A_63 = arith.constant 0 : i32
      %dma_start3A_64 = tpu.memref_slice %arg4[%add3A, %dma_start3A_62, %dma_start3A_63] : memref<32x80x128xi32, #tpu.memory_space<hbm>> -> memref<1x40x128xi32, #tpu.memory_space<hbm>>
      %dma_start3A_65 = tpu.memref_squeeze %dma_start3A_64 : memref<1x40x128xi32, #tpu.memory_space<hbm>> -> memref<40x128xi32, #tpu.memory_space<hbm>>
      %dma_start3A_66 = arith.constant 0 : i32
      %dma_start3A_67 = arith.constant 0 : i32
      %dma_start3A_68 = tpu.memref_slice %arg4[%add3A, %dma_start3A_66, %dma_start3A_67] : memref<32x80x128xi32, #tpu.memory_space<hbm>> -> memref<1x40x128xi32, #tpu.memory_space<hbm>>
      %dma_start3A_69 = tpu.memref_squeeze %dma_start3A_68 : memref<1x40x128xi32, #tpu.memory_space<hbm>> -> memref<40x128xi32, #tpu.memory_space<hbm>>
      tpu.enqueue_dma source(%dma_start3A_69 : memref<40x128xi32, #tpu.memory_space<hbm>>) target(%arg7 : memref<40x128xi32, #tpu.memory_space<vmem>>) target_semaphore(%run_scoped3A : memref<!tpu.dma_semaphore, #tpu.memory_space<semaphore_mem>>)
      %dma_wait3A = arith.constant 0 : i32
      %dma_wait3A_70 = arith.constant 0 : i32
      %dma_wait3A_71 = tpu.memref_slice %arg4[%add3A, %dma_wait3A, %dma_wait3A_70] : memref<32x80x128xi32, #tpu.memory_space<hbm>> -> memref<1x40x128xi32, #tpu.memory_space<hbm>>
      %dma_wait3A_72 = tpu.memref_squeeze %dma_wait3A_71 : memref<1x40x128xi32, #tpu.memory_space<hbm>> -> memref<40x128xi32, #tpu.memory_space<hbm>>
      %dma_wait3A_73 = arith.constant 0 : i32
      %dma_wait3A_74 = arith.constant 0 : i32
      %dma_wait3A_75 = tpu.memref_slice %arg4[%add3A, %dma_wait3A_73, %dma_wait3A_74] : memref<32x80x128xi32, #tpu.memory_space<hbm>> -> memref<1x40x128xi32, #tpu.memory_space<hbm>>
      %dma_wait3A_76 = tpu.memref_squeeze %dma_wait3A_75 : memref<1x40x128xi32, #tpu.memory_space<hbm>> -> memref<40x128xi32, #tpu.memory_space<hbm>>
      tpu.wait_dma2 semaphore(%run_scoped3A : memref<!tpu.dma_semaphore, #tpu.memory_space<semaphore_mem>>) src(%dma_wait3A_76 : memref<40x128xi32, #tpu.memory_space<hbm>>) dst(%arg7 : memref<40x128xi32, #tpu.memory_space<vmem>>)
      tpu.yield
    }) : () -> ()
    %dma_start3A = arith.constant 0 : i32
    %dma_start3A_16 = arith.constant 0 : i32
    %dma_start3A_17 = arith.constant 0 : i32
    %dma_start3A_18 = arith.constant 0 : i32
    %dma_start3A_19 = tpu.memref_slice %arg8[%dma_start3A_16, %dma_start3A_17, %dma_start3A_18] : memref<2x128x128xf32, #tpu.memory_space<vmem>> -> memref<1x128x128xf32, #tpu.memory_space<vmem>>
    %dma_start3A_20 = tpu.memref_squeeze %dma_start3A_19 : memref<1x128x128xf32, #tpu.memory_space<vmem>> -> memref<128x128xf32, #tpu.memory_space<vmem>>
    %dma_start3A_21 = arith.constant 0 : i32
    %dma_start3A_22 = tpu.memref_slice %arg6[%dma_start3A, %dma_start3A_21] : memref<40x128xi32, #tpu.memory_space<vmem>> -> memref<1x128xi32, #tpu.memory_space<vmem>>
    %dma_start3A_23 = tpu.memref_squeeze %dma_start3A_22 : memref<1x128xi32, #tpu.memory_space<vmem>> -> memref<128xi32, #tpu.memory_space<vmem>>
    %dma_start3A_24 = arith.constant 0 : i32
    %dma_start3A_25 = arith.constant 0 : i32
    %dma_start3A_26 = tpu.memref_slice %arg2[%dma_start3A_24, %dma_start3A_25] : memref<10240x128xf32, #tpu.memory_space<hbm>> -> memref<10240x128xf32, #tpu.memory_space<hbm>>
    tpu.enqueue_indirect_dma source(%dma_start3A_26 : memref<10240x128xf32, #tpu.memory_space<hbm>>) target(%dma_start3A_20 : memref<128x128xf32, #tpu.memory_space<vmem>>) offsets(%dma_start3A_23 : memref<128xi32, #tpu.memory_space<vmem>>) semaphore(%arg10 : memref<!tpu.dma_semaphore, #tpu.memory_space<semaphore_mem>>)
    %scan3A_27 = arith.constant 0 : i32
    %scan3A_28 = arith.constant 0 : i32
    %scan3A_29 = arith.constant 20 : i32
    %scan3A_30 = arith.addi %scan3A_28, %scan3A_29 : i32
    %scan3A_31 = arith.constant 1 : i32
    %scan3A_32 = scf.for %scan3A_62 = %scan3A_28 to %scan3A_30 step %scan3A_31 iter_args(%scan3A_63 = %scan3A_27) -> (i32)  : i32 {
      %mul3A_64 = arith.constant 2 : i32
      %mul3A_65 = arith.muli %mul3A_64, %scan3A_62 : i32
      %add3A_66 = arith.constant 0 : i32
      %add3A_67 = arith.addi %mul3A_65, %add3A_66 : i32
      %add3A_68 = arith.constant 1 : i32
      %add3A_69 = arith.addi %add3A_67, %add3A_68 : i32
      %lt3A = arith.constant 40 : i32
      %lt3A_70 = arith.cmpi slt, %add3A_69, %lt3A : i32
      %convert_element_type3A = arith.extui %lt3A_70 : i1 to i32
      %cond3A = arith.constant 0 : i32
      %cond3A_71 = arith.cmpi ne, %convert_element_type3A, %cond3A : i32
      scf.if %cond3A_71 {
        %add3A_106 = arith.constant 1 : i32
        %add3A_107 = arith.addi %add3A_67, %add3A_106 : i32
        %dma_start3A_108 = arith.constant 1 : i32
        %dma_start3A_109 = arith.constant 0 : i32
        %dma_start3A_110 = arith.constant 0 : i32
        %dma_start3A_111 = tpu.memref_slice %arg8[%dma_start3A_108, %dma_start3A_109, %dma_start3A_110] : memref<2x128x128xf32, #tpu.memory_space<vmem>> -> memref<1x128x128xf32, #tpu.memory_space<vmem>>
        %dma_start3A_112 = tpu.memref_squeeze %dma_start3A_111 : memref<1x128x128xf32, #tpu.memory_space<vmem>> -> memref<128x128xf32, #tpu.memory_space<vmem>>
        %dma_start3A_113 = arith.constant 0 : i32
        %dma_start3A_114 = tpu.memref_slice %arg6[%add3A_107, %dma_start3A_113] : memref<40x128xi32, #tpu.memory_space<vmem>> -> memref<1x128xi32, #tpu.memory_space<vmem>>
        %dma_start3A_115 = tpu.memref_squeeze %dma_start3A_114 : memref<1x128xi32, #tpu.memory_space<vmem>> -> memref<128xi32, #tpu.memory_space<vmem>>
        %dma_start3A_116 = arith.constant 0 : i32
        %dma_start3A_117 = arith.constant 0 : i32
        %dma_start3A_118 = tpu.memref_slice %arg2[%dma_start3A_116, %dma_start3A_117] : memref<10240x128xf32, #tpu.memory_space<hbm>> -> memref<10240x128xf32, #tpu.memory_space<hbm>>
        tpu.enqueue_indirect_dma source(%dma_start3A_118 : memref<10240x128xf32, #tpu.memory_space<hbm>>) target(%dma_start3A_112 : memref<128x128xf32, #tpu.memory_space<vmem>>) offsets(%dma_start3A_115 : memref<128xi32, #tpu.memory_space<vmem>>) semaphore(%arg10 : memref<!tpu.dma_semaphore, #tpu.memory_space<semaphore_mem>>)
      } else {
      }
      %dma_wait3A = arith.constant 0 : i32
      %dma_wait3A_72 = arith.constant 0 : i32
      %dma_wait3A_73 = arith.constant 0 : i32
      %dma_wait3A_74 = tpu.memref_slice %arg8[%dma_wait3A, %dma_wait3A_72, %dma_wait3A_73] : memref<2x128x128xf32, #tpu.memory_space<vmem>> -> memref<1x128x128xf32, #tpu.memory_space<vmem>>
      %dma_wait3A_75 = tpu.memref_squeeze %dma_wait3A_74 : memref<1x128x128xf32, #tpu.memory_space<vmem>> -> memref<128x128xf32, #tpu.memory_space<vmem>>
      %dma_wait3A_76 = arith.constant 0 : i32
      %dma_wait3A_77 = tpu.memref_slice %arg6[%add3A_67, %dma_wait3A_76] : memref<40x128xi32, #tpu.memory_space<vmem>> -> memref<1x128xi32, #tpu.memory_space<vmem>>
      %dma_wait3A_78 = tpu.memref_squeeze %dma_wait3A_77 : memref<1x128xi32, #tpu.memory_space<vmem>> -> memref<128xi32, #tpu.memory_space<vmem>>
      %dma_wait3A_79 = arith.constant 0 : i32
      %dma_wait3A_80 = arith.constant 0 : i32
      %dma_wait3A_81 = tpu.memref_slice %arg2[%dma_wait3A_79, %dma_wait3A_80] : memref<10240x128xf32, #tpu.memory_space<hbm>> -> memref<10240x128xf32, #tpu.memory_space<hbm>>
      tpu.wait_indirect_dma semaphore(%arg10 : memref<!tpu.dma_semaphore, #tpu.memory_space<semaphore_mem>>) src(%dma_wait3A_81 : memref<10240x128xf32, #tpu.memory_space<hbm>>) dst(%dma_wait3A_75 : memref<128x128xf32, #tpu.memory_space<vmem>>)
      %run_scoped3A = arith.constant 0 : i32
      "tpu.region"() ({
        %run_scoped3A_106 = tpu.sem_alloc : memref<!tpu.dma_semaphore, #tpu.memory_space<semaphore_mem>>
        %dma_start3A_107 = arith.constant 0 : i32
        %dma_start3A_108 = arith.constant 0 : i32
        %dma_start3A_109 = tpu.memref_slice %arg8[%run_scoped3A, %dma_start3A_107, %dma_start3A_108] : memref<2x128x128xf32, #tpu.memory_space<vmem>> -> memref<1x128x128xf32, #tpu.memory_space<vmem>>
        %dma_start3A_110 = tpu.memref_squeeze %dma_start3A_109 : memref<1x128x128xf32, #tpu.memory_space<vmem>> -> memref<128x128xf32, #tpu.memory_space<vmem>>
        %dma_start3A_111 = arith.constant 0 : i32
        %dma_start3A_112 = tpu.memref_slice %arg7[%add3A_67, %dma_start3A_111] : memref<40x128xi32, #tpu.memory_space<vmem>> -> memref<1x128xi32, #tpu.memory_space<vmem>>
        %dma_start3A_113 = tpu.memref_squeeze %dma_start3A_112 : memref<1x128xi32, #tpu.memory_space<vmem>> -> memref<128xi32, #tpu.memory_space<vmem>>
        %dma_start3A_114 = arith.constant 0 : i32
        %dma_start3A_115 = arith.constant 0 : i32
        %dma_start3A_116 = tpu.memref_slice %arg9[%dma_start3A_114, %dma_start3A_115] : memref<10240x128xf32, #tpu.memory_space<vmem_shared>> -> memref<10240x128xf32, #tpu.memory_space<vmem_shared>>
        tpu.enqueue_indirect_dma source(%dma_start3A_110 : memref<128x128xf32, #tpu.memory_space<vmem>>) target(%dma_start3A_116 : memref<10240x128xf32, #tpu.memory_space<vmem_shared>>) offsets(%dma_start3A_113 : memref<128xi32, #tpu.memory_space<vmem>>) semaphore(%run_scoped3A_106 : memref<!tpu.dma_semaphore, #tpu.memory_space<semaphore_mem>>) {add = true}
        %dma_wait3A_117 = arith.constant 0 : i32
        %dma_wait3A_118 = arith.constant 0 : i32
        %dma_wait3A_119 = tpu.memref_slice %arg8[%run_scoped3A, %dma_wait3A_117, %dma_wait3A_118] : memref<2x128x128xf32, #tpu.memory_space<vmem>> -> memref<1x128x128xf32, #tpu.memory_space<vmem>>
        %dma_wait3A_120 = tpu.memref_squeeze %dma_wait3A_119 : memref<1x128x128xf32, #tpu.memory_space<vmem>> -> memref<128x128xf32, #tpu.memory_space<vmem>>
        %dma_wait3A_121 = arith.constant 0 : i32
        %dma_wait3A_122 = tpu.memref_slice %arg7[%add3A_67, %dma_wait3A_121] : memref<40x128xi32, #tpu.memory_space<vmem>> -> memref<1x128xi32, #tpu.memory_space<vmem>>
        %dma_wait3A_123 = tpu.memref_squeeze %dma_wait3A_122 : memref<1x128xi32, #tpu.memory_space<vmem>> -> memref<128xi32, #tpu.memory_space<vmem>>
        %dma_wait3A_124 = arith.constant 0 : i32
        %dma_wait3A_125 = arith.constant 0 : i32
        %dma_wait3A_126 = tpu.memref_slice %arg9[%dma_wait3A_124, %dma_wait3A_125] : memref<10240x128xf32, #tpu.memory_space<vmem_shared>> -> memref<10240x128xf32, #tpu.memory_space<vmem_shared>>
        tpu.wait_indirect_dma semaphore(%run_scoped3A_106 : memref<!tpu.dma_semaphore, #tpu.memory_space<semaphore_mem>>) src(%dma_wait3A_120 : memref<128x128xf32, #tpu.memory_space<vmem>>) dst(%dma_wait3A_126 : memref<10240x128xf32, #tpu.memory_space<vmem_shared>>)
        tpu.yield
      }) : () -> ()
      %mul3A_82 = arith.constant 2 : i32
      %mul3A_83 = arith.muli %mul3A_82, %scan3A_62 : i32
      %add3A_84 = arith.constant 1 : i32
      %add3A_85 = arith.addi %mul3A_83, %add3A_84 : i32
      %add3A_86 = arith.constant 1 : i32
      %add3A_87 = arith.addi %add3A_85, %add3A_86 : i32
      %lt3A_88 = arith.constant 40 : i32
      %lt3A_89 = arith.cmpi slt, %add3A_87, %lt3A_88 : i32
      %convert_element_type3A_90 = arith.extui %lt3A_89 : i1 to i32
      %cond3A_91 = arith.constant 0 : i32
      %cond3A_92 = arith.cmpi ne, %convert_element_type3A_90, %cond3A_91 : i32
      scf.if %cond3A_92 {
        %add3A_106 = arith.constant 1 : i32
        %add3A_107 = arith.addi %add3A_85, %add3A_106 : i32
        %dma_start3A_108 = arith.constant 0 : i32
        %dma_start3A_109 = arith.constant 0 : i32
        %dma_start3A_110 = arith.constant 0 : i32
        %dma_start3A_111 = tpu.memref_slice %arg8[%dma_start3A_108, %dma_start3A_109, %dma_start3A_110] : memref<2x128x128xf32, #tpu.memory_space<vmem>> -> memref<1x128x128xf32, #tpu.memory_space<vmem>>
        %dma_start3A_112 = tpu.memref_squeeze %dma_start3A_111 : memref<1x128x128xf32, #tpu.memory_space<vmem>> -> memref<128x128xf32, #tpu.memory_space<vmem>>
        %dma_start3A_113 = arith.constant 0 : i32
        %dma_start3A_114 = tpu.memref_slice %arg6[%add3A_107, %dma_start3A_113] : memref<40x128xi32, #tpu.memory_space<vmem>> -> memref<1x128xi32, #tpu.memory_space<vmem>>
        %dma_start3A_115 = tpu.memref_squeeze %dma_start3A_114 : memref<1x128xi32, #tpu.memory_space<vmem>> -> memref<128xi32, #tpu.memory_space<vmem>>
        %dma_start3A_116 = arith.constant 0 : i32
        %dma_start3A_117 = arith.constant 0 : i32
        %dma_start3A_118 = tpu.memref_slice %arg2[%dma_start3A_116, %dma_start3A_117] : memref<10240x128xf32, #tpu.memory_space<hbm>> -> memref<10240x128xf32, #tpu.memory_space<hbm>>
        tpu.enqueue_indirect_dma source(%dma_start3A_118 : memref<10240x128xf32, #tpu.memory_space<hbm>>) target(%dma_start3A_112 : memref<128x128xf32, #tpu.memory_space<vmem>>) offsets(%dma_start3A_115 : memref<128xi32, #tpu.memory_space<vmem>>) semaphore(%arg10 : memref<!tpu.dma_semaphore, #tpu.memory_space<semaphore_mem>>)
      } else {
      }
      %dma_wait3A_93 = arith.constant 1 : i32
      %dma_wait3A_94 = arith.constant 0 : i32
      %dma_wait3A_95 = arith.constant 0 : i32
      %dma_wait3A_96 = tpu.memref_slice %arg8[%dma_wait3A_93, %dma_wait3A_94, %dma_wait3A_95] : memref<2x128x128xf32, #tpu.memory_space<vmem>> -> memref<1x128x128xf32, #tpu.memory_space<vmem>>
      %dma_wait3A_97 = tpu.memref_squeeze %dma_wait3A_96 : memref<1x128x128xf32, #tpu.memory_space<vmem>> -> memref<128x128xf32, #tpu.memory_space<vmem>>
      %dma_wait3A_98 = arith.constant 0 : i32
      %dma_wait3A_99 = tpu.memref_slice %arg6[%add3A_85, %dma_wait3A_98] : memref<40x128xi32, #tpu.memory_space<vmem>> -> memref<1x128xi32, #tpu.memory_space<vmem>>
      %dma_wait3A_100 = tpu.memref_squeeze %dma_wait3A_99 : memref<1x128xi32, #tpu.memory_space<vmem>> -> memref<128xi32, #tpu.memory_space<vmem>>
      %dma_wait3A_101 = arith.constant 0 : i32
      %dma_wait3A_102 = arith.constant 0 : i32
      %dma_wait3A_103 = tpu.memref_slice %arg2[%dma_wait3A_101, %dma_wait3A_102] : memref<10240x128xf32, #tpu.memory_space<hbm>> -> memref<10240x128xf32, #tpu.memory_space<hbm>>
      tpu.wait_indirect_dma semaphore(%arg10 : memref<!tpu.dma_semaphore, #tpu.memory_space<semaphore_mem>>) src(%dma_wait3A_103 : memref<10240x128xf32, #tpu.memory_space<hbm>>) dst(%dma_wait3A_97 : memref<128x128xf32, #tpu.memory_space<vmem>>)
      %run_scoped3A_104 = arith.constant 1 : i32
      "tpu.region"() ({
        %run_scoped3A_106 = tpu.sem_alloc : memref<!tpu.dma_semaphore, #tpu.memory_space<semaphore_mem>>
        %dma_start3A_107 = arith.constant 0 : i32
        %dma_start3A_108 = arith.constant 0 : i32
        %dma_start3A_109 = tpu.memref_slice %arg8[%run_scoped3A_104, %dma_start3A_107, %dma_start3A_108] : memref<2x128x128xf32, #tpu.memory_space<vmem>> -> memref<1x128x128xf32, #tpu.memory_space<vmem>>
        %dma_start3A_110 = tpu.memref_squeeze %dma_start3A_109 : memref<1x128x128xf32, #tpu.memory_space<vmem>> -> memref<128x128xf32, #tpu.memory_space<vmem>>
        %dma_start3A_111 = arith.constant 0 : i32
        %dma_start3A_112 = tpu.memref_slice %arg7[%add3A_85, %dma_start3A_111] : memref<40x128xi32, #tpu.memory_space<vmem>> -> memref<1x128xi32, #tpu.memory_space<vmem>>
        %dma_start3A_113 = tpu.memref_squeeze %dma_start3A_112 : memref<1x128xi32, #tpu.memory_space<vmem>> -> memref<128xi32, #tpu.memory_space<vmem>>
        %dma_start3A_114 = arith.constant 0 : i32
        %dma_start3A_115 = arith.constant 0 : i32
        %dma_start3A_116 = tpu.memref_slice %arg9[%dma_start3A_114, %dma_start3A_115] : memref<10240x128xf32, #tpu.memory_space<vmem_shared>> -> memref<10240x128xf32, #tpu.memory_space<vmem_shared>>
        tpu.enqueue_indirect_dma source(%dma_start3A_110 : memref<128x128xf32, #tpu.memory_space<vmem>>) target(%dma_start3A_116 : memref<10240x128xf32, #tpu.memory_space<vmem_shared>>) offsets(%dma_start3A_113 : memref<128xi32, #tpu.memory_space<vmem>>) semaphore(%run_scoped3A_106 : memref<!tpu.dma_semaphore, #tpu.memory_space<semaphore_mem>>) {add = true}
        %dma_wait3A_117 = arith.constant 0 : i32
        %dma_wait3A_118 = arith.constant 0 : i32
        %dma_wait3A_119 = tpu.memref_slice %arg8[%run_scoped3A_104, %dma_wait3A_117, %dma_wait3A_118] : memref<2x128x128xf32, #tpu.memory_space<vmem>> -> memref<1x128x128xf32, #tpu.memory_space<vmem>>
        %dma_wait3A_120 = tpu.memref_squeeze %dma_wait3A_119 : memref<1x128x128xf32, #tpu.memory_space<vmem>> -> memref<128x128xf32, #tpu.memory_space<vmem>>
        %dma_wait3A_121 = arith.constant 0 : i32
        %dma_wait3A_122 = tpu.memref_slice %arg7[%add3A_85, %dma_wait3A_121] : memref<40x128xi32, #tpu.memory_space<vmem>> -> memref<1x128xi32, #tpu.memory_space<vmem>>
        %dma_wait3A_123 = tpu.memref_squeeze %dma_wait3A_122 : memref<1x128xi32, #tpu.memory_space<vmem>> -> memref<128xi32, #tpu.memory_space<vmem>>
        %dma_wait3A_124 = arith.constant 0 : i32
        %dma_wait3A_125 = arith.constant 0 : i32
        %dma_wait3A_126 = tpu.memref_slice %arg9[%dma_wait3A_124, %dma_wait3A_125] : memref<10240x128xf32, #tpu.memory_space<vmem_shared>> -> memref<10240x128xf32, #tpu.memory_space<vmem_shared>>
        tpu.wait_indirect_dma semaphore(%run_scoped3A_106 : memref<!tpu.dma_semaphore, #tpu.memory_space<semaphore_mem>>) src(%dma_wait3A_120 : memref<128x128xf32, #tpu.memory_space<vmem>>) dst(%dma_wait3A_126 : memref<10240x128xf32, #tpu.memory_space<vmem_shared>>)
        tpu.yield
      }) : () -> ()
      %scan3A_105 = arith.constant 0 : i32
      scf.yield %scan3A_105 : i32
    }
    %scan3A_33 = arith.constant 20 : i32
    "tpu.region"() ({
      %run_scoped3A = tpu.sem_alloc : memref<!tpu.dma_semaphore, #tpu.memory_space<semaphore_mem>>
      %dma_start3A_62 = arith.constant 40 : i32
      %dma_start3A_63 = arith.constant 0 : i32
      %dma_start3A_64 = tpu.memref_slice %arg3[%add3A, %dma_start3A_62, %dma_start3A_63] : memref<32x80x128xi32, #tpu.memory_space<hbm>> -> memref<1x40x128xi32, #tpu.memory_space<hbm>>
      %dma_start3A_65 = tpu.memref_squeeze %dma_start3A_64 : memref<1x40x128xi32, #tpu.memory_space<hbm>> -> memref<40x128xi32, #tpu.memory_space<hbm>>
      %dma_start3A_66 = arith.constant 40 : i32
      %dma_start3A_67 = arith.constant 0 : i32
      %dma_start3A_68 = tpu.memref_slice %arg3[%add3A, %dma_start3A_66, %dma_start3A_67] : memref<32x80x128xi32, #tpu.memory_space<hbm>> -> memref<1x40x128xi32, #tpu.memory_space<hbm>>
      %dma_start3A_69 = tpu.memref_squeeze %dma_start3A_68 : memref<1x40x128xi32, #tpu.memory_space<hbm>> -> memref<40x128xi32, #tpu.memory_space<hbm>>
      tpu.enqueue_dma source(%dma_start3A_69 : memref<40x128xi32, #tpu.memory_space<hbm>>) target(%arg6 : memref<40x128xi32, #tpu.memory_space<vmem>>) target_semaphore(%run_scoped3A : memref<!tpu.dma_semaphore, #tpu.memory_space<semaphore_mem>>)
      %dma_wait3A = arith.constant 40 : i32
      %dma_wait3A_70 = arith.constant 0 : i32
      %dma_wait3A_71 = tpu.memref_slice %arg3[%add3A, %dma_wait3A, %dma_wait3A_70] : memref<32x80x128xi32, #tpu.memory_space<hbm>> -> memref<1x40x128xi32, #tpu.memory_space<hbm>>
      %dma_wait3A_72 = tpu.memref_squeeze %dma_wait3A_71 : memref<1x40x128xi32, #tpu.memory_space<hbm>> -> memref<40x128xi32, #tpu.memory_space<hbm>>
      %dma_wait3A_73 = arith.constant 40 : i32
      %dma_wait3A_74 = arith.constant 0 : i32
      %dma_wait3A_75 = tpu.memref_slice %arg3[%add3A, %dma_wait3A_73, %dma_wait3A_74] : memref<32x80x128xi32, #tpu.memory_space<hbm>> -> memref<1x40x128xi32, #tpu.memory_space<hbm>>
      %dma_wait3A_76 = tpu.memref_squeeze %dma_wait3A_75 : memref<1x40x128xi32, #tpu.memory_space<hbm>> -> memref<40x128xi32, #tpu.memory_space<hbm>>
      tpu.wait_dma2 semaphore(%run_scoped3A : memref<!tpu.dma_semaphore, #tpu.memory_space<semaphore_mem>>) src(%dma_wait3A_76 : memref<40x128xi32, #tpu.memory_space<hbm>>) dst(%arg6 : memref<40x128xi32, #tpu.memory_space<vmem>>)
      tpu.yield
    }) : () -> ()
    "tpu.region"() ({
      %run_scoped3A = tpu.sem_alloc : memref<!tpu.dma_semaphore, #tpu.memory_space<semaphore_mem>>
      %dma_start3A_62 = arith.constant 40 : i32
      %dma_start3A_63 = arith.constant 0 : i32
      %dma_start3A_64 = tpu.memref_slice %arg4[%add3A, %dma_start3A_62, %dma_start3A_63] : memref<32x80x128xi32, #tpu.memory_space<hbm>> -> memref<1x40x128xi32, #tpu.memory_space<hbm>>
      %dma_start3A_65 = tpu.memref_squeeze %dma_start3A_64 : memref<1x40x128xi32, #tpu.memory_space<hbm>> -> memref<40x128xi32, #tpu.memory_space<hbm>>
      %dma_start3A_66 = arith.constant 40 : i32
      %dma_start3A_67 = arith.constant 0 : i32
      %dma_start3A_68 = tpu.memref_slice %arg4[%add3A, %dma_start3A_66, %dma_start3A_67] : memref<32x80x128xi32, #tpu.memory_space<hbm>> -> memref<1x40x128xi32, #tpu.memory_space<hbm>>
      %dma_start3A_69 = tpu.memref_squeeze %dma_start3A_68 : memref<1x40x128xi32, #tpu.memory_space<hbm>> -> memref<40x128xi32, #tpu.memory_space<hbm>>
      tpu.enqueue_dma source(%dma_start3A_69 : memref<40x128xi32, #tpu.memory_space<hbm>>) target(%arg7 : memref<40x128xi32, #tpu.memory_space<vmem>>) target_semaphore(%run_scoped3A : memref<!tpu.dma_semaphore, #tpu.memory_space<semaphore_mem>>)
      %dma_wait3A = arith.constant 40 : i32
      %dma_wait3A_70 = arith.constant 0 : i32
      %dma_wait3A_71 = tpu.memref_slice %arg4[%add3A, %dma_wait3A, %dma_wait3A_70] : memref<32x80x128xi32, #tpu.memory_space<hbm>> -> memref<1x40x128xi32, #tpu.memory_space<hbm>>
      %dma_wait3A_72 = tpu.memref_squeeze %dma_wait3A_71 : memref<1x40x128xi32, #tpu.memory_space<hbm>> -> memref<40x128xi32, #tpu.memory_space<hbm>>
      %dma_wait3A_73 = arith.constant 40 : i32
      %dma_wait3A_74 = arith.constant 0 : i32
      %dma_wait3A_75 = tpu.memref_slice %arg4[%add3A, %dma_wait3A_73, %dma_wait3A_74] : memref<32x80x128xi32, #tpu.memory_space<hbm>> -> memref<1x40x128xi32, #tpu.memory_space<hbm>>
      %dma_wait3A_76 = tpu.memref_squeeze %dma_wait3A_75 : memref<1x40x128xi32, #tpu.memory_space<hbm>> -> memref<40x128xi32, #tpu.memory_space<hbm>>
      tpu.wait_dma2 semaphore(%run_scoped3A : memref<!tpu.dma_semaphore, #tpu.memory_space<semaphore_mem>>) src(%dma_wait3A_76 : memref<40x128xi32, #tpu.memory_space<hbm>>) dst(%arg7 : memref<40x128xi32, #tpu.memory_space<vmem>>)
      tpu.yield
    }) : () -> ()
    %dma_start3A_34 = arith.constant 0 : i32
    %dma_start3A_35 = arith.constant 0 : i32
    %dma_start3A_36 = arith.constant 0 : i32
    %dma_start3A_37 = arith.constant 0 : i32
    %dma_start3A_38 = tpu.memref_slice %arg8[%dma_start3A_35, %dma_start3A_36, %dma_start3A_37] : memref<2x128x128xf32, #tpu.memory_space<vmem>> -> memref<1x128x128xf32, #tpu.memory_space<vmem>>
    %dma_start3A_39 = tpu.memref_squeeze %dma_start3A_38 : memref<1x128x128xf32, #tpu.memory_space<vmem>> -> memref<128x128xf32, #tpu.memory_space<vmem>>
    %dma_start3A_40 = arith.constant 0 : i32
    %dma_start3A_41 = tpu.memref_slice %arg6[%dma_start3A_34, %dma_start3A_40] : memref<40x128xi32, #tpu.memory_space<vmem>> -> memref<1x128xi32, #tpu.memory_space<vmem>>
    %dma_start3A_42 = tpu.memref_squeeze %dma_start3A_41 : memref<1x128xi32, #tpu.memory_space<vmem>> -> memref<128xi32, #tpu.memory_space<vmem>>
    %dma_start3A_43 = arith.constant 0 : i32
    %dma_start3A_44 = arith.constant 0 : i32
    %dma_start3A_45 = tpu.memref_slice %arg2[%dma_start3A_43, %dma_start3A_44] : memref<10240x128xf32, #tpu.memory_space<hbm>> -> memref<10240x128xf32, #tpu.memory_space<hbm>>
    tpu.enqueue_indirect_dma source(%dma_start3A_45 : memref<10240x128xf32, #tpu.memory_space<hbm>>) target(%dma_start3A_39 : memref<128x128xf32, #tpu.memory_space<vmem>>) offsets(%dma_start3A_42 : memref<128xi32, #tpu.memory_space<vmem>>) semaphore(%arg10 : memref<!tpu.dma_semaphore, #tpu.memory_space<semaphore_mem>>)
    %scan3A_46 = arith.constant 0 : i32
    %scan3A_47 = arith.constant 0 : i32
    %scan3A_48 = arith.constant 20 : i32
    %scan3A_49 = arith.addi %scan3A_47, %scan3A_48 : i32
    %scan3A_50 = arith.constant 1 : i32
    %scan3A_51 = scf.for %scan3A_62 = %scan3A_47 to %scan3A_49 step %scan3A_50 iter_args(%scan3A_63 = %scan3A_46) -> (i32)  : i32 {
      %mul3A_64 = arith.constant 2 : i32
      %mul3A_65 = arith.muli %mul3A_64, %scan3A_62 : i32
      %add3A_66 = arith.constant 0 : i32
      %add3A_67 = arith.addi %mul3A_65, %add3A_66 : i32
      %add3A_68 = arith.constant 1 : i32
      %add3A_69 = arith.addi %add3A_67, %add3A_68 : i32
      %lt3A = arith.constant 40 : i32
      %lt3A_70 = arith.cmpi slt, %add3A_69, %lt3A : i32
      %convert_element_type3A = arith.extui %lt3A_70 : i1 to i32
      %cond3A = arith.constant 0 : i32
      %cond3A_71 = arith.cmpi ne, %convert_element_type3A, %cond3A : i32
      scf.if %cond3A_71 {
        %add3A_106 = arith.constant 1 : i32
        %add3A_107 = arith.addi %add3A_67, %add3A_106 : i32
        %dma_start3A_108 = arith.constant 1 : i32
        %dma_start3A_109 = arith.constant 0 : i32
        %dma_start3A_110 = arith.constant 0 : i32
        %dma_start3A_111 = tpu.memref_slice %arg8[%dma_start3A_108, %dma_start3A_109, %dma_start3A_110] : memref<2x128x128xf32, #tpu.memory_space<vmem>> -> memref<1x128x128xf32, #tpu.memory_space<vmem>>
        %dma_start3A_112 = tpu.memref_squeeze %dma_start3A_111 : memref<1x128x128xf32, #tpu.memory_space<vmem>> -> memref<128x128xf32, #tpu.memory_space<vmem>>
        %dma_start3A_113 = arith.constant 0 : i32
        %dma_start3A_114 = tpu.memref_slice %arg6[%add3A_107, %dma_start3A_113] : memref<40x128xi32, #tpu.memory_space<vmem>> -> memref<1x128xi32, #tpu.memory_space<vmem>>
        %dma_start3A_115 = tpu.memref_squeeze %dma_start3A_114 : memref<1x128xi32, #tpu.memory_space<vmem>> -> memref<128xi32, #tpu.memory_space<vmem>>
        %dma_start3A_116 = arith.constant 0 : i32
        %dma_start3A_117 = arith.constant 0 : i32
        %dma_start3A_118 = tpu.memref_slice %arg2[%dma_start3A_116, %dma_start3A_117] : memref<10240x128xf32, #tpu.memory_space<hbm>> -> memref<10240x128xf32, #tpu.memory_space<hbm>>
        tpu.enqueue_indirect_dma source(%dma_start3A_118 : memref<10240x128xf32, #tpu.memory_space<hbm>>) target(%dma_start3A_112 : memref<128x128xf32, #tpu.memory_space<vmem>>) offsets(%dma_start3A_115 : memref<128xi32, #tpu.memory_space<vmem>>) semaphore(%arg10 : memref<!tpu.dma_semaphore, #tpu.memory_space<semaphore_mem>>)
      } else {
      }
      %dma_wait3A = arith.constant 0 : i32
      %dma_wait3A_72 = arith.constant 0 : i32
      %dma_wait3A_73 = arith.constant 0 : i32
      %dma_wait3A_74 = tpu.memref_slice %arg8[%dma_wait3A, %dma_wait3A_72, %dma_wait3A_73] : memref<2x128x128xf32, #tpu.memory_space<vmem>> -> memref<1x128x128xf32, #tpu.memory_space<vmem>>
      %dma_wait3A_75 = tpu.memref_squeeze %dma_wait3A_74 : memref<1x128x128xf32, #tpu.memory_space<vmem>> -> memref<128x128xf32, #tpu.memory_space<vmem>>
      %dma_wait3A_76 = arith.constant 0 : i32
      %dma_wait3A_77 = tpu.memref_slice %arg6[%add3A_67, %dma_wait3A_76] : memref<40x128xi32, #tpu.memory_space<vmem>> -> memref<1x128xi32, #tpu.memory_space<vmem>>
      %dma_wait3A_78 = tpu.memref_squeeze %dma_wait3A_77 : memref<1x128xi32, #tpu.memory_space<vmem>> -> memref<128xi32, #tpu.memory_space<vmem>>
      %dma_wait3A_79 = arith.constant 0 : i32
      %dma_wait3A_80 = arith.constant 0 : i32
      %dma_wait3A_81 = tpu.memref_slice %arg2[%dma_wait3A_79, %dma_wait3A_80] : memref<10240x128xf32, #tpu.memory_space<hbm>> -> memref<10240x128xf32, #tpu.memory_space<hbm>>
      tpu.wait_indirect_dma semaphore(%arg10 : memref<!tpu.dma_semaphore, #tpu.memory_space<semaphore_mem>>) src(%dma_wait3A_81 : memref<10240x128xf32, #tpu.memory_space<hbm>>) dst(%dma_wait3A_75 : memref<128x128xf32, #tpu.memory_space<vmem>>)
      %run_scoped3A = arith.constant 0 : i32
      "tpu.region"() ({
        %run_scoped3A_106 = tpu.sem_alloc : memref<!tpu.dma_semaphore, #tpu.memory_space<semaphore_mem>>
        %dma_start3A_107 = arith.constant 0 : i32
        %dma_start3A_108 = arith.constant 0 : i32
        %dma_start3A_109 = tpu.memref_slice %arg8[%run_scoped3A, %dma_start3A_107, %dma_start3A_108] : memref<2x128x128xf32, #tpu.memory_space<vmem>> -> memref<1x128x128xf32, #tpu.memory_space<vmem>>
        %dma_start3A_110 = tpu.memref_squeeze %dma_start3A_109 : memref<1x128x128xf32, #tpu.memory_space<vmem>> -> memref<128x128xf32, #tpu.memory_space<vmem>>
        %dma_start3A_111 = arith.constant 0 : i32
        %dma_start3A_112 = tpu.memref_slice %arg7[%add3A_67, %dma_start3A_111] : memref<40x128xi32, #tpu.memory_space<vmem>> -> memref<1x128xi32, #tpu.memory_space<vmem>>
        %dma_start3A_113 = tpu.memref_squeeze %dma_start3A_112 : memref<1x128xi32, #tpu.memory_space<vmem>> -> memref<128xi32, #tpu.memory_space<vmem>>
        %dma_start3A_114 = arith.constant 0 : i32
        %dma_start3A_115 = arith.constant 0 : i32
        %dma_start3A_116 = tpu.memref_slice %arg9[%dma_start3A_114, %dma_start3A_115] : memref<10240x128xf32, #tpu.memory_space<vmem_shared>> -> memref<10240x128xf32, #tpu.memory_space<vmem_shared>>
        tpu.enqueue_indirect_dma source(%dma_start3A_110 : memref<128x128xf32, #tpu.memory_space<vmem>>) target(%dma_start3A_116 : memref<10240x128xf32, #tpu.memory_space<vmem_shared>>) offsets(%dma_start3A_113 : memref<128xi32, #tpu.memory_space<vmem>>) semaphore(%run_scoped3A_106 : memref<!tpu.dma_semaphore, #tpu.memory_space<semaphore_mem>>) {add = true}
        %dma_wait3A_117 = arith.constant 0 : i32
        %dma_wait3A_118 = arith.constant 0 : i32
        %dma_wait3A_119 = tpu.memref_slice %arg8[%run_scoped3A, %dma_wait3A_117, %dma_wait3A_118] : memref<2x128x128xf32, #tpu.memory_space<vmem>> -> memref<1x128x128xf32, #tpu.memory_space<vmem>>
        %dma_wait3A_120 = tpu.memref_squeeze %dma_wait3A_119 : memref<1x128x128xf32, #tpu.memory_space<vmem>> -> memref<128x128xf32, #tpu.memory_space<vmem>>
        %dma_wait3A_121 = arith.constant 0 : i32
        %dma_wait3A_122 = tpu.memref_slice %arg7[%add3A_67, %dma_wait3A_121] : memref<40x128xi32, #tpu.memory_space<vmem>> -> memref<1x128xi32, #tpu.memory_space<vmem>>
        %dma_wait3A_123 = tpu.memref_squeeze %dma_wait3A_122 : memref<1x128xi32, #tpu.memory_space<vmem>> -> memref<128xi32, #tpu.memory_space<vmem>>
        %dma_wait3A_124 = arith.constant 0 : i32
        %dma_wait3A_125 = arith.constant 0 : i32
        %dma_wait3A_126 = tpu.memref_slice %arg9[%dma_wait3A_124, %dma_wait3A_125] : memref<10240x128xf32, #tpu.memory_space<vmem_shared>> -> memref<10240x128xf32, #tpu.memory_space<vmem_shared>>
        tpu.wait_indirect_dma semaphore(%run_scoped3A_106 : memref<!tpu.dma_semaphore, #tpu.memory_space<semaphore_mem>>) src(%dma_wait3A_120 : memref<128x128xf32, #tpu.memory_space<vmem>>) dst(%dma_wait3A_126 : memref<10240x128xf32, #tpu.memory_space<vmem_shared>>)
        tpu.yield
      }) : () -> ()
      %mul3A_82 = arith.constant 2 : i32
      %mul3A_83 = arith.muli %mul3A_82, %scan3A_62 : i32
      %add3A_84 = arith.constant 1 : i32
      %add3A_85 = arith.addi %mul3A_83, %add3A_84 : i32
      %add3A_86 = arith.constant 1 : i32
      %add3A_87 = arith.addi %add3A_85, %add3A_86 : i32
      %lt3A_88 = arith.constant 40 : i32
      %lt3A_89 = arith.cmpi slt, %add3A_87, %lt3A_88 : i32
      %convert_element_type3A_90 = arith.extui %lt3A_89 : i1 to i32
      %cond3A_91 = arith.constant 0 : i32
      %cond3A_92 = arith.cmpi ne, %convert_element_type3A_90, %cond3A_91 : i32
      scf.if %cond3A_92 {
        %add3A_106 = arith.constant 1 : i32
        %add3A_107 = arith.addi %add3A_85, %add3A_106 : i32
        %dma_start3A_108 = arith.constant 0 : i32
        %dma_start3A_109 = arith.constant 0 : i32
        %dma_start3A_110 = arith.constant 0 : i32
        %dma_start3A_111 = tpu.memref_slice %arg8[%dma_start3A_108, %dma_start3A_109, %dma_start3A_110] : memref<2x128x128xf32, #tpu.memory_space<vmem>> -> memref<1x128x128xf32, #tpu.memory_space<vmem>>
        %dma_start3A_112 = tpu.memref_squeeze %dma_start3A_111 : memref<1x128x128xf32, #tpu.memory_space<vmem>> -> memref<128x128xf32, #tpu.memory_space<vmem>>
        %dma_start3A_113 = arith.constant 0 : i32
        %dma_start3A_114 = tpu.memref_slice %arg6[%add3A_107, %dma_start3A_113] : memref<40x128xi32, #tpu.memory_space<vmem>> -> memref<1x128xi32, #tpu.memory_space<vmem>>
        %dma_start3A_115 = tpu.memref_squeeze %dma_start3A_114 : memref<1x128xi32, #tpu.memory_space<vmem>> -> memref<128xi32, #tpu.memory_space<vmem>>
        %dma_start3A_116 = arith.constant 0 : i32
        %dma_start3A_117 = arith.constant 0 : i32
        %dma_start3A_118 = tpu.memref_slice %arg2[%dma_start3A_116, %dma_start3A_117] : memref<10240x128xf32, #tpu.memory_space<hbm>> -> memref<10240x128xf32, #tpu.memory_space<hbm>>
        tpu.enqueue_indirect_dma source(%dma_start3A_118 : memref<10240x128xf32, #tpu.memory_space<hbm>>) target(%dma_start3A_112 : memref<128x128xf32, #tpu.memory_space<vmem>>) offsets(%dma_start3A_115 : memref<128xi32, #tpu.memory_space<vmem>>) semaphore(%arg10 : memref<!tpu.dma_semaphore, #tpu.memory_space<semaphore_mem>>)
      } else {
      }
      %dma_wait3A_93 = arith.constant 1 : i32
      %dma_wait3A_94 = arith.constant 0 : i32
      %dma_wait3A_95 = arith.constant 0 : i32
      %dma_wait3A_96 = tpu.memref_slice %arg8[%dma_wait3A_93, %dma_wait3A_94, %dma_wait3A_95] : memref<2x128x128xf32, #tpu.memory_space<vmem>> -> memref<1x128x128xf32, #tpu.memory_space<vmem>>
      %dma_wait3A_97 = tpu.memref_squeeze %dma_wait3A_96 : memref<1x128x128xf32, #tpu.memory_space<vmem>> -> memref<128x128xf32, #tpu.memory_space<vmem>>
      %dma_wait3A_98 = arith.constant 0 : i32
      %dma_wait3A_99 = tpu.memref_slice %arg6[%add3A_85, %dma_wait3A_98] : memref<40x128xi32, #tpu.memory_space<vmem>> -> memref<1x128xi32, #tpu.memory_space<vmem>>
      %dma_wait3A_100 = tpu.memref_squeeze %dma_wait3A_99 : memref<1x128xi32, #tpu.memory_space<vmem>> -> memref<128xi32, #tpu.memory_space<vmem>>
      %dma_wait3A_101 = arith.constant 0 : i32
      %dma_wait3A_102 = arith.constant 0 : i32
      %dma_wait3A_103 = tpu.memref_slice %arg2[%dma_wait3A_101, %dma_wait3A_102] : memref<10240x128xf32, #tpu.memory_space<hbm>> -> memref<10240x128xf32, #tpu.memory_space<hbm>>
      tpu.wait_indirect_dma semaphore(%arg10 : memref<!tpu.dma_semaphore, #tpu.memory_space<semaphore_mem>>) src(%dma_wait3A_103 : memref<10240x128xf32, #tpu.memory_space<hbm>>) dst(%dma_wait3A_97 : memref<128x128xf32, #tpu.memory_space<vmem>>)
      %run_scoped3A_104 = arith.constant 1 : i32
      "tpu.region"() ({
        %run_scoped3A_106 = tpu.sem_alloc : memref<!tpu.dma_semaphore, #tpu.memory_space<semaphore_mem>>
        %dma_start3A_107 = arith.constant 0 : i32
        %dma_start3A_108 = arith.constant 0 : i32
        %dma_start3A_109 = tpu.memref_slice %arg8[%run_scoped3A_104, %dma_start3A_107, %dma_start3A_108] : memref<2x128x128xf32, #tpu.memory_space<vmem>> -> memref<1x128x128xf32, #tpu.memory_space<vmem>>
        %dma_start3A_110 = tpu.memref_squeeze %dma_start3A_109 : memref<1x128x128xf32, #tpu.memory_space<vmem>> -> memref<128x128xf32, #tpu.memory_space<vmem>>
        %dma_start3A_111 = arith.constant 0 : i32
        %dma_start3A_112 = tpu.memref_slice %arg7[%add3A_85, %dma_start3A_111] : memref<40x128xi32, #tpu.memory_space<vmem>> -> memref<1x128xi32, #tpu.memory_space<vmem>>
        %dma_start3A_113 = tpu.memref_squeeze %dma_start3A_112 : memref<1x128xi32, #tpu.memory_space<vmem>> -> memref<128xi32, #tpu.memory_space<vmem>>
        %dma_start3A_114 = arith.constant 0 : i32
        %dma_start3A_115 = arith.constant 0 : i32
        %dma_start3A_116 = tpu.memref_slice %arg9[%dma_start3A_114, %dma_start3A_115] : memref<10240x128xf32, #tpu.memory_space<vmem_shared>> -> memref<10240x128xf32, #tpu.memory_space<vmem_shared>>
        tpu.enqueue_indirect_dma source(%dma_start3A_110 : memref<128x128xf32, #tpu.memory_space<vmem>>) target(%dma_start3A_116 : memref<10240x128xf32, #tpu.memory_space<vmem_shared>>) offsets(%dma_start3A_113 : memref<128xi32, #tpu.memory_space<vmem>>) semaphore(%run_scoped3A_106 : memref<!tpu.dma_semaphore, #tpu.memory_space<semaphore_mem>>) {add = true}
        %dma_wait3A_117 = arith.constant 0 : i32
        %dma_wait3A_118 = arith.constant 0 : i32
        %dma_wait3A_119 = tpu.memref_slice %arg8[%run_scoped3A_104, %dma_wait3A_117, %dma_wait3A_118] : memref<2x128x128xf32, #tpu.memory_space<vmem>> -> memref<1x128x128xf32, #tpu.memory_space<vmem>>
        %dma_wait3A_120 = tpu.memref_squeeze %dma_wait3A_119 : memref<1x128x128xf32, #tpu.memory_space<vmem>> -> memref<128x128xf32, #tpu.memory_space<vmem>>
        %dma_wait3A_121 = arith.constant 0 : i32
        %dma_wait3A_122 = tpu.memref_slice %arg7[%add3A_85, %dma_wait3A_121] : memref<40x128xi32, #tpu.memory_space<vmem>> -> memref<1x128xi32, #tpu.memory_space<vmem>>
        %dma_wait3A_123 = tpu.memref_squeeze %dma_wait3A_122 : memref<1x128xi32, #tpu.memory_space<vmem>> -> memref<128xi32, #tpu.memory_space<vmem>>
        %dma_wait3A_124 = arith.constant 0 : i32
        %dma_wait3A_125 = arith.constant 0 : i32
        %dma_wait3A_126 = tpu.memref_slice %arg9[%dma_wait3A_124, %dma_wait3A_125] : memref<10240x128xf32, #tpu.memory_space<vmem_shared>> -> memref<10240x128xf32, #tpu.memory_space<vmem_shared>>
        tpu.wait_indirect_dma semaphore(%run_scoped3A_106 : memref<!tpu.dma_semaphore, #tpu.memory_space<semaphore_mem>>) src(%dma_wait3A_120 : memref<128x128xf32, #tpu.memory_space<vmem>>) dst(%dma_wait3A_126 : memref<10240x128xf32, #tpu.memory_space<vmem_shared>>)
        tpu.yield
      }) : () -> ()
      %scan3A_105 = arith.constant 0 : i32
      scf.yield %scan3A_105 : i32
    }
    %scan3A_52 = arith.constant 20 : i32
    %barrier3A_53 = arith.constant 0 : index
    tpu.barrier barrier_id(%barrier3A_53)
    %scan3A_54 = arith.constant 0 : i32
    %scan3A_55 = arith.constant 0 : i32
    %scan3A_56 = arith.constant 0 : i32
    %scan3A_57 = arith.constant 5 : i32
    %scan3A_58 = arith.addi %scan3A_56, %scan3A_57 : i32
    %scan3A_59 = arith.constant 1 : i32
    %scan3A_60 = scf.for %scan3A_62 = %scan3A_56 to %scan3A_58 step %scan3A_59 iter_args(%scan3A_63 = %scan3A_55) -> (i32)  : i32 {
      %mul3A_64 = arith.constant 640 : i32
      %mul3A_65 = arith.muli %arg1, %mul3A_64 : i32
      %mul3A_66 = arith.constant 128 : i32
      %mul3A_67 = arith.muli %scan3A_62, %mul3A_66 : i32
      %add3A_68 = arith.addi %mul3A_65, %mul3A_67 : i32
      "tpu.region"() ({
        %run_scoped3A = tpu.sem_alloc : memref<!tpu.dma_semaphore, #tpu.memory_space<semaphore_mem>>
        %dma_start3A_70 = arith.constant 0 : i32
        %dma_start3A_71 = arith.constant 0 : i32
        %dma_start3A_72 = tpu.memref_slice %arg8[%scan3A_54, %dma_start3A_70, %dma_start3A_71] : memref<2x128x128xf32, #tpu.memory_space<vmem>> -> memref<1x128x128xf32, #tpu.memory_space<vmem>>
        %dma_start3A_73 = tpu.memref_squeeze %dma_start3A_72 : memref<1x128x128xf32, #tpu.memory_space<vmem>> -> memref<128x128xf32, #tpu.memory_space<vmem>>
        %dma_start3A_74 = arith.constant 0 : i32
        %dma_start3A_75 = tpu.memref_slice %arg9[%add3A_68, %dma_start3A_74] : memref<10240x128xf32, #tpu.memory_space<vmem_shared>> -> memref<128x128xf32, #tpu.memory_space<vmem_shared>>
        %dma_start3A_76 = arith.constant 0 : i32
        %dma_start3A_77 = arith.constant 0 : i32
        %dma_start3A_78 = tpu.memref_slice %arg8[%scan3A_54, %dma_start3A_76, %dma_start3A_77] : memref<2x128x128xf32, #tpu.memory_space<vmem>> -> memref<1x128x128xf32, #tpu.memory_space<vmem>>
        %dma_start3A_79 = tpu.memref_squeeze %dma_start3A_78 : memref<1x128x128xf32, #tpu.memory_space<vmem>> -> memref<128x128xf32, #tpu.memory_space<vmem>>
        %dma_start3A_80 = arith.constant 0 : i32
        %dma_start3A_81 = tpu.memref_slice %arg9[%add3A_68, %dma_start3A_80] : memref<10240x128xf32, #tpu.memory_space<vmem_shared>> -> memref<128x128xf32, #tpu.memory_space<vmem_shared>>
        tpu.enqueue_dma source(%dma_start3A_81 : memref<128x128xf32, #tpu.memory_space<vmem_shared>>) target(%dma_start3A_79 : memref<128x128xf32, #tpu.memory_space<vmem>>) target_semaphore(%run_scoped3A : memref<!tpu.dma_semaphore, #tpu.memory_space<semaphore_mem>>)
        %dma_wait3A = arith.constant 0 : i32
        %dma_wait3A_82 = arith.constant 0 : i32
        %dma_wait3A_83 = tpu.memref_slice %arg8[%scan3A_54, %dma_wait3A, %dma_wait3A_82] : memref<2x128x128xf32, #tpu.memory_space<vmem>> -> memref<1x128x128xf32, #tpu.memory_space<vmem>>
        %dma_wait3A_84 = tpu.memref_squeeze %dma_wait3A_83 : memref<1x128x128xf32, #tpu.memory_space<vmem>> -> memref<128x128xf32, #tpu.memory_space<vmem>>
        %dma_wait3A_85 = arith.constant 0 : i32
        %dma_wait3A_86 = tpu.memref_slice %arg9[%add3A_68, %dma_wait3A_85] : memref<10240x128xf32, #tpu.memory_space<vmem_shared>> -> memref<128x128xf32, #tpu.memory_space<vmem_shared>>
        %dma_wait3A_87 = arith.constant 0 : i32
        %dma_wait3A_88 = arith.constant 0 : i32
        %dma_wait3A_89 = tpu.memref_slice %arg8[%scan3A_54, %dma_wait3A_87, %dma_wait3A_88] : memref<2x128x128xf32, #tpu.memory_space<vmem>> -> memref<1x128x128xf32, #tpu.memory_space<vmem>>
        %dma_wait3A_90 = tpu.memref_squeeze %dma_wait3A_89 : memref<1x128x128xf32, #tpu.memory_space<vmem>> -> memref<128x128xf32, #tpu.memory_space<vmem>>
        %dma_wait3A_91 = arith.constant 0 : i32
        %dma_wait3A_92 = tpu.memref_slice %arg9[%add3A_68, %dma_wait3A_91] : memref<10240x128xf32, #tpu.memory_space<vmem_shared>> -> memref<128x128xf32, #tpu.memory_space<vmem_shared>>
        tpu.wait_dma2 semaphore(%run_scoped3A : memref<!tpu.dma_semaphore, #tpu.memory_space<semaphore_mem>>) src(%dma_wait3A_92 : memref<128x128xf32, #tpu.memory_space<vmem_shared>>) dst(%dma_wait3A_90 : memref<128x128xf32, #tpu.memory_space<vmem>>)
        tpu.yield
      }) : () -> ()
      "tpu.region"() ({
        %run_scoped3A = tpu.sem_alloc : memref<!tpu.dma_semaphore, #tpu.memory_space<semaphore_mem>>
        %dma_start3A_70 = arith.constant 0 : i32
        %dma_start3A_71 = arith.constant 0 : i32
        %dma_start3A_72 = tpu.memref_slice %arg8[%scan3A_54, %dma_start3A_70, %dma_start3A_71] : memref<2x128x128xf32, #tpu.memory_space<vmem>> -> memref<1x128x128xf32, #tpu.memory_space<vmem>>
        %dma_start3A_73 = tpu.memref_squeeze %dma_start3A_72 : memref<1x128x128xf32, #tpu.memory_space<vmem>> -> memref<128x128xf32, #tpu.memory_space<vmem>>
        %dma_start3A_74 = arith.constant 0 : i32
        %dma_start3A_75 = tpu.memref_slice %arg5[%arg0, %add3A_68, %dma_start3A_74] : memref<2x10240x128xf32, #tpu.memory_space<hbm>> -> memref<1x128x128xf32, #tpu.memory_space<hbm>>
        %dma_start3A_76 = tpu.memref_squeeze %dma_start3A_75 : memref<1x128x128xf32, #tpu.memory_space<hbm>> -> memref<128x128xf32, #tpu.memory_space<hbm>>
        %dma_start3A_77 = arith.constant 0 : i32
        %dma_start3A_78 = tpu.memref_slice %arg5[%arg0, %add3A_68, %dma_start3A_77] : memref<2x10240x128xf32, #tpu.memory_space<hbm>> -> memref<1x128x128xf32, #tpu.memory_space<hbm>>
        %dma_start3A_79 = tpu.memref_squeeze %dma_start3A_78 : memref<1x128x128xf32, #tpu.memory_space<hbm>> -> memref<128x128xf32, #tpu.memory_space<hbm>>
        %dma_start3A_80 = arith.constant 0 : i32
        %dma_start3A_81 = arith.constant 0 : i32
        %dma_start3A_82 = tpu.memref_slice %arg8[%scan3A_54, %dma_start3A_80, %dma_start3A_81] : memref<2x128x128xf32, #tpu.memory_space<vmem>> -> memref<1x128x128xf32, #tpu.memory_space<vmem>>
        %dma_start3A_83 = tpu.memref_squeeze %dma_start3A_82 : memref<1x128x128xf32, #tpu.memory_space<vmem>> -> memref<128x128xf32, #tpu.memory_space<vmem>>
        tpu.enqueue_dma source(%dma_start3A_83 : memref<128x128xf32, #tpu.memory_space<vmem>>) target(%dma_start3A_79 : memref<128x128xf32, #tpu.memory_space<hbm>>) target_semaphore(%run_scoped3A : memref<!tpu.dma_semaphore, #tpu.memory_space<semaphore_mem>>)
        %dma_wait3A = arith.constant 0 : i32
        %dma_wait3A_84 = arith.constant 0 : i32
        %dma_wait3A_85 = tpu.memref_slice %arg8[%scan3A_54, %dma_wait3A, %dma_wait3A_84] : memref<2x128x128xf32, #tpu.memory_space<vmem>> -> memref<1x128x128xf32, #tpu.memory_space<vmem>>
        %dma_wait3A_86 = tpu.memref_squeeze %dma_wait3A_85 : memref<1x128x128xf32, #tpu.memory_space<vmem>> -> memref<128x128xf32, #tpu.memory_space<vmem>>
        %dma_wait3A_87 = arith.constant 0 : i32
        %dma_wait3A_88 = tpu.memref_slice %arg5[%arg0, %add3A_68, %dma_wait3A_87] : memref<2x10240x128xf32, #tpu.memory_space<hbm>> -> memref<1x128x128xf32, #tpu.memory_space<hbm>>
        %dma_wait3A_89 = tpu.memref_squeeze %dma_wait3A_88 : memref<1x128x128xf32, #tpu.memory_space<hbm>> -> memref<128x128xf32, #tpu.memory_space<hbm>>
        %dma_wait3A_90 = arith.constant 0 : i32
        %dma_wait3A_91 = tpu.memref_slice %arg5[%arg0, %add3A_68, %dma_wait3A_90] : memref<2x10240x128xf32, #tpu.memory_space<hbm>> -> memref<1x128x128xf32, #tpu.memory_space<hbm>>
        %dma_wait3A_92 = tpu.memref_squeeze %dma_wait3A_91 : memref<1x128x128xf32, #tpu.memory_space<hbm>> -> memref<128x128xf32, #tpu.memory_space<hbm>>
        %dma_wait3A_93 = arith.constant 0 : i32
        %dma_wait3A_94 = arith.constant 0 : i32
        %dma_wait3A_95 = tpu.memref_slice %arg8[%scan3A_54, %dma_wait3A_93, %dma_wait3A_94] : memref<2x128x128xf32, #tpu.memory_space<vmem>> -> memref<1x128x128xf32, #tpu.memory_space<vmem>>
        %dma_wait3A_96 = tpu.memref_squeeze %dma_wait3A_95 : memref<1x128x128xf32, #tpu.memory_space<vmem>> -> memref<128x128xf32, #tpu.memory_space<vmem>>
        tpu.wait_dma2 semaphore(%run_scoped3A : memref<!tpu.dma_semaphore, #tpu.memory_space<semaphore_mem>>) src(%dma_wait3A_96 : memref<128x128xf32, #tpu.memory_space<vmem>>) dst(%dma_wait3A_92 : memref<128x128xf32, #tpu.memory_space<hbm>>)
        tpu.yield
      }) : () -> ()
      %scan3A_69 = arith.constant 0 : i32
      scf.yield %scan3A_69 : i32
    }
    %scan3A_61 = arith.constant 5 : i32
    return
  }
}

module attributes {stable_mosaic.version = 14 : i64} {
  func.func @_proa_body(%arg0: i32, %arg1: memref<1024x128xf32, #tpu.memory_space<vmem>>, %arg2: memref<128x128xf32, #tpu.memory_space<vmem>>, %arg3: memref<1x128xf32, #tpu.memory_space<vmem>>, %arg4: memref<128x128xf32, #tpu.memory_space<vmem>>, %arg5: memref<1x128xf32, #tpu.memory_space<vmem>>, %arg6: memref<64x128xf32, #tpu.memory_space<vmem>>, %arg7: memref<128x128xf32, #tpu.memory_space<vmem>>, %arg8: memref<1x128xf32, #tpu.memory_space<vmem>>, %arg9: memref<128x128xf32, #tpu.memory_space<vmem>>, %arg10: memref<1x128xf32, #tpu.memory_space<vmem>>, %arg11: memref<128x128xf32, #tpu.memory_space<vmem>>, %arg12: memref<1x128xf32, #tpu.memory_space<vmem>>, %arg13: memref<128x128xf32, #tpu.memory_space<vmem>>, %arg14: memref<1x128xf32, #tpu.memory_space<vmem>>, %arg15: memref<1024x128xf32, #tpu.memory_space<vmem>>, %arg16: memref<64x128xf32, #tpu.memory_space<vmem>>, %arg17: memref<64x128xf32, #tpu.memory_space<vmem>>) attributes {dimension_semantics = [#tpu.dimension_semantics<arbitrary>], iteration_bounds = array<i64: 10>, scalar_prefetch = 0 : i64, scratch_operands = 0 : i64, tpu.core_type = #tpu.core_type<tc>, window_params = [{transform_indices = @transform_0, window_bounds = array<i64: 1024, 128>}, {pipeline_mode = #tpu.pipeline_mode<synchronous>, transform_indices = @transform_1, window_bounds = array<i64: 128, 128>}, {pipeline_mode = #tpu.pipeline_mode<synchronous>, transform_indices = @transform_2, window_bounds = array<i64: 1, 128>}, {pipeline_mode = #tpu.pipeline_mode<synchronous>, transform_indices = @transform_3, window_bounds = array<i64: 128, 128>}, {pipeline_mode = #tpu.pipeline_mode<synchronous>, transform_indices = @transform_4, window_bounds = array<i64: 1, 128>}, {pipeline_mode = #tpu.pipeline_mode<synchronous>, transform_indices = @transform_5, window_bounds = array<i64: 64, 128>}, {pipeline_mode = #tpu.pipeline_mode<synchronous>, transform_indices = @transform_6, window_bounds = array<i64: 128, 128>}, {pipeline_mode = #tpu.pipeline_mode<synchronous>, transform_indices = @transform_7, window_bounds = array<i64: 1, 128>}, {pipeline_mode = #tpu.pipeline_mode<synchronous>, transform_indices = @transform_8, window_bounds = array<i64: 128, 128>}, {pipeline_mode = #tpu.pipeline_mode<synchronous>, transform_indices = @transform_9, window_bounds = array<i64: 1, 128>}, {pipeline_mode = #tpu.pipeline_mode<synchronous>, transform_indices = @transform_10, window_bounds = array<i64: 128, 128>}, {pipeline_mode = #tpu.pipeline_mode<synchronous>, transform_indices = @transform_11, window_bounds = array<i64: 1, 128>}, {pipeline_mode = #tpu.pipeline_mode<synchronous>, transform_indices = @transform_12, window_bounds = array<i64: 128, 128>}, {pipeline_mode = #tpu.pipeline_mode<synchronous>, transform_indices = @transform_13, window_bounds = array<i64: 1, 128>}, {transform_indices = @transform_14, window_bounds = array<i64: 1024, 128>}, {pipeline_mode = #tpu.pipeline_mode<synchronous>, transform_indices = @transform_15, window_bounds = array<i64: 64, 128>}, {pipeline_mode = #tpu.pipeline_mode<synchronous>, transform_indices = @transform_16, window_bounds = array<i64: 64, 128>}]} {
    %get3A = arith.constant 0 : index
    %get3A_0 = arith.constant 0 : index
    %get3A_1 = vector.load %arg1[%get3A, %get3A_0] : memref<1024x128xf32, #tpu.memory_space<vmem>>, vector<1024x128xf32>
    %get3A_2 = arith.constant 0 : index
    %get3A_3 = arith.constant 0 : index
    %get3A_4 = vector.load %arg2[%get3A_2, %get3A_3] : memref<128x128xf32, #tpu.memory_space<vmem>>, vector<128x128xf32>
    %dot_general3A = arith.constant dense<0.000000e+00> : vector<1024x128xf32>
    %dot_general3A_5 = tpu.matmul %get3A_1, %get3A_4, %dot_general3A {dimension_numbers = #tpu.dot_dimension_numbers<[1], [0], [0], [1], [0, 0, 1, 1], [], []>, transpose_lhs_hint = false} : vector<1024x128xf32>, vector<128x128xf32>, vector<1024x128xf32> -> vector<1024x128xf32>
    %get3A_6 = arith.constant 0 : index
    %get3A_7 = arith.constant 0 : index
    %get3A_8 = vector.load %arg3[%get3A_6, %get3A_7] : memref<1x128xf32, #tpu.memory_space<vmem>>, vector<1x128xf32>
    %add3A = vector.broadcast %get3A_8 : vector<1x128xf32> to vector<1024x128xf32>
    %add3A_9 = arith.addf %dot_general3A_5, %add3A : vector<1024x128xf32>
    %gt3A = arith.constant 0.000000e+00 : f32
    %gt3A_10 = vector.broadcast %gt3A : f32 to vector<1024x128xf32>
    %gt3A_11 = arith.cmpf ogt, %add3A_9, %gt3A_10 : vector<1024x128xf32>
    %mul3A = arith.constant 0.00999999977 : f32
    %mul3A_12 = vector.broadcast %mul3A : f32 to vector<1024x128xf32>
    %mul3A_13 = arith.mulf %mul3A_12, %add3A_9 : vector<1024x128xf32>
    %select_n3A = arith.select %gt3A_11, %add3A_9, %mul3A_13 : vector<1024x128xi1>, vector<1024x128xf32>
    %get3A_14 = arith.constant 0 : index
    %get3A_15 = arith.constant 0 : index
    %get3A_16 = vector.load %arg4[%get3A_14, %get3A_15] : memref<128x128xf32, #tpu.memory_space<vmem>>, vector<128x128xf32>
    %dot_general3A_17 = arith.constant dense<0.000000e+00> : vector<1024x128xf32>
    %dot_general3A_18 = tpu.matmul %select_n3A, %get3A_16, %dot_general3A_17 {dimension_numbers = #tpu.dot_dimension_numbers<[1], [0], [0], [1], [0, 0, 1, 1], [], []>, transpose_lhs_hint = false} : vector<1024x128xf32>, vector<128x128xf32>, vector<1024x128xf32> -> vector<1024x128xf32>
    %get3A_19 = arith.constant 0 : index
    %get3A_20 = arith.constant 0 : index
    %get3A_21 = vector.load %arg5[%get3A_19, %get3A_20] : memref<1x128xf32, #tpu.memory_space<vmem>>, vector<1x128xf32>
    %add3A_22 = vector.broadcast %get3A_21 : vector<1x128xf32> to vector<1024x128xf32>
    %add3A_23 = arith.addf %dot_general3A_18, %add3A_22 : vector<1024x128xf32>
    %gt3A_24 = arith.constant 0.000000e+00 : f32
    %gt3A_25 = vector.broadcast %gt3A_24 : f32 to vector<1024x128xf32>
    %gt3A_26 = arith.cmpf ogt, %add3A_23, %gt3A_25 : vector<1024x128xf32>
    %mul3A_27 = arith.constant 0.00999999977 : f32
    %mul3A_28 = vector.broadcast %mul3A_27 : f32 to vector<1024x128xf32>
    %mul3A_29 = arith.mulf %mul3A_28, %add3A_23 : vector<1024x128xf32>
    %select_n3A_30 = arith.select %gt3A_26, %add3A_23, %mul3A_29 : vector<1024x128xi1>, vector<1024x128xf32>
    %add3A_31 = arith.addf %select_n3A, %select_n3A_30 : vector<1024x128xf32>
    %swap3A = arith.constant 0 : index
    %swap3A_32 = arith.constant 0 : index
    %swap3A_33 = vector.load %arg15[%swap3A, %swap3A_32] : memref<1024x128xf32, #tpu.memory_space<vmem>>, vector<1024x128xf32>
    tpu.vector_store %arg15[%swap3A, %swap3A_32], %add3A_31 {strides = array<i32>} : memref<1024x128xf32, #tpu.memory_space<vmem>>, vector<1024x128xf32>,
    %eq3A = arith.constant 0 : i32
    %eq3A_34 = arith.cmpi eq, %arg0, %eq3A : i32
    %convert_element_type3A = arith.extui %eq3A_34 : i1 to i32
    %cond3A = arith.constant 0 : i32
    %cond3A_35 = arith.cmpi ne, %convert_element_type3A, %cond3A : i32
    scf.if %cond3A_35 {
      %get3A_36 = arith.constant 0 : index
      %get3A_37 = arith.constant 0 : index
      %get3A_38 = vector.load %arg6[%get3A_36, %get3A_37] : memref<64x128xf32, #tpu.memory_space<vmem>>, vector<64x128xf32>
      %get3A_39 = arith.constant 0 : index
      %get3A_40 = arith.constant 0 : index
      %get3A_41 = vector.load %arg7[%get3A_39, %get3A_40] : memref<128x128xf32, #tpu.memory_space<vmem>>, vector<128x128xf32>
      %dot_general3A_42 = arith.constant dense<0.000000e+00> : vector<64x128xf32>
      %dot_general3A_43 = tpu.matmul %get3A_38, %get3A_41, %dot_general3A_42 {dimension_numbers = #tpu.dot_dimension_numbers<[1], [0], [0], [1], [0, 0, 1, 1], [], []>, transpose_lhs_hint = false} : vector<64x128xf32>, vector<128x128xf32>, vector<64x128xf32> -> vector<64x128xf32>
      %get3A_44 = arith.constant 0 : index
      %get3A_45 = arith.constant 0 : index
      %get3A_46 = vector.load %arg8[%get3A_44, %get3A_45] : memref<1x128xf32, #tpu.memory_space<vmem>>, vector<1x128xf32>
      %add3A_47 = vector.broadcast %get3A_46 : vector<1x128xf32> to vector<64x128xf32>
      %add3A_48 = arith.addf %dot_general3A_43, %add3A_47 : vector<64x128xf32>
      %gt3A_49 = arith.constant 0.000000e+00 : f32
      %gt3A_50 = vector.broadcast %gt3A_49 : f32 to vector<64x128xf32>
      %gt3A_51 = arith.cmpf ogt, %add3A_48, %gt3A_50 : vector<64x128xf32>
      %mul3A_52 = arith.constant 0.00999999977 : f32
      %mul3A_53 = vector.broadcast %mul3A_52 : f32 to vector<64x128xf32>
      %mul3A_54 = arith.mulf %mul3A_53, %add3A_48 : vector<64x128xf32>
      %select_n3A_55 = arith.select %gt3A_51, %add3A_48, %mul3A_54 : vector<64x128xi1>, vector<64x128xf32>
      %get3A_56 = arith.constant 0 : index
      %get3A_57 = arith.constant 0 : index
      %get3A_58 = vector.load %arg9[%get3A_56, %get3A_57] : memref<128x128xf32, #tpu.memory_space<vmem>>, vector<128x128xf32>
      %dot_general3A_59 = arith.constant dense<0.000000e+00> : vector<64x128xf32>
      %dot_general3A_60 = tpu.matmul %select_n3A_55, %get3A_58, %dot_general3A_59 {dimension_numbers = #tpu.dot_dimension_numbers<[1], [0], [0], [1], [0, 0, 1, 1], [], []>, transpose_lhs_hint = false} : vector<64x128xf32>, vector<128x128xf32>, vector<64x128xf32> -> vector<64x128xf32>
      %get3A_61 = arith.constant 0 : index
      %get3A_62 = arith.constant 0 : index
      %get3A_63 = vector.load %arg10[%get3A_61, %get3A_62] : memref<1x128xf32, #tpu.memory_space<vmem>>, vector<1x128xf32>
      %add3A_64 = vector.broadcast %get3A_63 : vector<1x128xf32> to vector<64x128xf32>
      %add3A_65 = arith.addf %dot_general3A_60, %add3A_64 : vector<64x128xf32>
      %gt3A_66 = arith.constant 0.000000e+00 : f32
      %gt3A_67 = vector.broadcast %gt3A_66 : f32 to vector<64x128xf32>
      %gt3A_68 = arith.cmpf ogt, %add3A_65, %gt3A_67 : vector<64x128xf32>
      %mul3A_69 = arith.constant 0.00999999977 : f32
      %mul3A_70 = vector.broadcast %mul3A_69 : f32 to vector<64x128xf32>
      %mul3A_71 = arith.mulf %mul3A_70, %add3A_65 : vector<64x128xf32>
      %select_n3A_72 = arith.select %gt3A_68, %add3A_65, %mul3A_71 : vector<64x128xi1>, vector<64x128xf32>
      %swap3A_73 = arith.constant 0 : index
      %swap3A_74 = arith.constant 0 : index
      %swap3A_75 = vector.load %arg16[%swap3A_73, %swap3A_74] : memref<64x128xf32, #tpu.memory_space<vmem>>, vector<64x128xf32>
      tpu.vector_store %arg16[%swap3A_73, %swap3A_74], %select_n3A_72 {strides = array<i32>} : memref<64x128xf32, #tpu.memory_space<vmem>>, vector<64x128xf32>,
      %get3A_76 = arith.constant 0 : index
      %get3A_77 = arith.constant 0 : index
      %get3A_78 = vector.load %arg11[%get3A_76, %get3A_77] : memref<128x128xf32, #tpu.memory_space<vmem>>, vector<128x128xf32>
      %dot_general3A_79 = arith.constant dense<0.000000e+00> : vector<64x128xf32>
      %dot_general3A_80 = tpu.matmul %get3A_38, %get3A_78, %dot_general3A_79 {dimension_numbers = #tpu.dot_dimension_numbers<[1], [0], [0], [1], [0, 0, 1, 1], [], []>, transpose_lhs_hint = false} : vector<64x128xf32>, vector<128x128xf32>, vector<64x128xf32> -> vector<64x128xf32>
      %get3A_81 = arith.constant 0 : index
      %get3A_82 = arith.constant 0 : index
      %get3A_83 = vector.load %arg12[%get3A_81, %get3A_82] : memref<1x128xf32, #tpu.memory_space<vmem>>, vector<1x128xf32>
      %add3A_84 = vector.broadcast %get3A_83 : vector<1x128xf32> to vector<64x128xf32>
      %add3A_85 = arith.addf %dot_general3A_80, %add3A_84 : vector<64x128xf32>
      %get3A_86 = arith.constant 0 : index
      %get3A_87 = arith.constant 0 : index
      %get3A_88 = vector.load %arg13[%get3A_86, %get3A_87] : memref<128x128xf32, #tpu.memory_space<vmem>>, vector<128x128xf32>
      %dot_general3A_89 = arith.constant dense<0.000000e+00> : vector<64x128xf32>
      %dot_general3A_90 = tpu.matmul %add3A_85, %get3A_88, %dot_general3A_89 {dimension_numbers = #tpu.dot_dimension_numbers<[1], [0], [0], [1], [0, 0, 1, 1], [], []>, transpose_lhs_hint = false} : vector<64x128xf32>, vector<128x128xf32>, vector<64x128xf32> -> vector<64x128xf32>
      %get3A_91 = arith.constant 0 : index
      %get3A_92 = arith.constant 0 : index
      %get3A_93 = vector.load %arg14[%get3A_91, %get3A_92] : memref<1x128xf32, #tpu.memory_space<vmem>>, vector<1x128xf32>
      %add3A_94 = vector.broadcast %get3A_93 : vector<1x128xf32> to vector<64x128xf32>
      %add3A_95 = arith.addf %dot_general3A_90, %add3A_94 : vector<64x128xf32>
      %gt3A_96 = arith.constant 0.000000e+00 : f32
      %gt3A_97 = vector.broadcast %gt3A_96 : f32 to vector<64x128xf32>
      %gt3A_98 = arith.cmpf ogt, %add3A_95, %gt3A_97 : vector<64x128xf32>
      %mul3A_99 = arith.constant 0.00999999977 : f32
      %mul3A_100 = vector.broadcast %mul3A_99 : f32 to vector<64x128xf32>
      %mul3A_101 = arith.mulf %mul3A_100, %add3A_95 : vector<64x128xf32>
      %select_n3A_102 = arith.select %gt3A_98, %add3A_95, %mul3A_101 : vector<64x128xi1>, vector<64x128xf32>
      %swap3A_103 = arith.constant 0 : index
      %swap3A_104 = arith.constant 0 : index
      %swap3A_105 = vector.load %arg17[%swap3A_103, %swap3A_104] : memref<64x128xf32, #tpu.memory_space<vmem>>, vector<64x128xf32>
      tpu.vector_store %arg17[%swap3A_103, %swap3A_104], %select_n3A_102 {strides = array<i32>} : memref<64x128xf32, #tpu.memory_space<vmem>>, vector<64x128xf32>,
    } else {
    }
    return
  }
  func.func @transform_0(%arg0: i32) -> (i32, i32) {
    %c0_i32 = arith.constant 0 : i32
    %c0_i32_0 = arith.constant 0 : i32
    return %arg0, %c0_i32 : i32, i32
  }
  func.func @transform_1(%arg0: i32) -> (i32, i32) {
    %c0_i32 = arith.constant 0 : i32
    %c0_i32_0 = arith.constant 0 : i32
    %c0_i32_1 = arith.constant 0 : i32
    return %c0_i32, %c0_i32_0 : i32, i32
  }
  func.func @transform_2(%arg0: i32) -> (i32, i32) {
    %c0_i32 = arith.constant 0 : i32
    %c0_i32_0 = arith.constant 0 : i32
    %c0_i32_1 = arith.constant 0 : i32
    return %c0_i32, %c0_i32_0 : i32, i32
  }
  func.func @transform_3(%arg0: i32) -> (i32, i32) {
    %c0_i32 = arith.constant 0 : i32
    %c0_i32_0 = arith.constant 0 : i32
    %c0_i32_1 = arith.constant 0 : i32
    return %c0_i32, %c0_i32_0 : i32, i32
  }
  func.func @transform_4(%arg0: i32) -> (i32, i32) {
    %c0_i32 = arith.constant 0 : i32
    %c0_i32_0 = arith.constant 0 : i32
    %c0_i32_1 = arith.constant 0 : i32
    return %c0_i32, %c0_i32_0 : i32, i32
  }
  func.func @transform_5(%arg0: i32) -> (i32, i32) {
    %c0_i32 = arith.constant 0 : i32
    %c0_i32_0 = arith.constant 0 : i32
    %c0_i32_1 = arith.constant 0 : i32
    return %c0_i32, %c0_i32_0 : i32, i32
  }
  func.func @transform_6(%arg0: i32) -> (i32, i32) {
    %c0_i32 = arith.constant 0 : i32
    %c0_i32_0 = arith.constant 0 : i32
    %c0_i32_1 = arith.constant 0 : i32
    return %c0_i32, %c0_i32_0 : i32, i32
  }
  func.func @transform_7(%arg0: i32) -> (i32, i32) {
    %c0_i32 = arith.constant 0 : i32
    %c0_i32_0 = arith.constant 0 : i32
    %c0_i32_1 = arith.constant 0 : i32
    return %c0_i32, %c0_i32_0 : i32, i32
  }
  func.func @transform_8(%arg0: i32) -> (i32, i32) {
    %c0_i32 = arith.constant 0 : i32
    %c0_i32_0 = arith.constant 0 : i32
    %c0_i32_1 = arith.constant 0 : i32
    return %c0_i32, %c0_i32_0 : i32, i32
  }
  func.func @transform_9(%arg0: i32) -> (i32, i32) {
    %c0_i32 = arith.constant 0 : i32
    %c0_i32_0 = arith.constant 0 : i32
    %c0_i32_1 = arith.constant 0 : i32
    return %c0_i32, %c0_i32_0 : i32, i32
  }
  func.func @transform_10(%arg0: i32) -> (i32, i32) {
    %c0_i32 = arith.constant 0 : i32
    %c0_i32_0 = arith.constant 0 : i32
    %c0_i32_1 = arith.constant 0 : i32
    return %c0_i32, %c0_i32_0 : i32, i32
  }
  func.func @transform_11(%arg0: i32) -> (i32, i32) {
    %c0_i32 = arith.constant 0 : i32
    %c0_i32_0 = arith.constant 0 : i32
    %c0_i32_1 = arith.constant 0 : i32
    return %c0_i32, %c0_i32_0 : i32, i32
  }
  func.func @transform_12(%arg0: i32) -> (i32, i32) {
    %c0_i32 = arith.constant 0 : i32
    %c0_i32_0 = arith.constant 0 : i32
    %c0_i32_1 = arith.constant 0 : i32
    return %c0_i32, %c0_i32_0 : i32, i32
  }
  func.func @transform_13(%arg0: i32) -> (i32, i32) {
    %c0_i32 = arith.constant 0 : i32
    %c0_i32_0 = arith.constant 0 : i32
    %c0_i32_1 = arith.constant 0 : i32
    return %c0_i32, %c0_i32_0 : i32, i32
  }
  func.func @transform_14(%arg0: i32) -> (i32, i32) {
    %c0_i32 = arith.constant 0 : i32
    %c0_i32_0 = arith.constant 0 : i32
    return %arg0, %c0_i32 : i32, i32
  }
  func.func @transform_15(%arg0: i32) -> (i32, i32) {
    %c0_i32 = arith.constant 0 : i32
    %c0_i32_0 = arith.constant 0 : i32
    %c0_i32_1 = arith.constant 0 : i32
    return %c0_i32, %c0_i32_0 : i32, i32
  }
  func.func @transform_16(%arg0: i32) -> (i32, i32) {
    %c0_i32 = arith.constant 0 : i32
    %c0_i32_0 = arith.constant 0 : i32
    %c0_i32_1 = arith.constant 0 : i32
    return %c0_i32, %c0_i32_0 : i32, i32
  }
}

module attributes {stable_mosaic.version = 14 : i64} {
  func.func @_prob_body(%arg0: i32, %arg1: memref<1024x128xf32, #tpu.memory_space<vmem>>, %arg2: memref<1x1024x128xf32, #tpu.memory_space<vmem>>, %arg3: memref<1x1024x128xf32, #tpu.memory_space<vmem>>, %arg4: memref<1024x128xf32, #tpu.memory_space<vmem>>, %arg5: memref<1024x8xf32, #tpu.memory_space<vmem>>) attributes {dimension_semantics = [#tpu.dimension_semantics<arbitrary>], iteration_bounds = array<i64: 10>, scalar_prefetch = 0 : i64, scratch_operands = 0 : i64, tpu.core_type = #tpu.core_type<tc>, window_params = [{transform_indices = @transform_0, window_bounds = array<i64: 1024, 128>}, {transform_indices = @transform_1, window_bounds = array<i64: 1, 1024, 128>}, {transform_indices = @transform_2, window_bounds = array<i64: 1, 1024, 128>}, {transform_indices = @transform_3, window_bounds = array<i64: 1024, 128>}, {transform_indices = @transform_4, window_bounds = array<i64: 1024, 8>}]} {
    %get3A = arith.constant 0 : index
    %get3A_0 = arith.constant 0 : index
    %get3A_1 = arith.constant 0 : index
    %get3A_2 = vector.load %arg2[%get3A, %get3A_0, %get3A_1] : memref<1x1024x128xf32, #tpu.memory_space<vmem>>, vector<1x1024x1xf32>
    %get3A_3 = vector.shape_cast %get3A_2 : vector<1x1024x1xf32> to vector<1024x1xf32>
    %get3A_4 = arith.constant 0 : index
    %get3A_5 = arith.constant 0 : index
    %get3A_6 = arith.constant 0 : index
    %get3A_7 = vector.load %arg3[%get3A_4, %get3A_5, %get3A_6] : memref<1x1024x128xf32, #tpu.memory_space<vmem>>, vector<1x1024x1xf32>
    %get3A_8 = vector.shape_cast %get3A_7 : vector<1x1024x1xf32> to vector<1024x1xf32>
    %add3A = arith.addf %get3A_3, %get3A_8 : vector<1024x1xf32>
    %gt3A = arith.constant 0.000000e+00 : f32
    %gt3A_9 = vector.broadcast %gt3A : f32 to vector<1024x1xf32>
    %gt3A_10 = arith.cmpf ogt, %add3A, %gt3A_9 : vector<1024x1xf32>
    %max3A = arith.constant 9.99999996E-13 : f32
    %max3A_11 = vector.broadcast %max3A : f32 to vector<1024x1xf32>
    %max3A_12 = arith.maximumf %add3A, %max3A_11 : vector<1024x1xf32>
    %rsqrt3A = math.rsqrt %max3A_12 : vector<1024x1xf32>
    %jit3A = arith.constant 0.000000e+00 : f32
    %broadcast_in_dim3A = vector.broadcast %jit3A : f32 to vector<1024x1xf32>
    %select_n3A = arith.select %gt3A_10, %rsqrt3A, %broadcast_in_dim3A : vector<1024x1xi1>, vector<1024x1xf32>
    %get3A_13 = arith.constant 0 : index
    %get3A_14 = arith.constant 0 : index
    %get3A_15 = vector.load %arg1[%get3A_13, %get3A_14] : memref<1024x128xf32, #tpu.memory_space<vmem>>, vector<1024x128xf32>
    %mul3A = vector.broadcast %select_n3A : vector<1024x1xf32> to vector<1024x128xf32>
    %mul3A_16 = arith.mulf %get3A_15, %mul3A : vector<1024x128xf32>
    %swap3A = arith.constant 0 : index
    %swap3A_17 = arith.constant 0 : index
    %swap3A_18 = vector.load %arg4[%swap3A, %swap3A_17] : memref<1024x128xf32, #tpu.memory_space<vmem>>, vector<1024x128xf32>
    tpu.vector_store %arg4[%swap3A, %swap3A_17], %mul3A_16 {strides = array<i32>} : memref<1024x128xf32, #tpu.memory_space<vmem>>, vector<1024x128xf32>,
    %broadcast_in_dim3A_19 = vector.shape_cast %select_n3A : vector<1024x1xf32> to vector<1024x1xf32>
    %broadcast_in_dim3A_20 = vector.broadcast %broadcast_in_dim3A_19 : vector<1024x1xf32> to vector<1024x8xf32>
    %swap3A_21 = arith.constant 0 : index
    %swap3A_22 = arith.constant 0 : index
    %swap3A_23 = vector.load %arg5[%swap3A_21, %swap3A_22] : memref<1024x8xf32, #tpu.memory_space<vmem>>, vector<1024x8xf32>
    tpu.vector_store %arg5[%swap3A_21, %swap3A_22], %broadcast_in_dim3A_20 {strides = array<i32>} : memref<1024x8xf32, #tpu.memory_space<vmem>>, vector<1024x8xf32>,
    return
  }
  func.func @transform_0(%arg0: i32) -> (i32, i32) {
    %c0_i32 = arith.constant 0 : i32
    %c0_i32_0 = arith.constant 0 : i32
    return %arg0, %c0_i32 : i32, i32
  }
  func.func @transform_1(%arg0: i32) -> (i32, i32, i32) {
    %c0_i32 = arith.constant 0 : i32
    %c0_i32_0 = arith.constant 0 : i32
    %c0_i32_1 = arith.constant 0 : i32
    return %c0_i32, %arg0, %c0_i32_0 : i32, i32, i32
  }
  func.func @transform_2(%arg0: i32) -> (i32, i32, i32) {
    %c1_i32 = arith.constant 1 : i32
    %c0_i32 = arith.constant 0 : i32
    %c0_i32_0 = arith.constant 0 : i32
    return %c1_i32, %arg0, %c0_i32 : i32, i32, i32
  }
  func.func @transform_3(%arg0: i32) -> (i32, i32) {
    %c0_i32 = arith.constant 0 : i32
    %c0_i32_0 = arith.constant 0 : i32
    return %arg0, %c0_i32 : i32, i32
  }
  func.func @transform_4(%arg0: i32) -> (i32, i32) {
    %c0_i32 = arith.constant 0 : i32
    %c0_i32_0 = arith.constant 0 : i32
    return %arg0, %c0_i32 : i32, i32
  }
}

module attributes {stable_mosaic.version = 14 : i64} {
  func.func @_mid_body(%arg0: i32, %arg1: memref<1x1024x128xf32, #tpu.memory_space<vmem>>, %arg2: memref<1x1024x128xf32, #tpu.memory_space<vmem>>, %arg3: memref<1024x8xf32, #tpu.memory_space<vmem>>, %arg4: memref<1024x128xf32, #tpu.memory_space<vmem>>, %arg5: memref<1024x128xf32, #tpu.memory_space<vmem>>) attributes {dimension_semantics = [#tpu.dimension_semantics<arbitrary>], iteration_bounds = array<i64: 10>, scalar_prefetch = 0 : i64, scratch_operands = 0 : i64, tpu.core_type = #tpu.core_type<tc>, window_params = [{transform_indices = @transform_0, window_bounds = array<i64: 1, 1024, 128>}, {transform_indices = @transform_1, window_bounds = array<i64: 1, 1024, 128>}, {transform_indices = @transform_2, window_bounds = array<i64: 1024, 8>}, {transform_indices = @transform_3, window_bounds = array<i64: 1024, 128>}, {transform_indices = @transform_4, window_bounds = array<i64: 1024, 128>}]} {
    %get3A = arith.constant 0 : index
    %get3A_0 = arith.constant 0 : index
    %get3A_1 = vector.load %arg3[%get3A, %get3A_0] : memref<1024x8xf32, #tpu.memory_space<vmem>>, vector<1024x1xf32>
    %neg3A = arith.constant 0.000000e+00 : f32
    %neg3A_2 = vector.broadcast %neg3A : f32 to vector<1024x1xf32>
    %neg3A_3 = arith.subf %neg3A_2, %get3A_1 : vector<1024x1xf32>
    %get3A_4 = arith.constant 0 : index
    %get3A_5 = arith.constant 0 : index
    %get3A_6 = arith.constant 0 : index
    %get3A_7 = vector.load %arg1[%get3A_4, %get3A_5, %get3A_6] : memref<1x1024x128xf32, #tpu.memory_space<vmem>>, vector<1x1024x128xf32>
    %get3A_8 = vector.shape_cast %get3A_7 : vector<1x1024x128xf32> to vector<1024x128xf32>
    %get3A_9 = arith.constant 0 : index
    %get3A_10 = arith.constant 0 : index
    %get3A_11 = arith.constant 0 : index
    %get3A_12 = vector.load %arg2[%get3A_9, %get3A_10, %get3A_11] : memref<1x1024x128xf32, #tpu.memory_space<vmem>>, vector<1x1024x128xf32>
    %get3A_13 = vector.shape_cast %get3A_12 : vector<1x1024x128xf32> to vector<1024x128xf32>
    %add3A = arith.addf %get3A_8, %get3A_13 : vector<1024x128xf32>
    %mul3A = vector.broadcast %neg3A_3 : vector<1024x1xf32> to vector<1024x128xf32>
    %mul3A_14 = arith.mulf %mul3A, %add3A : vector<1024x128xf32>
    %swap3A = arith.constant 0 : index
    %swap3A_15 = arith.constant 0 : index
    %swap3A_16 = vector.load %arg4[%swap3A, %swap3A_15] : memref<1024x128xf32, #tpu.memory_space<vmem>>, vector<1024x128xf32>
    tpu.vector_store %arg4[%swap3A, %swap3A_15], %mul3A_14 {strides = array<i32>} : memref<1024x128xf32, #tpu.memory_space<vmem>>, vector<1024x128xf32>,
    %mul3A_17 = vector.broadcast %get3A_1 : vector<1024x1xf32> to vector<1024x128xf32>
    %mul3A_18 = arith.mulf %mul3A_14, %mul3A_17 : vector<1024x128xf32>
    %swap3A_19 = arith.constant 0 : index
    %swap3A_20 = arith.constant 0 : index
    %swap3A_21 = vector.load %arg5[%swap3A_19, %swap3A_20] : memref<1024x128xf32, #tpu.memory_space<vmem>>, vector<1024x128xf32>
    tpu.vector_store %arg5[%swap3A_19, %swap3A_20], %mul3A_18 {strides = array<i32>} : memref<1024x128xf32, #tpu.memory_space<vmem>>, vector<1024x128xf32>,
    return
  }
  func.func @transform_0(%arg0: i32) -> (i32, i32, i32) {
    %c0_i32 = arith.constant 0 : i32
    %c0_i32_0 = arith.constant 0 : i32
    %c0_i32_1 = arith.constant 0 : i32
    return %c0_i32, %arg0, %c0_i32_0 : i32, i32, i32
  }
  func.func @transform_1(%arg0: i32) -> (i32, i32, i32) {
    %c1_i32 = arith.constant 1 : i32
    %c0_i32 = arith.constant 0 : i32
    %c0_i32_0 = arith.constant 0 : i32
    return %c1_i32, %arg0, %c0_i32 : i32, i32, i32
  }
  func.func @transform_2(%arg0: i32) -> (i32, i32) {
    %c0_i32 = arith.constant 0 : i32
    %c0_i32_0 = arith.constant 0 : i32
    return %arg0, %c0_i32 : i32, i32
  }
  func.func @transform_3(%arg0: i32) -> (i32, i32) {
    %c0_i32 = arith.constant 0 : i32
    %c0_i32_0 = arith.constant 0 : i32
    return %arg0, %c0_i32 : i32, i32
  }
  func.func @transform_4(%arg0: i32) -> (i32, i32) {
    %c0_i32 = arith.constant 0 : i32
    %c0_i32_0 = arith.constant 0 : i32
    return %arg0, %c0_i32 : i32, i32
  }
}

module attributes {stable_mosaic.version = 14 : i64} {
  func.func @_head_body(%arg0: i32, %arg1: memref<1024x128xf32, #tpu.memory_space<vmem>>, %arg2: memref<1024x128xf32, #tpu.memory_space<vmem>>, %arg3: memref<1x1024x128xf32, #tpu.memory_space<vmem>>, %arg4: memref<1x1024x128xf32, #tpu.memory_space<vmem>>, %arg5: memref<1024x8xf32, #tpu.memory_space<vmem>>, %arg6: memref<1024x64xf32, #tpu.memory_space<vmem>>, %arg7: memref<64x128xf32, #tpu.memory_space<vmem>>, %arg8: memref<128x256xf32, #tpu.memory_space<vmem>>, %arg9: memref<128x256xf32, #tpu.memory_space<vmem>>, %arg10: memref<128x256xf32, #tpu.memory_space<vmem>>, %arg11: memref<1x256xf32, #tpu.memory_space<vmem>>, %arg12: memref<256x128xf32, #tpu.memory_space<vmem>>, %arg13: memref<1x128xf32, #tpu.memory_space<vmem>>, %arg14: memref<128x128xf32, #tpu.memory_space<vmem>>, %arg15: memref<1x128xf32, #tpu.memory_space<vmem>>, %arg16: memref<64x128xf32, #tpu.memory_space<vmem>>, %arg17: memref<128x2xf32, #tpu.memory_space<vmem>>, %arg18: memref<128x2xf32, #tpu.memory_space<vmem>>, %arg19: memref<1x2xf32, #tpu.memory_space<vmem>>, %arg20: memref<64x2xf32, #tpu.memory_space<vmem>>, %arg21: memref<64x128xf32, #tpu.memory_space<vmem>>) attributes {dimension_semantics = [#tpu.dimension_semantics<arbitrary>], iteration_bounds = array<i64: 10>, scalar_prefetch = 0 : i64, scratch_operands = 1 : i64, tpu.core_type = #tpu.core_type<tc>, window_params = [{transform_indices = @transform_0, window_bounds = array<i64: 1024, 128>}, {transform_indices = @transform_1, window_bounds = array<i64: 1024, 128>}, {transform_indices = @transform_2, window_bounds = array<i64: 1, 1024, 128>}, {transform_indices = @transform_3, window_bounds = array<i64: 1, 1024, 128>}, {transform_indices = @transform_4, window_bounds = array<i64: 1024, 8>}, {transform_indices = @transform_5, window_bounds = array<i64: 1024, 64>}, {pipeline_mode = #tpu.pipeline_mode<synchronous>, transform_indices = @transform_6, window_bounds = array<i64: 64, 128>}, {pipeline_mode = #tpu.pipeline_mode<synchronous>, transform_indices = @transform_7, window_bounds = array<i64: 128, 256>}, {pipeline_mode = #tpu.pipeline_mode<synchronous>, transform_indices = @transform_8, window_bounds = array<i64: 128, 256>}, {pipeline_mode = #tpu.pipeline_mode<synchronous>, transform_indices = @transform_9, window_bounds = array<i64: 128, 256>}, {pipeline_mode = #tpu.pipeline_mode<synchronous>, transform_indices = @transform_10, window_bounds = array<i64: 1, 256>}, {pipeline_mode = #tpu.pipeline_mode<synchronous>, transform_indices = @transform_11, window_bounds = array<i64: 256, 128>}, {pipeline_mode = #tpu.pipeline_mode<synchronous>, transform_indices = @transform_12, window_bounds = array<i64: 1, 128>}, {pipeline_mode = #tpu.pipeline_mode<synchronous>, transform_indices = @transform_13, window_bounds = array<i64: 128, 128>}, {pipeline_mode = #tpu.pipeline_mode<synchronous>, transform_indices = @transform_14, window_bounds = array<i64: 1, 128>}, {pipeline_mode = #tpu.pipeline_mode<synchronous>, transform_indices = @transform_15, window_bounds = array<i64: 64, 128>}, {pipeline_mode = #tpu.pipeline_mode<synchronous>, transform_indices = @transform_16, window_bounds = array<i64: 128, 2>}, {pipeline_mode = #tpu.pipeline_mode<synchronous>, transform_indices = @transform_17, window_bounds = array<i64: 128, 2>}, {pipeline_mode = #tpu.pipeline_mode<synchronous>, transform_indices = @transform_18, window_bounds = array<i64: 1, 2>}, {pipeline_mode = #tpu.pipeline_mode<synchronous>, transform_indices = @transform_19, window_bounds = array<i64: 64, 2>}]} {
    %get3A = arith.constant 0 : index
    %get3A_0 = arith.constant 0 : index
    %get3A_1 = vector.load %arg1[%get3A, %get3A_0] : memref<1024x128xf32, #tpu.memory_space<vmem>>, vector<1024x128xf32>
    %get3A_2 = arith.constant 0 : index
    %get3A_3 = arith.constant 0 : index
    %get3A_4 = vector.load %arg2[%get3A_2, %get3A_3] : memref<1024x128xf32, #tpu.memory_space<vmem>>, vector<1024x128xf32>
    %get3A_5 = arith.constant 0 : index
    %get3A_6 = arith.constant 0 : index
    %get3A_7 = vector.load %arg5[%get3A_5, %get3A_6] : memref<1024x8xf32, #tpu.memory_space<vmem>>, vector<1024x1xf32>
    %mul3A = arith.constant -2.000000e+00 : f32
    %mul3A_8 = vector.broadcast %mul3A : f32 to vector<1024x1xf32>
    %mul3A_9 = arith.mulf %mul3A_8, %get3A_7 : vector<1024x1xf32>
    %get3A_10 = arith.constant 0 : index
    %get3A_11 = arith.constant 0 : index
    %get3A_12 = arith.constant 0 : index
    %get3A_13 = vector.load %arg3[%get3A_10, %get3A_11, %get3A_12] : memref<1x1024x128xf32, #tpu.memory_space<vmem>>, vector<1x1024x128xf32>
    %get3A_14 = vector.shape_cast %get3A_13 : vector<1x1024x128xf32> to vector<1024x128xf32>
    %get3A_15 = arith.constant 0 : index
    %get3A_16 = arith.constant 0 : index
    %get3A_17 = arith.constant 0 : index
    %get3A_18 = vector.load %arg4[%get3A_15, %get3A_16, %get3A_17] : memref<1x1024x128xf32, #tpu.memory_space<vmem>>, vector<1x1024x128xf32>
    %get3A_19 = vector.shape_cast %get3A_18 : vector<1x1024x128xf32> to vector<1024x128xf32>
    %add3A = arith.addf %get3A_14, %get3A_19 : vector<1024x128xf32>
    %mul3A_20 = vector.broadcast %mul3A_9 : vector<1024x1xf32> to vector<1024x128xf32>
    %mul3A_21 = arith.mulf %mul3A_20, %add3A : vector<1024x128xf32>
    %sub3A = arith.subf %mul3A_21, %get3A_1 : vector<1024x128xf32>
    %get3A_22 = arith.constant 0 : index
    %get3A_23 = arith.constant 0 : index
    %get3A_24 = vector.load %arg8[%get3A_22, %get3A_23] : memref<128x256xf32, #tpu.memory_space<vmem>>, vector<128x256xf32>
    %dot_general3A = arith.constant dense<0.000000e+00> : vector<1024x256xf32>
    %dot_general3A_25 = tpu.matmul %get3A_1, %get3A_24, %dot_general3A {dimension_numbers = #tpu.dot_dimension_numbers<[1], [0], [0], [1], [0, 0, 1, 1], [], []>, transpose_lhs_hint = false} : vector<1024x128xf32>, vector<128x256xf32>, vector<1024x256xf32> -> vector<1024x256xf32>
    %get3A_26 = arith.constant 0 : index
    %get3A_27 = arith.constant 0 : index
    %get3A_28 = vector.load %arg9[%get3A_26, %get3A_27] : memref<128x256xf32, #tpu.memory_space<vmem>>, vector<128x256xf32>
    %dot_general3A_29 = arith.constant dense<0.000000e+00> : vector<1024x256xf32>
    %dot_general3A_30 = tpu.matmul %get3A_4, %get3A_28, %dot_general3A_29 {dimension_numbers = #tpu.dot_dimension_numbers<[1], [0], [0], [1], [0, 0, 1, 1], [], []>, transpose_lhs_hint = false} : vector<1024x128xf32>, vector<128x256xf32>, vector<1024x256xf32> -> vector<1024x256xf32>
    %add3A_31 = arith.addf %dot_general3A_25, %dot_general3A_30 : vector<1024x256xf32>
    %get3A_32 = arith.constant 0 : index
    %get3A_33 = arith.constant 0 : index
    %get3A_34 = vector.load %arg10[%get3A_32, %get3A_33] : memref<128x256xf32, #tpu.memory_space<vmem>>, vector<128x256xf32>
    %dot_general3A_35 = arith.constant dense<0.000000e+00> : vector<1024x256xf32>
    %dot_general3A_36 = tpu.matmul %sub3A, %get3A_34, %dot_general3A_35 {dimension_numbers = #tpu.dot_dimension_numbers<[1], [0], [0], [1], [0, 0, 1, 1], [], []>, transpose_lhs_hint = false} : vector<1024x128xf32>, vector<128x256xf32>, vector<1024x256xf32> -> vector<1024x256xf32>
    %add3A_37 = arith.addf %add3A_31, %dot_general3A_36 : vector<1024x256xf32>
    %get3A_38 = arith.constant 0 : index
    %get3A_39 = arith.constant 0 : index
    %get3A_40 = vector.load %arg11[%get3A_38, %get3A_39] : memref<1x256xf32, #tpu.memory_space<vmem>>, vector<1x256xf32>
    %add3A_41 = vector.broadcast %get3A_40 : vector<1x256xf32> to vector<1024x256xf32>
    %add3A_42 = arith.addf %add3A_37, %add3A_41 : vector<1024x256xf32>
    %get3A_43 = arith.constant 0 : index
    %get3A_44 = arith.constant 0 : index
    %get3A_45 = vector.load %arg12[%get3A_43, %get3A_44] : memref<256x128xf32, #tpu.memory_space<vmem>>, vector<256x128xf32>
    %dot_general3A_46 = arith.constant dense<0.000000e+00> : vector<1024x128xf32>
    %dot_general3A_47 = tpu.matmul %add3A_42, %get3A_45, %dot_general3A_46 {dimension_numbers = #tpu.dot_dimension_numbers<[1], [0], [0], [1], [0, 0, 1, 1], [], []>, transpose_lhs_hint = false} : vector<1024x256xf32>, vector<256x128xf32>, vector<1024x128xf32> -> vector<1024x128xf32>
    %get3A_48 = arith.constant 0 : index
    %get3A_49 = arith.constant 0 : index
    %get3A_50 = vector.load %arg13[%get3A_48, %get3A_49] : memref<1x128xf32, #tpu.memory_space<vmem>>, vector<1x128xf32>
    %add3A_51 = vector.broadcast %get3A_50 : vector<1x128xf32> to vector<1024x128xf32>
    %add3A_52 = arith.addf %dot_general3A_47, %add3A_51 : vector<1024x128xf32>
    %gt3A = arith.constant 0.000000e+00 : f32
    %gt3A_53 = vector.broadcast %gt3A : f32 to vector<1024x128xf32>
    %gt3A_54 = arith.cmpf ogt, %add3A_52, %gt3A_53 : vector<1024x128xf32>
    %mul3A_55 = arith.constant 0.00999999977 : f32
    %mul3A_56 = vector.broadcast %mul3A_55 : f32 to vector<1024x128xf32>
    %mul3A_57 = arith.mulf %mul3A_56, %add3A_52 : vector<1024x128xf32>
    %select_n3A = arith.select %gt3A_54, %add3A_52, %mul3A_57 : vector<1024x128xi1>, vector<1024x128xf32>
    %get3A_58 = arith.constant 0 : index
    %get3A_59 = arith.constant 0 : index
    %get3A_60 = vector.load %arg14[%get3A_58, %get3A_59] : memref<128x128xf32, #tpu.memory_space<vmem>>, vector<128x128xf32>
    %dot_general3A_61 = arith.constant dense<0.000000e+00> : vector<1024x128xf32>
    %dot_general3A_62 = tpu.matmul %select_n3A, %get3A_60, %dot_general3A_61 {dimension_numbers = #tpu.dot_dimension_numbers<[1], [0], [0], [1], [0, 0, 1, 1], [], []>, transpose_lhs_hint = false} : vector<1024x128xf32>, vector<128x128xf32>, vector<1024x128xf32> -> vector<1024x128xf32>
    %get3A_63 = arith.constant 0 : index
    %get3A_64 = arith.constant 0 : index
    %get3A_65 = vector.load %arg15[%get3A_63, %get3A_64] : memref<1x128xf32, #tpu.memory_space<vmem>>, vector<1x128xf32>
    %add3A_66 = vector.broadcast %get3A_65 : vector<1x128xf32> to vector<1024x128xf32>
    %add3A_67 = arith.addf %dot_general3A_62, %add3A_66 : vector<1024x128xf32>
    %gt3A_68 = arith.constant 0.000000e+00 : f32
    %gt3A_69 = vector.broadcast %gt3A_68 : f32 to vector<1024x128xf32>
    %gt3A_70 = arith.cmpf ogt, %add3A_67, %gt3A_69 : vector<1024x128xf32>
    %mul3A_71 = arith.constant 0.00999999977 : f32
    %mul3A_72 = vector.broadcast %mul3A_71 : f32 to vector<1024x128xf32>
    %mul3A_73 = arith.mulf %mul3A_72, %add3A_67 : vector<1024x128xf32>
    %select_n3A_74 = arith.select %gt3A_70, %add3A_67, %mul3A_73 : vector<1024x128xi1>, vector<1024x128xf32>
    %get3A_75 = arith.constant 0 : index
    %get3A_76 = arith.constant 0 : index
    %get3A_77 = vector.load %arg6[%get3A_75, %get3A_76] : memref<1024x64xf32, #tpu.memory_space<vmem>>, vector<1024x64xf32>
    %get3A_78 = arith.constant 0 : index
    %get3A_79 = arith.constant 0 : index
    %get3A_80 = vector.load %arg7[%get3A_78, %get3A_79] : memref<64x128xf32, #tpu.memory_space<vmem>>, vector<64x128xf32>
    %dot_general3A_81 = arith.constant dense<0.000000e+00> : vector<1024x128xf32>
    %dot_general3A_82 = tpu.matmul %get3A_77, %get3A_80, %dot_general3A_81 {dimension_numbers = #tpu.dot_dimension_numbers<[1], [0], [0], [1], [0, 0, 1, 1], [], []>, transpose_lhs_hint = false} : vector<1024x64xf32>, vector<64x128xf32>, vector<1024x128xf32> -> vector<1024x128xf32>
    %mul3A_83 = arith.mulf %select_n3A_74, %dot_general3A_82 : vector<1024x128xf32>
    %reduce_sum3A = arith.constant dense<0.000000e+00> : vector<1024xf32>
    %reduce_sum3A_84 = vector.multi_reduction <add>, %mul3A_83, %reduce_sum3A [1] : vector<1024x128xf32> to vector<1024xf32>
    %broadcast_in_dim3A = vector.shape_cast %reduce_sum3A_84 : vector<1024xf32> to vector<1024x1xf32>
    %mul3A_85 = vector.broadcast %broadcast_in_dim3A : vector<1024x1xf32> to vector<1024x128xf32>
    %mul3A_86 = arith.mulf %mul3A_85, %select_n3A_74 : vector<1024x128xf32>
    %dot_general3A_87 = arith.constant dense<0.000000e+00> : vector<64x128xf32>
    %dot_general3A_88 = tpu.matmul %get3A_77, %mul3A_86, %dot_general3A_87 {dimension_numbers = #tpu.dot_dimension_numbers<[0], [0], [1], [1], [0, 1, 1, 1], [], []>, transpose_lhs_hint = false} : vector<1024x64xf32>, vector<1024x128xf32>, vector<64x128xf32> -> vector<64x128xf32>
    %eq3A = arith.constant 0 : i32
    %eq3A_89 = arith.cmpi eq, %arg0, %eq3A : i32
    %convert_element_type3A = arith.extui %eq3A_89 : i1 to i32
    %cond3A = arith.constant 0 : i32
    %cond3A_90 = arith.cmpi ne, %convert_element_type3A, %cond3A : i32
    scf.if %cond3A_90 {
      %swap3A = arith.constant 0 : index
      %swap3A_101 = arith.constant 0 : index
      %swap3A_102 = vector.load %arg21[%swap3A, %swap3A_101] : memref<64x128xf32, #tpu.memory_space<vmem>>, vector<64x128xf32>
      tpu.vector_store %arg21[%swap3A, %swap3A_101], %dot_general3A_88 {strides = array<i32>} : memref<64x128xf32, #tpu.memory_space<vmem>>, vector<64x128xf32>,
    } else {
    }
    %gt3A_91 = arith.constant 0 : i32
    %gt3A_92 = arith.cmpi sgt, %arg0, %gt3A_91 : i32
    %convert_element_type3A_93 = arith.extui %gt3A_92 : i1 to i32
    %cond3A_94 = arith.constant 0 : i32
    %cond3A_95 = arith.cmpi ne, %convert_element_type3A_93, %cond3A_94 : i32
    scf.if %cond3A_95 {
      %get3A_101 = arith.constant 0 : index
      %get3A_102 = arith.constant 0 : index
      %get3A_103 = vector.load %arg21[%get3A_101, %get3A_102] : memref<64x128xf32, #tpu.memory_space<vmem>>, vector<64x128xf32>
      %add3A_104 = arith.addf %get3A_103, %dot_general3A_88 : vector<64x128xf32>
      %swap3A = arith.constant 0 : index
      %swap3A_105 = arith.constant 0 : index
      %swap3A_106 = vector.load %arg21[%swap3A, %swap3A_105] : memref<64x128xf32, #tpu.memory_space<vmem>>, vector<64x128xf32>
      tpu.vector_store %arg21[%swap3A, %swap3A_105], %add3A_104 {strides = array<i32>} : memref<64x128xf32, #tpu.memory_space<vmem>>, vector<64x128xf32>,
    } else {
    }
    %eq3A_96 = arith.constant 9 : i32
    %eq3A_97 = arith.cmpi eq, %arg0, %eq3A_96 : i32
    %convert_element_type3A_98 = arith.extui %eq3A_97 : i1 to i32
    %cond3A_99 = arith.constant 0 : i32
    %cond3A_100 = arith.cmpi ne, %convert_element_type3A_98, %cond3A_99 : i32
    scf.if %cond3A_100 {
      %get3A_101 = arith.constant 0 : index
      %get3A_102 = arith.constant 0 : index
      %get3A_103 = vector.load %arg21[%get3A_101, %get3A_102] : memref<64x128xf32, #tpu.memory_space<vmem>>, vector<64x128xf32>
      %get3A_104 = arith.constant 0 : index
      %get3A_105 = arith.constant 0 : index
      %get3A_106 = vector.load %arg17[%get3A_104, %get3A_105] : memref<128x2xf32, #tpu.memory_space<vmem>>, vector<128x2xf32>
      %dot_general3A_107 = arith.constant dense<0.000000e+00> : vector<64x2xf32>
      %dot_general3A_108 = tpu.matmul %get3A_103, %get3A_106, %dot_general3A_107 {dimension_numbers = #tpu.dot_dimension_numbers<[1], [0], [0], [1], [0, 0, 1, 1], [], []>, transpose_lhs_hint = false} : vector<64x128xf32>, vector<128x2xf32>, vector<64x2xf32> -> vector<64x2xf32>
      %get3A_109 = arith.constant 0 : index
      %get3A_110 = arith.constant 0 : index
      %get3A_111 = vector.load %arg16[%get3A_109, %get3A_110] : memref<64x128xf32, #tpu.memory_space<vmem>>, vector<64x128xf32>
      %get3A_112 = arith.constant 0 : index
      %get3A_113 = arith.constant 0 : index
      %get3A_114 = vector.load %arg18[%get3A_112, %get3A_113] : memref<128x2xf32, #tpu.memory_space<vmem>>, vector<128x2xf32>
      %dot_general3A_115 = arith.constant dense<0.000000e+00> : vector<64x2xf32>
      %dot_general3A_116 = tpu.matmul %get3A_111, %get3A_114, %dot_general3A_115 {dimension_numbers = #tpu.dot_dimension_numbers<[1], [0], [0], [1], [0, 0, 1, 1], [], []>, transpose_lhs_hint = false} : vector<64x128xf32>, vector<128x2xf32>, vector<64x2xf32> -> vector<64x2xf32>
      %add3A_117 = arith.addf %dot_general3A_108, %dot_general3A_116 : vector<64x2xf32>
      %get3A_118 = arith.constant 0 : index
      %get3A_119 = arith.constant 0 : index
      %get3A_120 = vector.load %arg19[%get3A_118, %get3A_119] : memref<1x2xf32, #tpu.memory_space<vmem>>, vector<1x2xf32>
      %add3A_121 = vector.broadcast %get3A_120 : vector<1x2xf32> to vector<64x2xf32>
      %add3A_122 = arith.addf %add3A_117, %add3A_121 : vector<64x2xf32>
      %swap3A = arith.constant 0 : index
      %swap3A_123 = arith.constant 0 : index
      %swap3A_124 = vector.load %arg20[%swap3A, %swap3A_123] : memref<64x2xf32, #tpu.memory_space<vmem>>, vector<64x2xf32>
      tpu.vector_store %arg20[%swap3A, %swap3A_123], %add3A_122 {strides = array<i32>} : memref<64x2xf32, #tpu.memory_space<vmem>>, vector<64x2xf32>,
    } else {
    }
    return
  }
  func.func @transform_0(%arg0: i32) -> (i32, i32) {
    %c0_i32 = arith.constant 0 : i32
    %c0_i32_0 = arith.constant 0 : i32
    return %arg0, %c0_i32 : i32, i32
  }
  func.func @transform_1(%arg0: i32) -> (i32, i32) {
    %c0_i32 = arith.constant 0 : i32
    %c0_i32_0 = arith.constant 0 : i32
    return %arg0, %c0_i32 : i32, i32
  }
  func.func @transform_2(%arg0: i32) -> (i32, i32, i32) {
    %c0_i32 = arith.constant 0 : i32
    %c0_i32_0 = arith.constant 0 : i32
    %c0_i32_1 = arith.constant 0 : i32
    return %c0_i32, %arg0, %c0_i32_0 : i32, i32, i32
  }
  func.func @transform_3(%arg0: i32) -> (i32, i32, i32) {
    %c1_i32 = arith.constant 1 : i32
    %c0_i32 = arith.constant 0 : i32
    %c0_i32_0 = arith.constant 0 : i32
    return %c1_i32, %arg0, %c0_i32 : i32, i32, i32
  }
  func.func @transform_4(%arg0: i32) -> (i32, i32) {
    %c0_i32 = arith.constant 0 : i32
    %c0_i32_0 = arith.constant 0 : i32
    return %arg0, %c0_i32 : i32, i32
  }
  func.func @transform_5(%arg0: i32) -> (i32, i32) {
    %c0_i32 = arith.constant 0 : i32
    %c0_i32_0 = arith.constant 0 : i32
    return %arg0, %c0_i32 : i32, i32
  }
  func.func @transform_6(%arg0: i32) -> (i32, i32) {
    %c0_i32 = arith.constant 0 : i32
    %c0_i32_0 = arith.constant 0 : i32
    %c0_i32_1 = arith.constant 0 : i32
    return %c0_i32, %c0_i32_0 : i32, i32
  }
  func.func @transform_7(%arg0: i32) -> (i32, i32) {
    %c0_i32 = arith.constant 0 : i32
    %c0_i32_0 = arith.constant 0 : i32
    %c0_i32_1 = arith.constant 0 : i32
    return %c0_i32, %c0_i32_0 : i32, i32
  }
  func.func @transform_8(%arg0: i32) -> (i32, i32) {
    %c0_i32 = arith.constant 0 : i32
    %c0_i32_0 = arith.constant 0 : i32
    %c0_i32_1 = arith.constant 0 : i32
    return %c0_i32, %c0_i32_0 : i32, i32
  }
  func.func @transform_9(%arg0: i32) -> (i32, i32) {
    %c0_i32 = arith.constant 0 : i32
    %c0_i32_0 = arith.constant 0 : i32
    %c0_i32_1 = arith.constant 0 : i32
    return %c0_i32, %c0_i32_0 : i32, i32
  }
  func.func @transform_10(%arg0: i32) -> (i32, i32) {
    %c0_i32 = arith.constant 0 : i32
    %c0_i32_0 = arith.constant 0 : i32
    %c0_i32_1 = arith.constant 0 : i32
    return %c0_i32, %c0_i32_0 : i32, i32
  }
  func.func @transform_11(%arg0: i32) -> (i32, i32) {
    %c0_i32 = arith.constant 0 : i32
    %c0_i32_0 = arith.constant 0 : i32
    %c0_i32_1 = arith.constant 0 : i32
    return %c0_i32, %c0_i32_0 : i32, i32
  }
  func.func @transform_12(%arg0: i32) -> (i32, i32) {
    %c0_i32 = arith.constant 0 : i32
    %c0_i32_0 = arith.constant 0 : i32
    %c0_i32_1 = arith.constant 0 : i32
    return %c0_i32, %c0_i32_0 : i32, i32
  }
  func.func @transform_13(%arg0: i32) -> (i32, i32) {
    %c0_i32 = arith.constant 0 : i32
    %c0_i32_0 = arith.constant 0 : i32
    %c0_i32_1 = arith.constant 0 : i32
    return %c0_i32, %c0_i32_0 : i32, i32
  }
  func.func @transform_14(%arg0: i32) -> (i32, i32) {
    %c0_i32 = arith.constant 0 : i32
    %c0_i32_0 = arith.constant 0 : i32
    %c0_i32_1 = arith.constant 0 : i32
    return %c0_i32, %c0_i32_0 : i32, i32
  }
  func.func @transform_15(%arg0: i32) -> (i32, i32) {
    %c0_i32 = arith.constant 0 : i32
    %c0_i32_0 = arith.constant 0 : i32
    %c0_i32_1 = arith.constant 0 : i32
    return %c0_i32, %c0_i32_0 : i32, i32
  }
  func.func @transform_16(%arg0: i32) -> (i32, i32) {
    %c0_i32 = arith.constant 0 : i32
    %c0_i32_0 = arith.constant 0 : i32
    %c0_i32_1 = arith.constant 0 : i32
    return %c0_i32, %c0_i32_0 : i32, i32
  }
  func.func @transform_17(%arg0: i32) -> (i32, i32) {
    %c0_i32 = arith.constant 0 : i32
    %c0_i32_0 = arith.constant 0 : i32
    %c0_i32_1 = arith.constant 0 : i32
    return %c0_i32, %c0_i32_0 : i32, i32
  }
  func.func @transform_18(%arg0: i32) -> (i32, i32) {
    %c0_i32 = arith.constant 0 : i32
    %c0_i32_0 = arith.constant 0 : i32
    %c0_i32_1 = arith.constant 0 : i32
    return %c0_i32, %c0_i32_0 : i32, i32
  }
  func.func @transform_19(%arg0: i32) -> (i32, i32) {
    %c0_i32 = arith.constant 0 : i32
    %c0_i32_0 = arith.constant 0 : i32
    %c0_i32_1 = arith.constant 0 : i32
    return %c0_i32, %c0_i32_0 : i32, i32
  }
}

</mosaic_0001>

<sc_bundles>
// kernel: kernel.12.cloned.1.call-start
scs
__scs_entry_jumppad:
0x0: {  	(pc) =	sbr.rel $0x88, $3  }
0x1: {  	(tag) =	ssettag $0x0;
	lr =	simm.s32 $0x1  }
0x2: {  	[smem:$0x3F89] =	sst lr;
	_ =	strace $0xD0000000  }
0x3: {  	_ = 	snop  }
0x4: {  	_ = 	snop  }
0x5: {  	_ = 	snop  }
0x6: {  	_ = 	snop  }
0x7: {  	_ = 	snop  }
__scs_overlays_trampoline_lowered:
0x8: {  	[smem:$0x3F98] =	sst s0  }
0x9: {  	[smem:$0x3F99] =	sst s1  }
0xa: {  	[smem:$0x3F9A] =	sst s2  }
0xb: {  	[smem:$0x3F9B] =	sst s3  }
0xc: {  	[smem:$0x3F9C] =	sst s4  }
0xd: {  	[smem:$0x3F9D] =	sst s5  }
0xe: {  	[smem:$0x3F9E] =	sst s6  }
0xf: {  	[smem:$0x3F9F] =	sst s7  }
0x10: {  	[smem:$0x3FA0] =	sst s8  }
0x11: {  	[smem:$0x3FA1] =	sst s9;
	s0 =	simm.s32 @!p0 $0x0  }
0x12: {  	s1 =	sld [smem:$0x3F87];
	s0 =	simm.s32 @p0 $0x1  }
0x13: {  	[smem:$0x3FA2] =	sst s0;
	s0 =	simm.s32 @!p1 $0x0  }
0x14: {  	s2 =	sld [smem:$0x3F86];
	s0 =	simm.s32 @p1 $0x1  }
0x15: {  	[smem:$0x3FA3] =	sst s0;
	s0 =	simm.s32 @!p2 $0x0  }
0x16: {  	s3 =	sld [smem:$0x3FDB];
	s0 =	simm.s32 @p2 $0x1  }
0x17: {  	s4 =	simm.s32 $0x1BF5;
	[smem:$0x3FA5] =	sst s0  }
0x18: {  	s0 =	sld [smem:$0x3F88];
	_ =	swait.ge [sflag:s4], $0x0  }
0x19: {  	s7 =	sld [smem:$0x3F89]  }
0x1a: {  	s8 =	sadd.s32 $0xFFFFE003, lr  }
0x1b: {  	s9 =	sadd.s32 $0xFFFFFEF7, lr;
	s5 =	simm.s32 $0xFFFFFFFF;
	p2 =	slt.u32 s8, $0xFFFFF086  }
0x1c: {  	p1 =	slt.u32 s9, $0xF7A;
	s5 =	simm.s32 @!p2 $0x0  }
0x1d: {  	s5 =	simm.s32 @p1 $0x1;
	p0 =	seq.s32 s7, s2  }
0x1e: {  	s7 =	smul.u32 @!p0 $0xF7A, s2;
	p2 =	seq.s32 @!p0 s5, $0x0  }
0x1f: {  	s9 =	smul.u32 $0xF7A, s1;
	s8 =	simm.s32 @!p0 $0x1BF5;
	p2 =	por !p2, p0  }
0x20: {  	[sflag:s8] =	ssyncset.s32 @!p0 $0xFFFFF086;
	s6 =	sadd.s32 @!p0 s3, s7;
	s7 =	simm.s32 @!p0 $0x108  }
0x21: {  	s3 =	sadd.s32 s3, s9;
	s6 =	sadd.s32 @!p0 $0x88, s6;
	s7 =	simm.s32 @p2 $0x1082  }
0x22: {  	[simem:s7], [sflag:s8] =	dma.local @!p0 [hbm:s6], $0xF7A  }
0x23: {  	s9 =	sor.u32 $0xD0000000, s2;
	s6 =	simm.s32 $0x108;
	_ =	swait.ge @!p0 [sflag:s8], $0x0  }
0x24: {  	s3 =	sadd.s32 $0x88, s3;
	s6 =	simm.s32 @!p1 $0x1082;
	[sflag:s4] =	ssyncset.s32 $0xFFFFF086  }
0x25: {  	[simem:s6], [sflag:s4] =	dma.local [hbm:s3], $0xF7A  }
0x26: {  	[smem:$0x3F89] =	sst s1;
	(tag) =	ssettag s2;
	_ =	strace s9  }
0x27: {  	s1 =	sld [smem:$0x3F99]  }
0x28: {  	s2 =	sld [smem:$0x3F9A]  }
0x29: {  	s4 =	sld [smem:$0x3F9C]  }
0x2a: {  	p0 =	seq.s32 s5, $0x0;
	s5 =	sld [smem:$0x3F9D]  }
0x2b: {  	s6 =	sld [smem:$0x3F9E]  }
0x2c: {  	s7 =	sld [smem:$0x3F9F]  }
0x2d: {  	s3 =	simm.s32 $0x108;
	s8 =	sld [smem:$0x3FA0]  }
0x2e: {  	s3 =	simm.s32 @!p0 $0x1082;
	s9 =	sld [smem:$0x3FA1]  }
0x2f: {  	lr =	sadd.s32 s0, s3;
	s0 =	sld [smem:$0x3F98]  }
0x30: {  	s3 =	sld [smem:$0x3F9B]  }
0x31: {  	[smem:$0x3FA4] =	sst s10  }
0x32: {  	s10 =	sld [smem:$0x3FA2];
	_ =	sdelay $0x3  }
0x33: {  	p0 =	seq.s32 s10, $0x1;
	s10 =	sld [smem:$0x3FA4];
	_ =	sdelay $0x3  }
0x34: {  	[smem:$0x3FA4] =	sst s10  }
0x35: {  	s10 =	sld [smem:$0x3FA3];
	_ =	sdelay $0x3  }
0x36: {  	p1 =	seq.s32 s10, $0x1;
	s10 =	sld [smem:$0x3FA4];
	_ =	sdelay $0x3  }
0x37: {  	[smem:$0x3FA4] =	sst s10  }
0x38: {  	s10 =	sld [smem:$0x3FA5]  }
0x39: {  	_ = 	snop;
	(pc) =	sbr.ind lr, $3  }
0x3a: {  	_ = 	snop  }
0x3b: {  	_ = 	snop  }
0x3c: {  	p2 =	seq.s32 s10, $0x1;
	s10 =	sld [smem:$0x3FA4]  }
0x3d: {  	_ =	shalt  }
0x3e: {  	_ =	shalt  }
0x3f: {  	_ =	shalt  }
0x40: {  	_ =	shalt  }
0x41: {  	_ =	shalt  }
0x42: {  	_ =	shalt  }
0x43: {  	_ =	shalt  }
0x44: {  	_ =	shalt  }
0x45: {  	_ =	shalt  }
0x46: {  	_ =	shalt  }
0x47: {  	_ =	shalt  }
0x48: {  	_ =	shalt  }
0x49: {  	_ =	shalt  }
0x4a: {  	_ =	shalt  }
0x4b: {  	_ =	shalt  }
0x4c: {  	_ =	shalt  }
0x4d: {  	_ =	shalt  }
0x4e: {  	_ =	shalt  }
0x4f: {  	_ =	shalt  }
0x50: {  	_ =	shalt  }
0x51: {  	_ =	shalt  }
0x52: {  	_ =	shalt  }
0x53: {  	_ =	shalt  }
0x54: {  	_ =	shalt  }
0x55: {  	_ =	shalt  }
0x56: {  	_ =	shalt  }
0x57: {  	_ =	shalt  }
0x58: {  	_ =	shalt  }
0x59: {  	_ =	shalt  }
0x5a: {  	_ =	shalt  }
0x5b: {  	_ =	shalt  }
0x5c: {  	_ =	shalt  }
0x5d: {  	_ =	shalt  }
0x5e: {  	_ =	shalt  }
0x5f: {  	_ =	shalt  }
0x60: {  	_ =	shalt  }
0x61: {  	_ =	shalt  }
0x62: {  	_ =	shalt  }
0x63: {  	_ =	shalt  }
0x64: {  	_ =	shalt  }
0x65: {  	_ =	shalt  }
0x66: {  	_ =	shalt  }
0x67: {  	_ =	shalt  }
0x68: {  	_ =	shalt  }
0x69: {  	_ =	shalt  }
0x6a: {  	_ =	shalt  }
0x6b: {  	_ =	shalt  }
0x6c: {  	_ =	shalt  }
0x6d: {  	_ =	shalt  }
0x6e: {  	_ =	shalt  }
0x6f: {  	_ =	shalt  }
0x70: {  	_ =	shalt  }
0x71: {  	_ =	shalt  }
0x72: {  	_ =	shalt  }
0x73: {  	_ =	shalt  }
0x74: {  	_ =	shalt  }
0x75: {  	_ =	shalt  }
0x76: {  	_ =	shalt  }
0x77: {  	_ =	shalt  }
0x78: {  	_ =	shalt  }
0x79: {  	_ =	shalt  }
0x7a: {  	_ =	shalt  }
0x7b: {  	_ =	shalt  }
0x7c: {  	_ =	shalt  }
0x7d: {  	_ =	shalt  }
0x7e: {  	_ =	shalt  }
0x7f: {  	_ =	shalt  }
0x80: {  	_ =	shalt  }
0x81: {  	_ =	shalt  }
0x82: {  	_ =	shalt  }
0x83: {  	_ =	shalt  }
0x84: {  	_ =	shalt  }
0x85: {  	_ =	shalt  }
0x86: {  	_ =	shalt  }
0x87: {  	_ =	shalt  }
.Lfunc_end0:
.L_simem_size_0:
called_computation.1_lowered:
.L_overlay_start_0:
0x88: {  	s2 =	sld [smem:$0x3FD9]  }
0x89: {  	s3 =	sld [smem:$0x3FFE];
	_ =	sdelay $0x1  }
0x8a: {  	s1 =	srdreg.scid  }
0x8b: {  	s0 =	sand.u32 $0x1, s1  }
0x8c: {  	s16 =	sshll.u32 s0, $0xA;
	s2 =	sadd.s32 s3, s2  }
0x8d: {  	s2 =	sadd.s32 s2, s16  }
0x8e: {  	[smem:$0x3FB0] =	sst s2  }
0x8f: {  	_ = 	snop  }
0x90: {  	(tm) =	ssettm $0x1  }
0x91: {  	s17 =	sld [smem:$0x3FFB];
	_ =	sdelay $0x3  }
0x92: {  	_ =	strace s17  }
0x93: {  	s2 =	sld [smem:$0x3FFC];
	_ =	sdelay $0x3  }
0x94: {  	_ =	strace s2  }
0x95: {  	s2 =	sld [smem:$0x3FFD];
	_ =	sdelay $0x3  }
0x96: {  	_ =	strace s2  }
0x97: {  	_ =	strace $0x8FFFFFFF  }
0x98: {  	s18 =	sld [smem:$0x3FDB];
	_ =	sdelay $0x1  }
0x99: {  	s19 =	simm.s32 $_scs_section_size  }
0x9a: {  	s4 =	simm.s32 $_size__tile_overlayer_lowered;
	s5 =	simm.s32 $_tile_overlayer_lowered  }
0x9b: {  	s22 =	simm.s32 $0x1BFF;
	s21 =	sshll.u32 s5, $0x1;
	s2 =	sadd.s32 s19, s18  }
0x9c: {  	s6 =	simm.s32 $0x0;
	s20 =	sshll.u32 s4, $0x1;
	s4 =	sadd.s32 s21, s2  }
0x9d: {  	[timem:s6], [sflag:s22] =	dma.local [hbm:s4], s20  }
0x9e: {  	_ =	swait.ge [sflag:s22], s20  }
0x9f: {  	s3 =	ssub.s32 $0x0, s20;
	[sflag:s22] =	ssyncset.done $0x0  }
0xa0: {  	[sflag:s22] =	ssyncadd.s32 s3;
	_ =	sdelay $0x1  }
0xa1: {  	s23 =	simm.s32 $0x1B8B  }
0xa2: {  	_ =	swait.ge [sflag:s23], $0x1  }
0xa3: {  	[sflag:s23] =	ssyncset.done $0x0  }
0xa4: {  	s25 =	simm.s32 $0x1B8E;
	s24 =	sld [smem:$0x3FFE];
	[sflag:s23] =	ssyncadd.s32 $0xFFFFFFFF  }
0xa5: {  	s26 =	simm.s32 $execute0_lowered;
	[smem:$0x3FD2] =	sst s25  }
0xa6: {  	s4 =	sshll.u32 s26, $0x1;
	_ =	strace $0x80000049;
	[dreg:$0x1] =	wrdreg $0xFFFFFFFF  }
0xa7: {  	s28 =	simm.s32 $_size_execute0_lowered;
	s2 =	sadd.s32 s2, s4;
	[dreg:$0x0] =	wrdreg $0x0  }
0xa8: {  	s4 =	sshll.u32 s28, $0x1;
	[dreg:$0x2] =	wrdreg s2  }
0xa9: {  	[dreg:$0x3] =	wrdreg s4  }
0xaa: {  	[dreg:$0x4] =	wrdreg $0xC0  }
0xab: {  	_ =	task [dreg:s6], $0x5FFFF  }
0xac: {  	[dreg:$0x1] =	wrdreg $0xFFFFFFFF  }
0xad: {  	[dreg:$0x0] =	wrdreg $0x60  }
0xae: {  	[dreg:$0x2] =	wrdreg s24  }
0xaf: {  	[dreg:$0x3] =	wrdreg $0xA8000  }
0xb0: {  	[dreg:$0x4] =	wrdreg $0x9  }
0xb1: {  	_ =	task.clear_ibuf [dreg:s6], $0x5FFFF;
	_ =	strace $0x90000049  }
0xb2: {  	s29 =	simm.s32 $0x9;
	_ =	strace $0x8000004B  }
0xb3: {  	_ =	swait.ge [sflag:s29], $0x1  }
0xb4: {  	[sflag:s29] =	ssyncadd.s32 $0xFFFFFFFF  }
0xb5: {  	_ =	strace $0x9000004B  }
0xb6: {  	_ =	sfence  }
0xb7: {  	s30 =	sld [smem:$0x0];
	_ =	sdelay $0x2  }
0xb8: {  	s31 =	sshll.u32 s1, $0xD;
	s1 =	sshrl.u32 s1, $0x2  }
0xb9: {  	s3 =	sand.u32 $0x4000, s31;
	s1 =	sadd.s32 s1, s30  }
0xba: {  	s0 =	sor.u32 s3, s0;
	s1 =	sshll.u32 s1, $0x11  }
0xbb: {  	s0 =	sor.u32 s1, s0  }
0xbc: {  	s0 =	sadd.s32 $0x8F2B, s0  }
0xbd: {  	[sflag:s0] =	ssyncadd.remote.s32 $0x1  }
0xbe: {  	_ =	sfence.sel $0xFFFF  }
0xbf: {  	[dreg:$0x0] =	wrdreg $0xFFFFFFFF;
	(pc) =	sbr.abs _section_cstart, $3  }
0xc0: {  	[dreg:$0x1] =	wrdreg $0xFFFFFFFF  }
0xc1: {  	_ =	task.clear_ibuf [dreg:s6], $0x2FFFF;
	_ =	strace $0x9FFFFFFF  }
0xc2: {  	(tm) =	ssettm $0x7FFFFFFF  }
0xc3: {  	_ =	shalt  }
tec
execute0_lowered:
.L_overlay_start_1:
0x0: {  	(tag) =	ssettag $0x1  }
0x1: {  	s0 =	rddreg [dreg:$0x0]  }
0x2: {  	s1 =	rddreg [dreg:$0x1];
	s3 =	simm.s32 $0x0;
	s2 =	srdreg.scid  }
0x3: {  	s12 =	stileid.u32;
	s28 =	simm.s32 $0x80;
	s29 =	simm.s32 $0x6800  }
0x4: {  	s30 =	simm.s32 $0x1;
	s31 =	simm.s32 $0x1380;
	[smem:$0x7FF] =	sst s3  }
0x5: {  	s4 =	sadd.s32 $0x18C00, s0;
	s2 =	sand.u32 $0x1, s2;
	s5 =	sshll.u32 s12, $0x1  }
0x6: {  	s6 =	sadd.s32 $0xEC00, s0;
	s7 =	smul.u32 $0x50000, s12;
	s8 =	sadd.s32 $0x4C00, s0  }
0x7: {  	s0 =	sadd.s32 $0x40C00, s0;
	s5 =	sor.u32 s2, s5;
	s9 =	ssub.s32 $0x2, s2  }
0x8: {  	_ =	strace $0x8000004A;
	s10 =	smul.u32 $0x2800, s5;
	s23 =	sshrl.u32 s9, $0x1  }
0x9: {  	s2 =	smul.u32 $0x140000, s2;
	s7 =	sshrl.u32 s7, $0x2;
	s11 =	ssub.s32 s9, s23  }
0xa: {  	s5 =	sadd.s32 s7, s1;
	s24 =	sshrl.u32 s10, $0x3;
	s19 =	smax.u32 s11, $0x1  }
0xb: {  	s10 =	smul.u32 $0x14000, s12;
	s20 =	sadd.s32 $0x4000, s5;
	[dreg:$0x7] =	wrdreg s19  }
0xc: {  	s12 =	sadd.s32 $0x8000, s5;
	s25 =	sadd.s32 s6, s24;
	[dreg:$0x8] =	wrdreg s20  }
0xd: {  	s13 =	sadd.s32 $0xC000, s5;
	s7 =	sadd.s32 s8, s24;
	[dreg:$0x3] =	wrdreg s25  }
0xe: {  	s14 =	sadd.s32 $0x10000, s5;
	s26 =	sadd.s32 $0x280, s24;
	[dreg:$0x4] =	wrdreg s7  }
0xf: {  	s6 =	sadd.s32 s6, s26;
	s18 =	sadd.s32 s8, s26;
	s21 =	sadd.s32 s2, s10  }
0x10: {  	s22 =	sadd.s32 $0x4000, s10;
	s24 =	sadd.s32 $0x8000, s10;
	[dreg:$0x5] =	wrdreg s6  }
0x11: {  	s25 =	sadd.s32 $0xC000, s10;
	[dreg:$0x6] =	wrdreg s18;
	s7 =	sshrl.u32 s21, $0x3  }
0x12: {  	s16 =	sadd.s32 s2, s22;
	s18 =	sadd.s32 s24, s1;
	s20 =	sadd.s32 s2, s25  }
0x13: {  	s6 =	sadd.s32 $0x10000, s10;
	s15 =	sadd.s32 s0, s7;
	s23 =	sshrl.u32 s16, $0x3  }
0x14: {  	s16 =	sadd.s32 s22, s1;
	s7 =	sadd.s32 s2, s24;
	s26 =	sshrl.u32 s20, $0x3  }
0x15: {  	s2 =	sadd.s32 s2, s6;
	s20 =	sadd.s32 s25, s1;
	s22 =	sadd.s32 s6, s1  }
0x16: {  	s24 =	simm.s32 $0x2800;
	s25 =	simm.s32 $0x2;
	s6 =	simm.s32 $0x0  }
0x17: {  	s17 =	sadd.s32 s0, s23;
	s7 =	sshrl.u32 s7, $0x3;
	s21 =	sadd.s32 s0, s26  }
0x18: {  	s2 =	sshrl.u32 s2, $0x3;
	s26 =	simm.s32 $0x1400;
	s19 =	sadd.s32 s0, s7  }
0x19: {  	v0 =	vimm.f32 $0.0e+00;
	s23 =	sadd.s32 s0, s2;
	s0 =	simm.s32 $0x2700;
	s2 =	simm.s32 $0x2780  }
.LBB2_1:
0x1a: {  	s7 =	simm.s32 $0x0;
	s8 =	simm.s32 $0x200  }
.LBB2_2:
0x1b: {  	p0 =	sne.s32 s8, $0xFE00;
	[tilespmem:s7+$0x2870] =	vst v0  }
0x1c: {  	[tilespmem:s7+$0x2800] =	vst v0  }
0x1d: {  	[tilespmem:s7+$0x2810] =	vst v0  }
.Ltmp0:
0x1e: {  	[tilespmem:s7+$0x2820] =	vst v0;
	(pc) =	sbr.rel @p0 .LBB2_2-.Ltmp0, $4  }
0x1f: {  	[tilespmem:s7+$0x2830] =	vst v0  }
0x20: {  	[tilespmem:s7+$0x2840] =	vst v0  }
0x21: {  	[tilespmem:s7+$0x2850] =	vst v0  }
0x22: {  	[tilespmem:s7+$0x2860] =	vst v0;
	s7 =	sshra.s32 s8, $0x2;
	s8 =	sadd.s32 $0x200, s8  }
0x23: {  	[tilespmem:s7+$0x2870] =	vst v0  }
0x24: {  	[tilespmem:s7+$0x2800] =	vst v0  }
0x25: {  	[tilespmem:s7+$0x2810] =	vst v0  }
0x26: {  	[tilespmem:s7+$0x2820] =	vst v0  }
0x27: {  	[tilespmem:s7+$0x2830] =	vst v0  }
0x28: {  	[tilespmem:s7+$0x2840] =	vst v0  }
0x29: {  	[tilespmem:s7+$0x2850] =	vst v0  }
0x2a: {  	[tilespmem:s7+$0x2860] =	vst v0  }
0x2b: {  	[spmem:s5] =	stream.linear.scatter [tilespmem:s24], [sflag:$0x2], $0x4000, $0x38;
	[tilespmem:$0x1E800] =	vst v63  }
0x2c: {  	_ =	swait.ge [sflag:s25], $0x4000  }
0x2d: {  	[sflag:s25] =	ssyncset.done $0x0  }
0x2e: {  	s9 =	rddreg [dreg:$0x8];
	[sflag:s25] =	ssyncadd.s32 $0xFFFFC000  }
0x2f: {  	[spmem:s9] =	stream.linear.scatter [tilespmem:s24], [sflag:$0x2], $0x4000, $0x38;
	[tilespmem:$0x1E800] =	vst v63  }
0x30: {  	_ =	swait.ge [sflag:s25], $0x4000  }
0x31: {  	[sflag:s25] =	ssyncset.done $0x0  }
0x32: {  	[sflag:s25] =	ssyncadd.s32 $0xFFFFC000  }
0x33: {  	[spmem:s12] =	stream.linear.scatter [tilespmem:s24], [sflag:$0x2], $0x4000, $0x38;
	[tilespmem:$0x1E800] =	vst v63  }
0x34: {  	_ =	swait.ge [sflag:s25], $0x4000  }
0x35: {  	[sflag:s25] =	ssyncset.done $0x0  }
0x36: {  	[sflag:s25] =	ssyncadd.s32 $0xFFFFC000  }
0x37: {  	[spmem:s13] =	stream.linear.scatter [tilespmem:s24], [sflag:$0x2], $0x4000, $0x38;
	[tilespmem:$0x1E800] =	vst v63  }
0x38: {  	_ =	swait.ge [sflag:s25], $0x4000  }
0x39: {  	[sflag:s25] =	ssyncset.done $0x0  }
0x3a: {  	[sflag:s25] =	ssyncadd.s32 $0xFFFFC000  }
0x3b: {  	[spmem:s14] =	stream.linear.scatter [tilespmem:s24], [sflag:$0x2], $0x4000, $0x38;
	[tilespmem:$0x1E800] =	vst v63  }
0x3c: {  	_ =	swait.ge [sflag:s25], $0x4000  }
0x3d: {  	[sflag:s25] =	ssyncset.done $0x0  }
0x3e: {  	[sflag:s25] =	ssyncadd.s32 $0xFFFFC000  }
0x3f: {  	[bflag:$0x0] =	sbarrier.arrive $0xFFFF  }
0x40: {  	s10 =	simm.s32 $0x0;
	s8 =	rddreg [dreg:$0x3]  }
0x41: {  	[tilespmem:s10], [sflag:$0x2] =	stream.linear.gather [hbm4b:s8+s10], $0x1400, $0x38;
	[tilespmem:$0x1E800] =	vst v63  }
0x42: {  	_ =	swait.ge [sflag:s25], $0x1400  }
0x43: {  	[sflag:s25] =	ssyncset.done $0x0  }
0x44: {  	s11 =	rddreg [dreg:$0x4];
	[sflag:s25] =	ssyncadd.s32 $0xFFFFEC00  }
0x45: {  	[tilespmem:s26], [sflag:$0x2] =	stream.linear.gather [hbm4b:s11+s10], $0x1400, $0x38;
	[tilespmem:$0x1E800] =	vst v63  }
0x46: {  	_ =	swait.ge [sflag:s25], $0x1400  }
0x47: {  	[sflag:s25] =	ssyncset.done $0x0  }
0x48: {  	[sflag:s25] =	ssyncadd.s32 $0xFFFFEC00  }
0x49: {  	[tilespmem:s24], [sflag:$0x1] =	stream.indirect.gather [hbm4b:s4+s28], $0x80, s10, s28, $0xb8;
	[tilespmem:$0x1E800] =	vst v63  }
0x4a: {  	s8 =	simm.s32 $0x80  }
0x4b: {  	[tilespmem:s29], [sflag:$0x1] =	stream.indirect.gather [hbm4b:s4+s28], $0x80, s8, s28, $0xb8;
	[tilespmem:$0x1E800] =	vst v63  }
0x4c: {  	_ =	swait.ge [sflag:s30], $0x4000  }
0x4d: {  	[sflag:s30] =	ssyncset.done $0x0  }
0x4e: {  	s9 =	simm.s32 $0x1400;
	[sflag:s30] =	ssyncadd.s32 $0xFFFFC000  }
0x4f: {  	[spmem:s1] =	stream.indirect.scatter.add.f32 [tilespmem:s24], [sflag:$0x2], $0x80, s9, s28, $0xb8;
	[tilespmem:$0x1E800] =	vst v63  }
0x50: {  	_ =	swait.ge [sflag:s25], $0x4000  }
0x51: {  	[sflag:s25] =	ssyncset.done $0x0  }
0x52: {  	s10 =	simm.s32 $0x100;
	[sflag:s25] =	ssyncadd.s32 $0xFFFFC000  }
0x53: {  	[tilespmem:s24], [sflag:$0x1] =	stream.indirect.gather [hbm4b:s4+s28], $0x80, s10, s28, $0xb8;
	[tilespmem:$0x1E800] =	vst v63  }
0x54: {  	_ =	swait.ge [sflag:s30], $0x4000  }
0x55: {  	[sflag:s30] =	ssyncset.done $0x0  }
0x56: {  	s11 =	simm.s32 $0x1480;
	[sflag:s30] =	ssyncadd.s32 $0xFFFFC000  }
0x57: {  	[spmem:s1] =	stream.indirect.scatter.add.f32 [tilespmem:s29], [sflag:$0x2], $0x80, s11, s28, $0xb8;
	[tilespmem:$0x1E800] =	vst v63  }
0x58: {  	_ =	swait.ge [sflag:s25], $0x4000  }
0x59: {  	s7 =	simm.s32 $0x100;
	s8 =	simm.s32 $0x800;
	[sflag:s25] =	ssyncset.done $0x0  }
.LBB2_4:
0x5a: {  	s9 =	sadd.s32 $0x80, s7  }
0x5b: {  	[sflag:s25] =	ssyncadd.s32 $0xFFFFC000;
	s10 =	smov.u32 s8;
	s11 =	sadd.s32 $0x400, s8  }
0x5c: {  	[tilespmem:s29], [sflag:$0x1] =	stream.indirect.gather [hbm4b:s4+s28], $0x80, s9, s28, $0xb8;
	[tilespmem:$0x1E800] =	vst v63  }
0x5d: {  	p0 =	sne.s32 s8, $0x4800;
	_ =	swait.ge [sflag:s30], $0x4000  }
0x5e: {  	[sflag:s30] =	ssyncset.done $0x0  }
0x5f: {  	s8 =	sadd.s32 $0x1400, s7;
	[sflag:s30] =	ssyncadd.s32 $0xFFFFC000  }
0x60: {  	[spmem:s1] =	stream.indirect.scatter.add.f32 [tilespmem:s24], [sflag:$0x2], $0x80, s8, s28, $0xb8;
	[tilespmem:$0x1E800] =	vst v63  }
0x61: {  	_ =	swait.ge [sflag:s25], $0x4000  }
0x62: {  	[sflag:s25] =	ssyncset.done $0x0  }
0x63: {  	s8 =	sadd.s32 $0x100, s7;
	[sflag:s25] =	ssyncadd.s32 $0xFFFFC000  }
0x64: {  	[tilespmem:s24], [sflag:$0x1] =	stream.indirect.gather [hbm4b:s4+s28], $0x80, s8, s28, $0xb8;
	[tilespmem:$0x1E800] =	vst v63  }
0x65: {  	_ =	swait.ge [sflag:s30], $0x4000  }
.Ltmp1:
0x66: {  	[sflag:s30] =	ssyncset.done $0x0;
	(pc) =	sbr.rel @p0 .LBB2_4-.Ltmp1, $4  }
0x67: {  	s7 =	sadd.s32 $0x1480, s7;
	[sflag:s30] =	ssyncadd.s32 $0xFFFFC000  }
0x68: {  	[spmem:s1] =	stream.indirect.scatter.add.f32 [tilespmem:s29], [sflag:$0x2], $0x80, s7, s28, $0xb8;
	[tilespmem:$0x1E800] =	vst v63  }
0x69: {  	_ =	swait.ge [sflag:s25], $0x4000  }
0x6a: {  	s8 =	smov.u32 s11;
	s7 =	sshra.s32 s10, $0x2;
	[sflag:s25] =	ssyncset.done $0x0  }
0x6b: {  	s8 =	sadd.s32 $0x80, s7;
	[sflag:s25] =	ssyncadd.s32 $0xFFFFC000  }
0x6c: {  	[tilespmem:s29], [sflag:$0x1] =	stream.indirect.gather [hbm4b:s4+s28], $0x80, s8, s28, $0xb8;
	[tilespmem:$0x1E800] =	vst v63  }
0x6d: {  	_ =	swait.ge [sflag:s30], $0x4000  }
0x6e: {  	[sflag:s30] =	ssyncset.done $0x0  }
0x6f: {  	s10 =	sadd.s32 $0x1400, s7;
	[sflag:s30] =	ssyncadd.s32 $0xFFFFC000  }
0x70: {  	[spmem:s1] =	stream.indirect.scatter.add.f32 [tilespmem:s24], [sflag:$0x2], $0x80, s10, s28, $0xb8;
	[tilespmem:$0x1E800] =	vst v63  }
0x71: {  	_ =	swait.ge [sflag:s25], $0x4000  }
0x72: {  	[sflag:s25] =	ssyncset.done $0x0  }
0x73: {  	s11 =	sadd.s32 $0x100, s7;
	[sflag:s25] =	ssyncadd.s32 $0xFFFFC000  }
0x74: {  	[tilespmem:s24], [sflag:$0x1] =	stream.indirect.gather [hbm4b:s4+s28], $0x80, s11, s28, $0xb8;
	[tilespmem:$0x1E800] =	vst v63  }
0x75: {  	_ =	swait.ge [sflag:s30], $0x4000  }
0x76: {  	[sflag:s30] =	ssyncset.done $0x0  }
0x77: {  	s8 =	sadd.s32 $0x1480, s7;
	[sflag:s30] =	ssyncadd.s32 $0xFFFFC000  }
0x78: {  	[spmem:s1] =	stream.indirect.scatter.add.f32 [tilespmem:s29], [sflag:$0x2], $0x80, s8, s28, $0xb8;
	[tilespmem:$0x1E800] =	vst v63  }
0x79: {  	_ =	swait.ge [sflag:s25], $0x4000  }
0x7a: {  	[sflag:s25] =	ssyncset.done $0x0  }
0x7b: {  	[sflag:s25] =	ssyncadd.s32 $0xFFFFC000  }
0x7c: {  	[tilespmem:s29], [sflag:$0x1] =	stream.indirect.gather [hbm4b:s4+s28], $0x80, s31, s28, $0xb8;
	[tilespmem:$0x1E800] =	vst v63  }
0x7d: {  	_ =	swait.ge [sflag:s30], $0x4000  }
0x7e: {  	[sflag:s30] =	ssyncset.done $0x0  }
0x7f: {  	[sflag:s30] =	ssyncadd.s32 $0xFFFFC000  }
0x80: {  	[spmem:s1] =	stream.indirect.scatter.add.f32 [tilespmem:s24], [sflag:$0x2], $0x80, s0, s28, $0xb8;
	[tilespmem:$0x1E800] =	vst v63  }
0x81: {  	_ =	swait.ge [sflag:s25], $0x4000  }
0x82: {  	[sflag:s25] =	ssyncset.done $0x0  }
0x83: {  	[sflag:s25] =	ssyncadd.s32 $0xFFFFC000  }
0x84: {  	_ =	swait.ge [sflag:s30], $0x4000  }
0x85: {  	[sflag:s30] =	ssyncset.done $0x0  }
0x86: {  	[sflag:s30] =	ssyncadd.s32 $0xFFFFC000  }
0x87: {  	[spmem:s1] =	stream.indirect.scatter.add.f32 [tilespmem:s29], [sflag:$0x2], $0x80, s2, s28, $0xb8;
	[tilespmem:$0x1E800] =	vst v63  }
0x88: {  	_ =	swait.ge [sflag:s25], $0x4000  }
0x89: {  	[sflag:s25] =	ssyncset.done $0x0  }
0x8a: {  	s9 =	simm.s32 $0x0;
	s10 =	rddreg [dreg:$0x5];
	[sflag:s25] =	ssyncadd.s32 $0xFFFFC000  }
0x8b: {  	[tilespmem:s9], [sflag:$0x2] =	stream.linear.gather [hbm4b:s10+s9], $0x1400, $0x38;
	[tilespmem:$0x1E800] =	vst v63  }
0x8c: {  	_ =	swait.ge [sflag:s25], $0x1400  }
0x8d: {  	[sflag:s25] =	ssyncset.done $0x0  }
0x8e: {  	s11 =	rddreg [dreg:$0x6];
	[sflag:s25] =	ssyncadd.s32 $0xFFFFEC00  }
0x8f: {  	[tilespmem:s26], [sflag:$0x2] =	stream.linear.gather [hbm4b:s11+s9], $0x1400, $0x38;
	[tilespmem:$0x1E800] =	vst v63  }
0x90: {  	_ =	swait.ge [sflag:s25], $0x1400  }
0x91: {  	[sflag:s25] =	ssyncset.done $0x0  }
0x92: {  	[sflag:s25] =	ssyncadd.s32 $0xFFFFEC00  }
0x93: {  	[tilespmem:s24], [sflag:$0x1] =	stream.indirect.gather [hbm4b:s4+s28], $0x80, s9, s28, $0xb8;
	[tilespmem:$0x1E800] =	vst v63  }
0x94: {  	s8 =	simm.s32 $0x80  }
0x95: {  	[tilespmem:s29], [sflag:$0x1] =	stream.indirect.gather [hbm4b:s4+s28], $0x80, s8, s28, $0xb8;
	[tilespmem:$0x1E800] =	vst v63  }
0x96: {  	_ =	swait.ge [sflag:s30], $0x4000  }
0x97: {  	[sflag:s30] =	ssyncset.done $0x0  }
0x98: {  	s9 =	simm.s32 $0x1400;
	[sflag:s30] =	ssyncadd.s32 $0xFFFFC000  }
0x99: {  	[spmem:s1] =	stream.indirect.scatter.add.f32 [tilespmem:s24], [sflag:$0x2], $0x80, s9, s28, $0xb8;
	[tilespmem:$0x1E800] =	vst v63  }
0x9a: {  	_ =	swait.ge [sflag:s25], $0x4000  }
0x9b: {  	[sflag:s25] =	ssyncset.done $0x0  }
0x9c: {  	s10 =	simm.s32 $0x100;
	[sflag:s25] =	ssyncadd.s32 $0xFFFFC000  }
0x9d: {  	[tilespmem:s24], [sflag:$0x1] =	stream.indirect.gather [hbm4b:s4+s28], $0x80, s10, s28, $0xb8;
	[tilespmem:$0x1E800] =	vst v63  }
0x9e: {  	_ =	swait.ge [sflag:s30], $0x4000  }
0x9f: {  	[sflag:s30] =	ssyncset.done $0x0  }
0xa0: {  	s11 =	simm.s32 $0x1480;
	[sflag:s30] =	ssyncadd.s32 $0xFFFFC000  }
0xa1: {  	[spmem:s1] =	stream.indirect.scatter.add.f32 [tilespmem:s29], [sflag:$0x2], $0x80, s11, s28, $0xb8;
	[tilespmem:$0x1E800] =	vst v63  }
0xa2: {  	_ =	swait.ge [sflag:s25], $0x4000  }
0xa3: {  	s7 =	simm.s32 $0x100;
	s8 =	simm.s32 $0x800;
	[sflag:s25] =	ssyncset.done $0x0  }
.LBB2_6:
0xa4: {  	s9 =	sadd.s32 $0x80, s7  }
0xa5: {  	[sflag:s25] =	ssyncadd.s32 $0xFFFFC000;
	s10 =	smov.u32 s8;
	s11 =	sadd.s32 $0x400, s8  }
0xa6: {  	[tilespmem:s29], [sflag:$0x1] =	stream.indirect.gather [hbm4b:s4+s28], $0x80, s9, s28, $0xb8;
	[tilespmem:$0x1E800] =	vst v63  }
0xa7: {  	p0 =	sne.s32 s8, $0x4800;
	_ =	swait.ge [sflag:s30], $0x4000  }
0xa8: {  	[sflag:s30] =	ssyncset.done $0x0  }
0xa9: {  	s8 =	sadd.s32 $0x1400, s7;
	[sflag:s30] =	ssyncadd.s32 $0xFFFFC000  }
0xaa: {  	[spmem:s1] =	stream.indirect.scatter.add.f32 [tilespmem:s24], [sflag:$0x2], $0x80, s8, s28, $0xb8;
	[tilespmem:$0x1E800] =	vst v63  }
0xab: {  	_ =	swait.ge [sflag:s25], $0x4000  }
0xac: {  	[sflag:s25] =	ssyncset.done $0x0  }
0xad: {  	s8 =	sadd.s32 $0x100, s7;
	[sflag:s25] =	ssyncadd.s32 $0xFFFFC000  }
0xae: {  	[tilespmem:s24], [sflag:$0x1] =	stream.indirect.gather [hbm4b:s4+s28], $0x80, s8, s28, $0xb8;
	[tilespmem:$0x1E800] =	vst v63  }
0xaf: {  	_ =	swait.ge [sflag:s30], $0x4000  }
.Ltmp2:
0xb0: {  	[sflag:s30] =	ssyncset.done $0x0;
	(pc) =	sbr.rel @p0 .LBB2_6-.Ltmp2, $4  }
0xb1: {  	s7 =	sadd.s32 $0x1480, s7;
	[sflag:s30] =	ssyncadd.s32 $0xFFFFC000  }
0xb2: {  	[spmem:s1] =	stream.indirect.scatter.add.f32 [tilespmem:s29], [sflag:$0x2], $0x80, s7, s28, $0xb8;
	[tilespmem:$0x1E800] =	vst v63  }
0xb3: {  	_ =	swait.ge [sflag:s25], $0x4000  }
0xb4: {  	s8 =	smov.u32 s11;
	s7 =	sshra.s32 s10, $0x2;
	[sflag:s25] =	ssyncset.done $0x0  }
0xb5: {  	s8 =	sadd.s32 $0x80, s7;
	[sflag:s25] =	ssyncadd.s32 $0xFFFFC000  }
0xb6: {  	[tilespmem:s29], [sflag:$0x1] =	stream.indirect.gather [hbm4b:s4+s28], $0x80, s8, s28, $0xb8;
	[tilespmem:$0x1E800] =	vst v63  }
0xb7: {  	_ =	swait.ge [sflag:s30], $0x4000  }
0xb8: {  	[sflag:s30] =	ssyncset.done $0x0  }
0xb9: {  	s11 =	sadd.s32 $0x1400, s7;
	[sflag:s30] =	ssyncadd.s32 $0xFFFFC000  }
0xba: {  	[spmem:s1] =	stream.indirect.scatter.add.f32 [tilespmem:s24], [sflag:$0x2], $0x80, s11, s28, $0xb8;
	[tilespmem:$0x1E800] =	vst v63  }
0xbb: {  	_ =	swait.ge [sflag:s25], $0x4000  }
0xbc: {  	[sflag:s25] =	ssyncset.done $0x0  }
0xbd: {  	s9 =	sadd.s32 $0x100, s7;
	[sflag:s25] =	ssyncadd.s32 $0xFFFFC000  }
0xbe: {  	[tilespmem:s24], [sflag:$0x1] =	stream.indirect.gather [hbm4b:s4+s28], $0x80, s9, s28, $0xb8;
	[tilespmem:$0x1E800] =	vst v63  }
0xbf: {  	_ =	swait.ge [sflag:s30], $0x4000  }
0xc0: {  	[sflag:s30] =	ssyncset.done $0x0  }
0xc1: {  	s10 =	sadd.s32 $0x1480, s7;
	[sflag:s30] =	ssyncadd.s32 $0xFFFFC000  }
0xc2: {  	[spmem:s1] =	stream.indirect.scatter.add.f32 [tilespmem:s29], [sflag:$0x2], $0x80, s10, s28, $0xb8;
	[tilespmem:$0x1E800] =	vst v63  }
0xc3: {  	_ =	swait.ge [sflag:s25], $0x4000  }
0xc4: {  	[sflag:s25] =	ssyncset.done $0x0  }
0xc5: {  	[sflag:s25] =	ssyncadd.s32 $0xFFFFC000  }
0xc6: {  	[tilespmem:s29], [sflag:$0x1] =	stream.indirect.gather [hbm4b:s4+s28], $0x80, s31, s28, $0xb8;
	[tilespmem:$0x1E800] =	vst v63  }
0xc7: {  	_ =	swait.ge [sflag:s30], $0x4000  }
0xc8: {  	[sflag:s30] =	ssyncset.done $0x0  }
0xc9: {  	[sflag:s30] =	ssyncadd.s32 $0xFFFFC000  }
0xca: {  	[spmem:s1] =	stream.indirect.scatter.add.f32 [tilespmem:s24], [sflag:$0x2], $0x80, s0, s28, $0xb8;
	[tilespmem:$0x1E800] =	vst v63  }
0xcb: {  	_ =	swait.ge [sflag:s25], $0x4000  }
0xcc: {  	[sflag:s25] =	ssyncset.done $0x0  }
0xcd: {  	[sflag:s25] =	ssyncadd.s32 $0xFFFFC000  }
0xce: {  	_ =	swait.ge [sflag:s30], $0x4000  }
0xcf: {  	[sflag:s30] =	ssyncset.done $0x0  }
0xd0: {  	[sflag:s30] =	ssyncadd.s32 $0xFFFFC000  }
0xd1: {  	[spmem:s1] =	stream.indirect.scatter.add.f32 [tilespmem:s29], [sflag:$0x2], $0x80, s2, s28, $0xb8;
	[tilespmem:$0x1E800] =	vst v63  }
0xd2: {  	_ =	swait.ge [sflag:s25], $0x4000  }
0xd3: {  	[sflag:s25] =	ssyncset.done $0x0  }
0xd4: {  	[sflag:s25] =	ssyncadd.s32 $0xFFFFC000  }
0xd5: {  	[bflag:$0x0] =	sbarrier.arrive $0xFFFF  }
0xd6: {  	[tilespmem:s24], [sflag:$0x2] =	stream.linear.gather [spmem:s5], $0x4000, $0x38;
	[tilespmem:$0x1E800] =	vst v63  }
0xd7: {  	_ =	swait.ge [sflag:s25], $0x4000  }
0xd8: {  	[sflag:s25] =	ssyncset.done $0x0  }
0xd9: {  	[sflag:s25] =	ssyncadd.s32 $0xFFFFC000  }
0xda: {  	[hbm4b:s15+s3] =	stream.linear.scatter [tilespmem:s24], [sflag:$0x2], $0x4000, $0x38;
	[tilespmem:$0x1E800] =	vst v63  }
0xdb: {  	_ =	swait.ge [sflag:s25], $0x4000  }
0xdc: {  	[sflag:s25] =	ssyncset.done $0x0  }
0xdd: {  	[sflag:s25] =	ssyncadd.s32 $0xFFFFC000  }
0xde: {  	[tilespmem:s24], [sflag:$0x2] =	stream.linear.gather [spmem:s16], $0x4000, $0x38;
	[tilespmem:$0x1E800] =	vst v63  }
0xdf: {  	_ =	swait.ge [sflag:s25], $0x4000  }
0xe0: {  	[sflag:s25] =	ssyncset.done $0x0  }
0xe1: {  	[sflag:s25] =	ssyncadd.s32 $0xFFFFC000  }
0xe2: {  	[hbm4b:s17+s3] =	stream.linear.scatter [tilespmem:s24], [sflag:$0x2], $0x4000, $0x38;
	[tilespmem:$0x1E800] =	vst v63  }
0xe3: {  	_ =	swait.ge [sflag:s25], $0x4000  }
0xe4: {  	[sflag:s25] =	ssyncset.done $0x0  }
0xe5: {  	[sflag:s25] =	ssyncadd.s32 $0xFFFFC000  }
0xe6: {  	[tilespmem:s24], [sflag:$0x2] =	stream.linear.gather [spmem:s18], $0x4000, $0x38;
	[tilespmem:$0x1E800] =	vst v63  }
0xe7: {  	_ =	swait.ge [sflag:s25], $0x4000  }
0xe8: {  	[sflag:s25] =	ssyncset.done $0x0  }
0xe9: {  	[sflag:s25] =	ssyncadd.s32 $0xFFFFC000  }
0xea: {  	[hbm4b:s19+s3] =	stream.linear.scatter [tilespmem:s24], [sflag:$0x2], $0x4000, $0x38;
	[tilespmem:$0x1E800] =	vst v63  }
0xeb: {  	_ =	swait.ge [sflag:s25], $0x4000  }
0xec: {  	[sflag:s25] =	ssyncset.done $0x0  }
0xed: {  	[sflag:s25] =	ssyncadd.s32 $0xFFFFC000  }
0xee: {  	[tilespmem:s24], [sflag:$0x2] =	stream.linear.gather [spmem:s20], $0x4000, $0x38;
	[tilespmem:$0x1E800] =	vst v63  }
0xef: {  	_ =	swait.ge [sflag:s25], $0x4000  }
0xf0: {  	[sflag:s25] =	ssyncset.done $0x0  }
0xf1: {  	[sflag:s25] =	ssyncadd.s32 $0xFFFFC000  }
0xf2: {  	[hbm4b:s21+s3] =	stream.linear.scatter [tilespmem:s24], [sflag:$0x2], $0x4000, $0x38;
	[tilespmem:$0x1E800] =	vst v63  }
0xf3: {  	_ =	swait.ge [sflag:s25], $0x4000  }
0xf4: {  	[sflag:s25] =	ssyncset.done $0x0  }
0xf5: {  	[sflag:s25] =	ssyncadd.s32 $0xFFFFC000  }
0xf6: {  	[tilespmem:s24], [sflag:$0x2] =	stream.linear.gather [spmem:s22], $0x4000, $0x38;
	[tilespmem:$0x1E800] =	vst v63  }
0xf7: {  	_ =	swait.ge [sflag:s25], $0x4000  }
0xf8: {  	[sflag:s25] =	ssyncset.done $0x0  }
0xf9: {  	[sflag:s25] =	ssyncadd.s32 $0xFFFFC000  }
0xfa: {  	[hbm4b:s23+s3] =	stream.linear.scatter [tilespmem:s24], [sflag:$0x2], $0x4000, $0x38;
	[tilespmem:$0x1E800] =	vst v63  }
0xfb: {  	_ =	swait.ge [sflag:s25], $0x4000  }
0xfc: {  	s6 =	sadd.s32 $0x1, s6;
	s11 =	rddreg [dreg:$0x7]  }
0xfd: {  	p0 =	sne.s32 s6, s11  }
.Ltmp3:
0xfe: {  	_ = 	snop;
	(pc) =	sbr.rel @p0 .LBB2_1-.Ltmp3, $3  }
0xff: {  	_ =	sdelay $0x1  }
0x100: {  	[sflag:s25] =	ssyncset.done $0x0  }
0x101: {  	[sflag:s25] =	ssyncadd.s32 $0xFFFFC000  }
0x102: {  	_ =	sfence.sel $0x180000  }
0x103: {  	[bflag:$0x0] =	sbarrier.arrive $0xFFFF  }
0x104: {  	_ =	strace $0x9000004A  }
0x105: {  	s0 =	stileid.u32;
	[bflag:$0x2] =	sbarrier.arrive $0xFFFF  }
0x106: {  	p0 =	sne.s32 s0, $0x0;
	s0 =	rddreg [dreg:$0x2]  }
0x107: {  	s0 =	sadd.s32 @!p0 $0x100000, s0  }
0x108: {  	[sflag:s0] =	ssyncadd.tile.s32 @!p0 $0x1;
	_ =	shalt  }
.Lfunc_end2:
_tile_overlayer_lowered:
.L_overlay_start_2:
0x109: {  	(tag) =	ssettag $0x2  }
0x10a: {  	s0 =	rddreg [dreg:$0x0];
	s2 =	stileid.u32  }
0x10b: {  	s1 =	rddreg [dreg:$0x1];
	p0 =	sne.s32 s2, $0x0  }
0x10c: {  	s3 =	rddreg [dreg:$0x2];
	[bflag:$0x3] =	sbarrier.arrive $0xFFFF;
	s2 =	simm.s32 @!p0 $0x1C02  }
0x10d: {  	[timem:s3], [sflag:s2] =	dma.local @!p0 [hbm:s0], s1  }
0x10e: {  	s0 =	simm.s32 @!p0 $0x2  }
0x10f: {  	_ =	swait.ge @!p0 [sflag:s0], s1  }
0x110: {  	s1 =	ssub.s32 @!p0 $0x0, s1;
	[sflag:s0] =	ssyncset.done @!p0 $0x0  }
0x111: {  	[sflag:s0] =	ssyncadd.s32 @!p0 s1  }
0x112: {  	[bflag:$0x3] =	sbarrier.arrive $0xFFFF  }
0x113: {  	_ =	shalt  }

// kernel: kernel.15.cloned.1.call-start
scs
__scs_entry_jumppad:
0x0: {  	(pc) =	sbr.rel $0x88, $3  }
0x1: {  	(tag) =	ssettag $0x0;
	lr =	simm.s32 $0x1  }
0x2: {  	[smem:$0x3F89] =	sst lr;
	_ =	strace $0xD0000000  }
0x3: {  	_ = 	snop  }
0x4: {  	_ = 	snop  }
0x5: {  	_ = 	snop  }
0x6: {  	_ = 	snop  }
0x7: {  	_ = 	snop  }
__scs_overlays_trampoline_lowered:
0x8: {  	[smem:$0x3F98] =	sst s0  }
0x9: {  	[smem:$0x3F99] =	sst s1  }
0xa: {  	[smem:$0x3F9A] =	sst s2  }
0xb: {  	[smem:$0x3F9B] =	sst s3  }
0xc: {  	[smem:$0x3F9C] =	sst s4  }
0xd: {  	[smem:$0x3F9D] =	sst s5  }
0xe: {  	[smem:$0x3F9E] =	sst s6  }
0xf: {  	[smem:$0x3F9F] =	sst s7  }
0x10: {  	[smem:$0x3FA0] =	sst s8  }
0x11: {  	[smem:$0x3FA1] =	sst s9;
	s0 =	simm.s32 @!p0 $0x0  }
0x12: {  	s1 =	sld [smem:$0x3F87];
	s0 =	simm.s32 @p0 $0x1  }
0x13: {  	[smem:$0x3FA2] =	sst s0;
	s0 =	simm.s32 @!p1 $0x0  }
0x14: {  	s2 =	sld [smem:$0x3F86];
	s0 =	simm.s32 @p1 $0x1  }
0x15: {  	[smem:$0x3FA3] =	sst s0;
	s0 =	simm.s32 @!p2 $0x0  }
0x16: {  	s3 =	sld [smem:$0x3FDB];
	s0 =	simm.s32 @p2 $0x1  }
0x17: {  	s4 =	simm.s32 $0x1BF5;
	[smem:$0x3FA5] =	sst s0  }
0x18: {  	s0 =	sld [smem:$0x3F88];
	_ =	swait.ge [sflag:s4], $0x0  }
0x19: {  	s7 =	sld [smem:$0x3F89]  }
0x1a: {  	s8 =	sadd.s32 $0xFFFFE003, lr  }
0x1b: {  	s9 =	sadd.s32 $0xFFFFFEF7, lr;
	s5 =	simm.s32 $0xFFFFFFFF;
	p2 =	slt.u32 s8, $0xFFFFF086  }
0x1c: {  	p1 =	slt.u32 s9, $0xF7A;
	s5 =	simm.s32 @!p2 $0x0  }
0x1d: {  	s5 =	simm.s32 @p1 $0x1;
	p0 =	seq.s32 s7, s2  }
0x1e: {  	s7 =	smul.u32 @!p0 $0xF7A, s2;
	p2 =	seq.s32 @!p0 s5, $0x0  }
0x1f: {  	s9 =	smul.u32 $0xF7A, s1;
	s8 =	simm.s32 @!p0 $0x1BF5;
	p2 =	por !p2, p0  }
0x20: {  	[sflag:s8] =	ssyncset.s32 @!p0 $0xFFFFF086;
	s6 =	sadd.s32 @!p0 s3, s7;
	s7 =	simm.s32 @!p0 $0x108  }
0x21: {  	s3 =	sadd.s32 s3, s9;
	s6 =	sadd.s32 @!p0 $0x88, s6;
	s7 =	simm.s32 @p2 $0x1082  }
0x22: {  	[simem:s7], [sflag:s8] =	dma.local @!p0 [hbm:s6], $0xF7A  }
0x23: {  	s9 =	sor.u32 $0xD0000000, s2;
	s6 =	simm.s32 $0x108;
	_ =	swait.ge @!p0 [sflag:s8], $0x0  }
0x24: {  	s3 =	sadd.s32 $0x88, s3;
	s6 =	simm.s32 @!p1 $0x1082;
	[sflag:s4] =	ssyncset.s32 $0xFFFFF086  }
0x25: {  	[simem:s6], [sflag:s4] =	dma.local [hbm:s3], $0xF7A  }
0x26: {  	[smem:$0x3F89] =	sst s1;
	(tag) =	ssettag s2;
	_ =	strace s9  }
0x27: {  	s1 =	sld [smem:$0x3F99]  }
0x28: {  	s2 =	sld [smem:$0x3F9A]  }
0x29: {  	s4 =	sld [smem:$0x3F9C]  }
0x2a: {  	p0 =	seq.s32 s5, $0x0;
	s5 =	sld [smem:$0x3F9D]  }
0x2b: {  	s6 =	sld [smem:$0x3F9E]  }
0x2c: {  	s7 =	sld [smem:$0x3F9F]  }
0x2d: {  	s3 =	simm.s32 $0x108;
	s8 =	sld [smem:$0x3FA0]  }
0x2e: {  	s3 =	simm.s32 @!p0 $0x1082;
	s9 =	sld [smem:$0x3FA1]  }
0x2f: {  	lr =	sadd.s32 s0, s3;
	s0 =	sld [smem:$0x3F98]  }
0x30: {  	s3 =	sld [smem:$0x3F9B]  }
0x31: {  	[smem:$0x3FA4] =	sst s10  }
0x32: {  	s10 =	sld [smem:$0x3FA2];
	_ =	sdelay $0x3  }
0x33: {  	p0 =	seq.s32 s10, $0x1;
	s10 =	sld [smem:$0x3FA4];
	_ =	sdelay $0x3  }
0x34: {  	[smem:$0x3FA4] =	sst s10  }
0x35: {  	s10 =	sld [smem:$0x3FA3];
	_ =	sdelay $0x3  }
0x36: {  	p1 =	seq.s32 s10, $0x1;
	s10 =	sld [smem:$0x3FA4];
	_ =	sdelay $0x3  }
0x37: {  	[smem:$0x3FA4] =	sst s10  }
0x38: {  	s10 =	sld [smem:$0x3FA5]  }
0x39: {  	_ = 	snop;
	(pc) =	sbr.ind lr, $3  }
0x3a: {  	_ = 	snop  }
0x3b: {  	_ = 	snop  }
0x3c: {  	p2 =	seq.s32 s10, $0x1;
	s10 =	sld [smem:$0x3FA4]  }
0x3d: {  	_ =	shalt  }
0x3e: {  	_ =	shalt  }
0x3f: {  	_ =	shalt  }
0x40: {  	_ =	shalt  }
0x41: {  	_ =	shalt  }
0x42: {  	_ =	shalt  }
0x43: {  	_ =	shalt  }
0x44: {  	_ =	shalt  }
0x45: {  	_ =	shalt  }
0x46: {  	_ =	shalt  }
0x47: {  	_ =	shalt  }
0x48: {  	_ =	shalt  }
0x49: {  	_ =	shalt  }
0x4a: {  	_ =	shalt  }
0x4b: {  	_ =	shalt  }
0x4c: {  	_ =	shalt  }
0x4d: {  	_ =	shalt  }
0x4e: {  	_ =	shalt  }
0x4f: {  	_ =	shalt  }
0x50: {  	_ =	shalt  }
0x51: {  	_ =	shalt  }
0x52: {  	_ =	shalt  }
0x53: {  	_ =	shalt  }
0x54: {  	_ =	shalt  }
0x55: {  	_ =	shalt  }
0x56: {  	_ =	shalt  }
0x57: {  	_ =	shalt  }
0x58: {  	_ =	shalt  }
0x59: {  	_ =	shalt  }
0x5a: {  	_ =	shalt  }
0x5b: {  	_ =	shalt  }
0x5c: {  	_ =	shalt  }
0x5d: {  	_ =	shalt  }
0x5e: {  	_ =	shalt  }
0x5f: {  	_ =	shalt  }
0x60: {  	_ =	shalt  }
0x61: {  	_ =	shalt  }
0x62: {  	_ =	shalt  }
0x63: {  	_ =	shalt  }
0x64: {  	_ =	shalt  }
0x65: {  	_ =	shalt  }
0x66: {  	_ =	shalt  }
0x67: {  	_ =	shalt  }
0x68: {  	_ =	shalt  }
0x69: {  	_ =	shalt  }
0x6a: {  	_ =	shalt  }
0x6b: {  	_ =	shalt  }
0x6c: {  	_ =	shalt  }
0x6d: {  	_ =	shalt  }
0x6e: {  	_ =	shalt  }
0x6f: {  	_ =	shalt  }
0x70: {  	_ =	shalt  }
0x71: {  	_ =	shalt  }
0x72: {  	_ =	shalt  }
0x73: {  	_ =	shalt  }
0x74: {  	_ =	shalt  }
0x75: {  	_ =	shalt  }
0x76: {  	_ =	shalt  }
0x77: {  	_ =	shalt  }
0x78: {  	_ =	shalt  }
0x79: {  	_ =	shalt  }
0x7a: {  	_ =	shalt  }
0x7b: {  	_ =	shalt  }
0x7c: {  	_ =	shalt  }
0x7d: {  	_ =	shalt  }
0x7e: {  	_ =	shalt  }
0x7f: {  	_ =	shalt  }
0x80: {  	_ =	shalt  }
0x81: {  	_ =	shalt  }
0x82: {  	_ =	shalt  }
0x83: {  	_ =	shalt  }
0x84: {  	_ =	shalt  }
0x85: {  	_ =	shalt  }
0x86: {  	_ =	shalt  }
0x87: {  	_ =	shalt  }
.Lfunc_end0:
.L_simem_size_0:
called_computation.2_lowered:
.L_overlay_start_0:
0x88: {  	s2 =	sld [smem:$0x3FD9]  }
0x89: {  	s3 =	sld [smem:$0x3FFE];
	_ =	sdelay $0x1  }
0x8a: {  	s1 =	srdreg.scid  }
0x8b: {  	s0 =	sand.u32 $0x1, s1  }
0x8c: {  	s16 =	sshll.u32 s0, $0xA;
	s2 =	sadd.s32 s3, s2  }
0x8d: {  	s2 =	sadd.s32 s2, s16  }
0x8e: {  	[smem:$0x3FB0] =	sst s2  }
0x8f: {  	_ = 	snop  }
0x90: {  	(tm) =	ssettm $0x1  }
0x91: {  	s17 =	sld [smem:$0x3FFB];
	_ =	sdelay $0x3  }
0x92: {  	_ =	strace s17  }
0x93: {  	s2 =	sld [smem:$0x3FFC];
	_ =	sdelay $0x3  }
0x94: {  	_ =	strace s2  }
0x95: {  	s2 =	sld [smem:$0x3FFD];
	_ =	sdelay $0x3  }
0x96: {  	_ =	strace s2  }
0x97: {  	_ =	strace $0x8FFFFFFF  }
0x98: {  	s18 =	sld [smem:$0x3FDB];
	_ =	sdelay $0x1  }
0x99: {  	s19 =	simm.s32 $_scs_section_size  }
0x9a: {  	s4 =	simm.s32 $_size__tile_overlayer_lowered;
	s5 =	simm.s32 $_tile_overlayer_lowered  }
0x9b: {  	s22 =	simm.s32 $0x1BFF;
	s21 =	sshll.u32 s5, $0x1;
	s2 =	sadd.s32 s19, s18  }
0x9c: {  	s6 =	simm.s32 $0x0;
	s20 =	sshll.u32 s4, $0x1;
	s4 =	sadd.s32 s21, s2  }
0x9d: {  	[timem:s6], [sflag:s22] =	dma.local [hbm:s4], s20  }
0x9e: {  	_ =	swait.ge [sflag:s22], s20  }
0x9f: {  	s3 =	ssub.s32 $0x0, s20;
	[sflag:s22] =	ssyncset.done $0x0  }
0xa0: {  	[sflag:s22] =	ssyncadd.s32 s3;
	_ =	sdelay $0x1  }
0xa1: {  	s23 =	simm.s32 $0x1B8B  }
0xa2: {  	_ =	swait.ge [sflag:s23], $0x1  }
0xa3: {  	[sflag:s23] =	ssyncset.done $0x0  }
0xa4: {  	s25 =	simm.s32 $0x1B8E;
	s24 =	sld [smem:$0x3FFE];
	[sflag:s23] =	ssyncadd.s32 $0xFFFFFFFF  }
0xa5: {  	s26 =	simm.s32 $execute0_lowered;
	[smem:$0x3FD2] =	sst s25  }
0xa6: {  	s4 =	sshll.u32 s26, $0x1;
	_ =	strace $0x8000004C;
	[dreg:$0x1] =	wrdreg $0xFFFFFFFF  }
0xa7: {  	s28 =	simm.s32 $_size_execute0_lowered;
	s2 =	sadd.s32 s2, s4;
	[dreg:$0x0] =	wrdreg $0x0  }
0xa8: {  	s4 =	sshll.u32 s28, $0x1;
	[dreg:$0x2] =	wrdreg s2  }
0xa9: {  	[dreg:$0x3] =	wrdreg s4  }
0xaa: {  	[dreg:$0x4] =	wrdreg $0xC0  }
0xab: {  	_ =	task [dreg:s6], $0x5FFFF  }
0xac: {  	[dreg:$0x1] =	wrdreg $0xFFFFFFFF  }
0xad: {  	[dreg:$0x0] =	wrdreg $0x60  }
0xae: {  	[dreg:$0x2] =	wrdreg s24  }
0xaf: {  	[dreg:$0x3] =	wrdreg $0xA8000  }
0xb0: {  	[dreg:$0x4] =	wrdreg $0x9  }
0xb1: {  	_ =	task.clear_ibuf [dreg:s6], $0x5FFFF;
	_ =	strace $0x9000004C  }
0xb2: {  	s29 =	simm.s32 $0x9;
	_ =	strace $0x8000004E  }
0xb3: {  	_ =	swait.ge [sflag:s29], $0x1  }
0xb4: {  	[sflag:s29] =	ssyncadd.s32 $0xFFFFFFFF  }
0xb5: {  	_ =	strace $0x9000004E  }
0xb6: {  	_ =	sfence  }
0xb7: {  	s30 =	sld [smem:$0x0];
	_ =	sdelay $0x2  }
0xb8: {  	s31 =	sshll.u32 s1, $0xD;
	s1 =	sshrl.u32 s1, $0x2  }
0xb9: {  	s3 =	sand.u32 $0x4000, s31;
	s1 =	sadd.s32 s1, s30  }
0xba: {  	s0 =	sor.u32 s3, s0;
	s1 =	sshll.u32 s1, $0x11  }
0xbb: {  	s0 =	sor.u32 s1, s0  }
0xbc: {  	s0 =	sadd.s32 $0x8F2B, s0  }
0xbd: {  	[sflag:s0] =	ssyncadd.remote.s32 $0x1  }
0xbe: {  	_ =	sfence.sel $0xFFFF  }
0xbf: {  	[dreg:$0x0] =	wrdreg $0xFFFFFFFF;
	(pc) =	sbr.abs _section_cstart, $3  }
0xc0: {  	[dreg:$0x1] =	wrdreg $0xFFFFFFFF  }
0xc1: {  	_ =	task.clear_ibuf [dreg:s6], $0x2FFFF;
	_ =	strace $0x9FFFFFFF  }
0xc2: {  	(tm) =	ssettm $0x7FFFFFFF  }
0xc3: {  	_ =	shalt  }
tec
execute0_lowered:
.L_overlay_start_1:
0x0: {  	(tag) =	ssettag $0x1  }
0x1: {  	s0 =	rddreg [dreg:$0x0]  }
0x2: {  	s1 =	rddreg [dreg:$0x1];
	s3 =	simm.s32 $0x0;
	s2 =	srdreg.scid  }
0x3: {  	s12 =	stileid.u32;
	s28 =	simm.s32 $0x80;
	s29 =	simm.s32 $0x6800  }
0x4: {  	s30 =	simm.s32 $0x1;
	s31 =	simm.s32 $0x1380;
	[smem:$0x7FF] =	sst s3  }
0x5: {  	s4 =	sadd.s32 $0x18C00, s0;
	s2 =	sand.u32 $0x1, s2;
	s5 =	sshll.u32 s12, $0x1  }
0x6: {  	s6 =	sadd.s32 $0xEC00, s0;
	s7 =	smul.u32 $0x50000, s12;
	s8 =	sadd.s32 $0x4C00, s0  }
0x7: {  	s0 =	sadd.s32 $0x40C00, s0;
	s5 =	sor.u32 s2, s5;
	s9 =	ssub.s32 $0x2, s2  }
0x8: {  	_ =	strace $0x8000004D;
	s10 =	smul.u32 $0x2800, s5;
	s23 =	sshrl.u32 s9, $0x1  }
0x9: {  	s2 =	smul.u32 $0x140000, s2;
	s7 =	sshrl.u32 s7, $0x2;
	s11 =	ssub.s32 s9, s23  }
0xa: {  	s5 =	sadd.s32 s7, s1;
	s24 =	sshrl.u32 s10, $0x3;
	s19 =	smax.u32 s11, $0x1  }
0xb: {  	s10 =	smul.u32 $0x14000, s12;
	s20 =	sadd.s32 $0x4000, s5;
	[dreg:$0x7] =	wrdreg s19  }
0xc: {  	s12 =	sadd.s32 $0x8000, s5;
	s25 =	sadd.s32 s6, s24;
	[dreg:$0x8] =	wrdreg s20  }
0xd: {  	s13 =	sadd.s32 $0xC000, s5;
	s7 =	sadd.s32 s8, s24;
	[dreg:$0x3] =	wrdreg s25  }
0xe: {  	s14 =	sadd.s32 $0x10000, s5;
	s26 =	sadd.s32 $0x280, s24;
	[dreg:$0x4] =	wrdreg s7  }
0xf: {  	s6 =	sadd.s32 s6, s26;
	s18 =	sadd.s32 s8, s26;
	s21 =	sadd.s32 s2, s10  }
0x10: {  	s22 =	sadd.s32 $0x4000, s10;
	s24 =	sadd.s32 $0x8000, s10;
	[dreg:$0x5] =	wrdreg s6  }
0x11: {  	s25 =	sadd.s32 $0xC000, s10;
	[dreg:$0x6] =	wrdreg s18;
	s7 =	sshrl.u32 s21, $0x3  }
0x12: {  	s16 =	sadd.s32 s2, s22;
	s18 =	sadd.s32 s24, s1;
	s20 =	sadd.s32 s2, s25  }
0x13: {  	s6 =	sadd.s32 $0x10000, s10;
	s15 =	sadd.s32 s0, s7;
	s23 =	sshrl.u32 s16, $0x3  }
0x14: {  	s16 =	sadd.s32 s22, s1;
	s7 =	sadd.s32 s2, s24;
	s26 =	sshrl.u32 s20, $0x3  }
0x15: {  	s2 =	sadd.s32 s2, s6;
	s20 =	sadd.s32 s25, s1;
	s22 =	sadd.s32 s6, s1  }
0x16: {  	s24 =	simm.s32 $0x2800;
	s25 =	simm.s32 $0x2;
	s6 =	simm.s32 $0x0  }
0x17: {  	s17 =	sadd.s32 s0, s23;
	s7 =	sshrl.u32 s7, $0x3;
	s21 =	sadd.s32 s0, s26  }
0x18: {  	s2 =	sshrl.u32 s2, $0x3;
	s26 =	simm.s32 $0x1400;
	s19 =	sadd.s32 s0, s7  }
0x19: {  	v0 =	vimm.f32 $0.0e+00;
	s23 =	sadd.s32 s0, s2;
	s0 =	simm.s32 $0x2700;
	s2 =	simm.s32 $0x2780  }
.LBB2_1:
0x1a: {  	s7 =	simm.s32 $0x0;
	s8 =	simm.s32 $0x200  }
.LBB2_2:
0x1b: {  	p0 =	sne.s32 s8, $0xFE00;
	[tilespmem:s7+$0x2870] =	vst v0  }
0x1c: {  	[tilespmem:s7+$0x2800] =	vst v0  }
0x1d: {  	[tilespmem:s7+$0x2810] =	vst v0  }
.Ltmp0:
0x1e: {  	[tilespmem:s7+$0x2820] =	vst v0;
	(pc) =	sbr.rel @p0 .LBB2_2-.Ltmp0, $4  }
0x1f: {  	[tilespmem:s7+$0x2830] =	vst v0  }
0x20: {  	[tilespmem:s7+$0x2840] =	vst v0  }
0x21: {  	[tilespmem:s7+$0x2850] =	vst v0  }
0x22: {  	[tilespmem:s7+$0x2860] =	vst v0;
	s7 =	sshra.s32 s8, $0x2;
	s8 =	sadd.s32 $0x200, s8  }
0x23: {  	[tilespmem:s7+$0x2870] =	vst v0  }
0x24: {  	[tilespmem:s7+$0x2800] =	vst v0  }
0x25: {  	[tilespmem:s7+$0x2810] =	vst v0  }
0x26: {  	[tilespmem:s7+$0x2820] =	vst v0  }
0x27: {  	[tilespmem:s7+$0x2830] =	vst v0  }
0x28: {  	[tilespmem:s7+$0x2840] =	vst v0  }
0x29: {  	[tilespmem:s7+$0x2850] =	vst v0  }
0x2a: {  	[tilespmem:s7+$0x2860] =	vst v0  }
0x2b: {  	[spmem:s5] =	stream.linear.scatter [tilespmem:s24], [sflag:$0x2], $0x4000, $0x38;
	[tilespmem:$0x1E800] =	vst v63  }
0x2c: {  	_ =	swait.ge [sflag:s25], $0x4000  }
0x2d: {  	[sflag:s25] =	ssyncset.done $0x0  }
0x2e: {  	s9 =	rddreg [dreg:$0x8];
	[sflag:s25] =	ssyncadd.s32 $0xFFFFC000  }
0x2f: {  	[spmem:s9] =	stream.linear.scatter [tilespmem:s24], [sflag:$0x2], $0x4000, $0x38;
	[tilespmem:$0x1E800] =	vst v63  }
0x30: {  	_ =	swait.ge [sflag:s25], $0x4000  }
0x31: {  	[sflag:s25] =	ssyncset.done $0x0  }
0x32: {  	[sflag:s25] =	ssyncadd.s32 $0xFFFFC000  }
0x33: {  	[spmem:s12] =	stream.linear.scatter [tilespmem:s24], [sflag:$0x2], $0x4000, $0x38;
	[tilespmem:$0x1E800] =	vst v63  }
0x34: {  	_ =	swait.ge [sflag:s25], $0x4000  }
0x35: {  	[sflag:s25] =	ssyncset.done $0x0  }
0x36: {  	[sflag:s25] =	ssyncadd.s32 $0xFFFFC000  }
0x37: {  	[spmem:s13] =	stream.linear.scatter [tilespmem:s24], [sflag:$0x2], $0x4000, $0x38;
	[tilespmem:$0x1E800] =	vst v63  }
0x38: {  	_ =	swait.ge [sflag:s25], $0x4000  }
0x39: {  	[sflag:s25] =	ssyncset.done $0x0  }
0x3a: {  	[sflag:s25] =	ssyncadd.s32 $0xFFFFC000  }
0x3b: {  	[spmem:s14] =	stream.linear.scatter [tilespmem:s24], [sflag:$0x2], $0x4000, $0x38;
	[tilespmem:$0x1E800] =	vst v63  }
0x3c: {  	_ =	swait.ge [sflag:s25], $0x4000  }
0x3d: {  	[sflag:s25] =	ssyncset.done $0x0  }
0x3e: {  	[sflag:s25] =	ssyncadd.s32 $0xFFFFC000  }
0x3f: {  	[bflag:$0x0] =	sbarrier.arrive $0xFFFF  }
0x40: {  	s10 =	simm.s32 $0x0;
	s8 =	rddreg [dreg:$0x3]  }
0x41: {  	[tilespmem:s10], [sflag:$0x2] =	stream.linear.gather [hbm4b:s8+s10], $0x1400, $0x38;
	[tilespmem:$0x1E800] =	vst v63  }
0x42: {  	_ =	swait.ge [sflag:s25], $0x1400  }
0x43: {  	[sflag:s25] =	ssyncset.done $0x0  }
0x44: {  	s11 =	rddreg [dreg:$0x4];
	[sflag:s25] =	ssyncadd.s32 $0xFFFFEC00  }
0x45: {  	[tilespmem:s26], [sflag:$0x2] =	stream.linear.gather [hbm4b:s11+s10], $0x1400, $0x38;
	[tilespmem:$0x1E800] =	vst v63  }
0x46: {  	_ =	swait.ge [sflag:s25], $0x1400  }
0x47: {  	[sflag:s25] =	ssyncset.done $0x0  }
0x48: {  	[sflag:s25] =	ssyncadd.s32 $0xFFFFEC00  }
0x49: {  	[tilespmem:s24], [sflag:$0x1] =	stream.indirect.gather [hbm4b:s4+s28], $0x80, s10, s28, $0xb8;
	[tilespmem:$0x1E800] =	vst v63  }
0x4a: {  	s8 =	simm.s32 $0x80  }
0x4b: {  	[tilespmem:s29], [sflag:$0x1] =	stream.indirect.gather [hbm4b:s4+s28], $0x80, s8, s28, $0xb8;
	[tilespmem:$0x1E800] =	vst v63  }
0x4c: {  	_ =	swait.ge [sflag:s30], $0x4000  }
0x4d: {  	[sflag:s30] =	ssyncset.done $0x0  }
0x4e: {  	s9 =	simm.s32 $0x1400;
	[sflag:s30] =	ssyncadd.s32 $0xFFFFC000  }
0x4f: {  	[spmem:s1] =	stream.indirect.scatter.add.f32 [tilespmem:s24], [sflag:$0x2], $0x80, s9, s28, $0xb8;
	[tilespmem:$0x1E800] =	vst v63  }
0x50: {  	_ =	swait.ge [sflag:s25], $0x4000  }
0x51: {  	[sflag:s25] =	ssyncset.done $0x0  }
0x52: {  	s10 =	simm.s32 $0x100;
	[sflag:s25] =	ssyncadd.s32 $0xFFFFC000  }
0x53: {  	[tilespmem:s24], [sflag:$0x1] =	stream.indirect.gather [hbm4b:s4+s28], $0x80, s10, s28, $0xb8;
	[tilespmem:$0x1E800] =	vst v63  }
0x54: {  	_ =	swait.ge [sflag:s30], $0x4000  }
0x55: {  	[sflag:s30] =	ssyncset.done $0x0  }
0x56: {  	s11 =	simm.s32 $0x1480;
	[sflag:s30] =	ssyncadd.s32 $0xFFFFC000  }
0x57: {  	[spmem:s1] =	stream.indirect.scatter.add.f32 [tilespmem:s29], [sflag:$0x2], $0x80, s11, s28, $0xb8;
	[tilespmem:$0x1E800] =	vst v63  }
0x58: {  	_ =	swait.ge [sflag:s25], $0x4000  }
0x59: {  	s7 =	simm.s32 $0x100;
	s8 =	simm.s32 $0x800;
	[sflag:s25] =	ssyncset.done $0x0  }
.LBB2_4:
0x5a: {  	s9 =	sadd.s32 $0x80, s7  }
0x5b: {  	[sflag:s25] =	ssyncadd.s32 $0xFFFFC000;
	s10 =	smov.u32 s8;
	s11 =	sadd.s32 $0x400, s8  }
0x5c: {  	[tilespmem:s29], [sflag:$0x1] =	stream.indirect.gather [hbm4b:s4+s28], $0x80, s9, s28, $0xb8;
	[tilespmem:$0x1E800] =	vst v63  }
0x5d: {  	p0 =	sne.s32 s8, $0x4800;
	_ =	swait.ge [sflag:s30], $0x4000  }
0x5e: {  	[sflag:s30] =	ssyncset.done $0x0  }
0x5f: {  	s8 =	sadd.s32 $0x1400, s7;
	[sflag:s30] =	ssyncadd.s32 $0xFFFFC000  }
0x60: {  	[spmem:s1] =	stream.indirect.scatter.add.f32 [tilespmem:s24], [sflag:$0x2], $0x80, s8, s28, $0xb8;
	[tilespmem:$0x1E800] =	vst v63  }
0x61: {  	_ =	swait.ge [sflag:s25], $0x4000  }
0x62: {  	[sflag:s25] =	ssyncset.done $0x0  }
0x63: {  	s8 =	sadd.s32 $0x100, s7;
	[sflag:s25] =	ssyncadd.s32 $0xFFFFC000  }
0x64: {  	[tilespmem:s24], [sflag:$0x1] =	stream.indirect.gather [hbm4b:s4+s28], $0x80, s8, s28, $0xb8;
	[tilespmem:$0x1E800] =	vst v63  }
0x65: {  	_ =	swait.ge [sflag:s30], $0x4000  }
.Ltmp1:
0x66: {  	[sflag:s30] =	ssyncset.done $0x0;
	(pc) =	sbr.rel @p0 .LBB2_4-.Ltmp1, $4  }
0x67: {  	s7 =	sadd.s32 $0x1480, s7;
	[sflag:s30] =	ssyncadd.s32 $0xFFFFC000  }
0x68: {  	[spmem:s1] =	stream.indirect.scatter.add.f32 [tilespmem:s29], [sflag:$0x2], $0x80, s7, s28, $0xb8;
	[tilespmem:$0x1E800] =	vst v63  }
0x69: {  	_ =	swait.ge [sflag:s25], $0x4000  }
0x6a: {  	s8 =	smov.u32 s11;
	s7 =	sshra.s32 s10, $0x2;
	[sflag:s25] =	ssyncset.done $0x0  }
0x6b: {  	s8 =	sadd.s32 $0x80, s7;
	[sflag:s25] =	ssyncadd.s32 $0xFFFFC000  }
0x6c: {  	[tilespmem:s29], [sflag:$0x1] =	stream.indirect.gather [hbm4b:s4+s28], $0x80, s8, s28, $0xb8;
	[tilespmem:$0x1E800] =	vst v63  }
0x6d: {  	_ =	swait.ge [sflag:s30], $0x4000  }
0x6e: {  	[sflag:s30] =	ssyncset.done $0x0  }
0x6f: {  	s10 =	sadd.s32 $0x1400, s7;
	[sflag:s30] =	ssyncadd.s32 $0xFFFFC000  }
0x70: {  	[spmem:s1] =	stream.indirect.scatter.add.f32 [tilespmem:s24], [sflag:$0x2], $0x80, s10, s28, $0xb8;
	[tilespmem:$0x1E800] =	vst v63  }
0x71: {  	_ =	swait.ge [sflag:s25], $0x4000  }
0x72: {  	[sflag:s25] =	ssyncset.done $0x0  }
0x73: {  	s11 =	sadd.s32 $0x100, s7;
	[sflag:s25] =	ssyncadd.s32 $0xFFFFC000  }
0x74: {  	[tilespmem:s24], [sflag:$0x1] =	stream.indirect.gather [hbm4b:s4+s28], $0x80, s11, s28, $0xb8;
	[tilespmem:$0x1E800] =	vst v63  }
0x75: {  	_ =	swait.ge [sflag:s30], $0x4000  }
0x76: {  	[sflag:s30] =	ssyncset.done $0x0  }
0x77: {  	s8 =	sadd.s32 $0x1480, s7;
	[sflag:s30] =	ssyncadd.s32 $0xFFFFC000  }
0x78: {  	[spmem:s1] =	stream.indirect.scatter.add.f32 [tilespmem:s29], [sflag:$0x2], $0x80, s8, s28, $0xb8;
	[tilespmem:$0x1E800] =	vst v63  }
0x79: {  	_ =	swait.ge [sflag:s25], $0x4000  }
0x7a: {  	[sflag:s25] =	ssyncset.done $0x0  }
0x7b: {  	[sflag:s25] =	ssyncadd.s32 $0xFFFFC000  }
0x7c: {  	[tilespmem:s29], [sflag:$0x1] =	stream.indirect.gather [hbm4b:s4+s28], $0x80, s31, s28, $0xb8;
	[tilespmem:$0x1E800] =	vst v63  }
0x7d: {  	_ =	swait.ge [sflag:s30], $0x4000  }
0x7e: {  	[sflag:s30] =	ssyncset.done $0x0  }
0x7f: {  	[sflag:s30] =	ssyncadd.s32 $0xFFFFC000  }
0x80: {  	[spmem:s1] =	stream.indirect.scatter.add.f32 [tilespmem:s24], [sflag:$0x2], $0x80, s0, s28, $0xb8;
	[tilespmem:$0x1E800] =	vst v63  }
0x81: {  	_ =	swait.ge [sflag:s25], $0x4000  }
0x82: {  	[sflag:s25] =	ssyncset.done $0x0  }
0x83: {  	[sflag:s25] =	ssyncadd.s32 $0xFFFFC000  }
0x84: {  	_ =	swait.ge [sflag:s30], $0x4000  }
0x85: {  	[sflag:s30] =	ssyncset.done $0x0  }
0x86: {  	[sflag:s30] =	ssyncadd.s32 $0xFFFFC000  }
0x87: {  	[spmem:s1] =	stream.indirect.scatter.add.f32 [tilespmem:s29], [sflag:$0x2], $0x80, s2, s28, $0xb8;
	[tilespmem:$0x1E800] =	vst v63  }
0x88: {  	_ =	swait.ge [sflag:s25], $0x4000  }
0x89: {  	[sflag:s25] =	ssyncset.done $0x0  }
0x8a: {  	s9 =	simm.s32 $0x0;
	s10 =	rddreg [dreg:$0x5];
	[sflag:s25] =	ssyncadd.s32 $0xFFFFC000  }
0x8b: {  	[tilespmem:s9], [sflag:$0x2] =	stream.linear.gather [hbm4b:s10+s9], $0x1400, $0x38;
	[tilespmem:$0x1E800] =	vst v63  }
0x8c: {  	_ =	swait.ge [sflag:s25], $0x1400  }
0x8d: {  	[sflag:s25] =	ssyncset.done $0x0  }
0x8e: {  	s11 =	rddreg [dreg:$0x6];
	[sflag:s25] =	ssyncadd.s32 $0xFFFFEC00  }
0x8f: {  	[tilespmem:s26], [sflag:$0x2] =	stream.linear.gather [hbm4b:s11+s9], $0x1400, $0x38;
	[tilespmem:$0x1E800] =	vst v63  }
0x90: {  	_ =	swait.ge [sflag:s25], $0x1400  }
0x91: {  	[sflag:s25] =	ssyncset.done $0x0  }
0x92: {  	[sflag:s25] =	ssyncadd.s32 $0xFFFFEC00  }
0x93: {  	[tilespmem:s24], [sflag:$0x1] =	stream.indirect.gather [hbm4b:s4+s28], $0x80, s9, s28, $0xb8;
	[tilespmem:$0x1E800] =	vst v63  }
0x94: {  	s8 =	simm.s32 $0x80  }
0x95: {  	[tilespmem:s29], [sflag:$0x1] =	stream.indirect.gather [hbm4b:s4+s28], $0x80, s8, s28, $0xb8;
	[tilespmem:$0x1E800] =	vst v63  }
0x96: {  	_ =	swait.ge [sflag:s30], $0x4000  }
0x97: {  	[sflag:s30] =	ssyncset.done $0x0  }
0x98: {  	s9 =	simm.s32 $0x1400;
	[sflag:s30] =	ssyncadd.s32 $0xFFFFC000  }
0x99: {  	[spmem:s1] =	stream.indirect.scatter.add.f32 [tilespmem:s24], [sflag:$0x2], $0x80, s9, s28, $0xb8;
	[tilespmem:$0x1E800] =	vst v63  }
0x9a: {  	_ =	swait.ge [sflag:s25], $0x4000  }
0x9b: {  	[sflag:s25] =	ssyncset.done $0x0  }
0x9c: {  	s10 =	simm.s32 $0x100;
	[sflag:s25] =	ssyncadd.s32 $0xFFFFC000  }
0x9d: {  	[tilespmem:s24], [sflag:$0x1] =	stream.indirect.gather [hbm4b:s4+s28], $0x80, s10, s28, $0xb8;
	[tilespmem:$0x1E800] =	vst v63  }
0x9e: {  	_ =	swait.ge [sflag:s30], $0x4000  }
0x9f: {  	[sflag:s30] =	ssyncset.done $0x0  }
0xa0: {  	s11 =	simm.s32 $0x1480;
	[sflag:s30] =	ssyncadd.s32 $0xFFFFC000  }
0xa1: {  	[spmem:s1] =	stream.indirect.scatter.add.f32 [tilespmem:s29], [sflag:$0x2], $0x80, s11, s28, $0xb8;
	[tilespmem:$0x1E800] =	vst v63  }
0xa2: {  	_ =	swait.ge [sflag:s25], $0x4000  }
0xa3: {  	s7 =	simm.s32 $0x100;
	s8 =	simm.s32 $0x800;
	[sflag:s25] =	ssyncset.done $0x0  }
.LBB2_6:
0xa4: {  	s9 =	sadd.s32 $0x80, s7  }
0xa5: {  	[sflag:s25] =	ssyncadd.s32 $0xFFFFC000;
	s10 =	smov.u32 s8;
	s11 =	sadd.s32 $0x400, s8  }
0xa6: {  	[tilespmem:s29], [sflag:$0x1] =	stream.indirect.gather [hbm4b:s4+s28], $0x80, s9, s28, $0xb8;
	[tilespmem:$0x1E800] =	vst v63  }
0xa7: {  	p0 =	sne.s32 s8, $0x4800;
	_ =	swait.ge [sflag:s30], $0x4000  }
0xa8: {  	[sflag:s30] =	ssyncset.done $0x0  }
0xa9: {  	s8 =	sadd.s32 $0x1400, s7;
	[sflag:s30] =	ssyncadd.s32 $0xFFFFC000  }
0xaa: {  	[spmem:s1] =	stream.indirect.scatter.add.f32 [tilespmem:s24], [sflag:$0x2], $0x80, s8, s28, $0xb8;
	[tilespmem:$0x1E800] =	vst v63  }
0xab: {  	_ =	swait.ge [sflag:s25], $0x4000  }
0xac: {  	[sflag:s25] =	ssyncset.done $0x0  }
0xad: {  	s8 =	sadd.s32 $0x100, s7;
	[sflag:s25] =	ssyncadd.s32 $0xFFFFC000  }
0xae: {  	[tilespmem:s24], [sflag:$0x1] =	stream.indirect.gather [hbm4b:s4+s28], $0x80, s8, s28, $0xb8;
	[tilespmem:$0x1E800] =	vst v63  }
0xaf: {  	_ =	swait.ge [sflag:s30], $0x4000  }
.Ltmp2:
0xb0: {  	[sflag:s30] =	ssyncset.done $0x0;
	(pc) =	sbr.rel @p0 .LBB2_6-.Ltmp2, $4  }
0xb1: {  	s7 =	sadd.s32 $0x1480, s7;
	[sflag:s30] =	ssyncadd.s32 $0xFFFFC000  }
0xb2: {  	[spmem:s1] =	stream.indirect.scatter.add.f32 [tilespmem:s29], [sflag:$0x2], $0x80, s7, s28, $0xb8;
	[tilespmem:$0x1E800] =	vst v63  }
0xb3: {  	_ =	swait.ge [sflag:s25], $0x4000  }
0xb4: {  	s8 =	smov.u32 s11;
	s7 =	sshra.s32 s10, $0x2;
	[sflag:s25] =	ssyncset.done $0x0  }
0xb5: {  	s8 =	sadd.s32 $0x80, s7;
	[sflag:s25] =	ssyncadd.s32 $0xFFFFC000  }
0xb6: {  	[tilespmem:s29], [sflag:$0x1] =	stream.indirect.gather [hbm4b:s4+s28], $0x80, s8, s28, $0xb8;
	[tilespmem:$0x1E800] =	vst v63  }
0xb7: {  	_ =	swait.ge [sflag:s30], $0x4000  }
0xb8: {  	[sflag:s30] =	ssyncset.done $0x0  }
0xb9: {  	s11 =	sadd.s32 $0x1400, s7;
	[sflag:s30] =	ssyncadd.s32 $0xFFFFC000  }
0xba: {  	[spmem:s1] =	stream.indirect.scatter.add.f32 [tilespmem:s24], [sflag:$0x2], $0x80, s11, s28, $0xb8;
	[tilespmem:$0x1E800] =	vst v63  }
0xbb: {  	_ =	swait.ge [sflag:s25], $0x4000  }
0xbc: {  	[sflag:s25] =	ssyncset.done $0x0  }
0xbd: {  	s9 =	sadd.s32 $0x100, s7;
	[sflag:s25] =	ssyncadd.s32 $0xFFFFC000  }
0xbe: {  	[tilespmem:s24], [sflag:$0x1] =	stream.indirect.gather [hbm4b:s4+s28], $0x80, s9, s28, $0xb8;
	[tilespmem:$0x1E800] =	vst v63  }
0xbf: {  	_ =	swait.ge [sflag:s30], $0x4000  }
0xc0: {  	[sflag:s30] =	ssyncset.done $0x0  }
0xc1: {  	s10 =	sadd.s32 $0x1480, s7;
	[sflag:s30] =	ssyncadd.s32 $0xFFFFC000  }
0xc2: {  	[spmem:s1] =	stream.indirect.scatter.add.f32 [tilespmem:s29], [sflag:$0x2], $0x80, s10, s28, $0xb8;
	[tilespmem:$0x1E800] =	vst v63  }
0xc3: {  	_ =	swait.ge [sflag:s25], $0x4000  }
0xc4: {  	[sflag:s25] =	ssyncset.done $0x0  }
0xc5: {  	[sflag:s25] =	ssyncadd.s32 $0xFFFFC000  }
0xc6: {  	[tilespmem:s29], [sflag:$0x1] =	stream.indirect.gather [hbm4b:s4+s28], $0x80, s31, s28, $0xb8;
	[tilespmem:$0x1E800] =	vst v63  }
0xc7: {  	_ =	swait.ge [sflag:s30], $0x4000  }
0xc8: {  	[sflag:s30] =	ssyncset.done $0x0  }
0xc9: {  	[sflag:s30] =	ssyncadd.s32 $0xFFFFC000  }
0xca: {  	[spmem:s1] =	stream.indirect.scatter.add.f32 [tilespmem:s24], [sflag:$0x2], $0x80, s0, s28, $0xb8;
	[tilespmem:$0x1E800] =	vst v63  }
0xcb: {  	_ =	swait.ge [sflag:s25], $0x4000  }
0xcc: {  	[sflag:s25] =	ssyncset.done $0x0  }
0xcd: {  	[sflag:s25] =	ssyncadd.s32 $0xFFFFC000  }
0xce: {  	_ =	swait.ge [sflag:s30], $0x4000  }
0xcf: {  	[sflag:s30] =	ssyncset.done $0x0  }
0xd0: {  	[sflag:s30] =	ssyncadd.s32 $0xFFFFC000  }
0xd1: {  	[spmem:s1] =	stream.indirect.scatter.add.f32 [tilespmem:s29], [sflag:$0x2], $0x80, s2, s28, $0xb8;
	[tilespmem:$0x1E800] =	vst v63  }
0xd2: {  	_ =	swait.ge [sflag:s25], $0x4000  }
0xd3: {  	[sflag:s25] =	ssyncset.done $0x0  }
0xd4: {  	[sflag:s25] =	ssyncadd.s32 $0xFFFFC000  }
0xd5: {  	[bflag:$0x0] =	sbarrier.arrive $0xFFFF  }
0xd6: {  	[tilespmem:s24], [sflag:$0x2] =	stream.linear.gather [spmem:s5], $0x4000, $0x38;
	[tilespmem:$0x1E800] =	vst v63  }
0xd7: {  	_ =	swait.ge [sflag:s25], $0x4000  }
0xd8: {  	[sflag:s25] =	ssyncset.done $0x0  }
0xd9: {  	[sflag:s25] =	ssyncadd.s32 $0xFFFFC000  }
0xda: {  	[hbm4b:s15+s3] =	stream.linear.scatter [tilespmem:s24], [sflag:$0x2], $0x4000, $0x38;
	[tilespmem:$0x1E800] =	vst v63  }
0xdb: {  	_ =	swait.ge [sflag:s25], $0x4000  }
0xdc: {  	[sflag:s25] =	ssyncset.done $0x0  }
0xdd: {  	[sflag:s25] =	ssyncadd.s32 $0xFFFFC000  }
0xde: {  	[tilespmem:s24], [sflag:$0x2] =	stream.linear.gather [spmem:s16], $0x4000, $0x38;
	[tilespmem:$0x1E800] =	vst v63  }
0xdf: {  	_ =	swait.ge [sflag:s25], $0x4000  }
0xe0: {  	[sflag:s25] =	ssyncset.done $0x0  }
0xe1: {  	[sflag:s25] =	ssyncadd.s32 $0xFFFFC000  }
0xe2: {  	[hbm4b:s17+s3] =	stream.linear.scatter [tilespmem:s24], [sflag:$0x2], $0x4000, $0x38;
	[tilespmem:$0x1E800] =	vst v63  }
0xe3: {  	_ =	swait.ge [sflag:s25], $0x4000  }
0xe4: {  	[sflag:s25] =	ssyncset.done $0x0  }
0xe5: {  	[sflag:s25] =	ssyncadd.s32 $0xFFFFC000  }
0xe6: {  	[tilespmem:s24], [sflag:$0x2] =	stream.linear.gather [spmem:s18], $0x4000, $0x38;
	[tilespmem:$0x1E800] =	vst v63  }
0xe7: {  	_ =	swait.ge [sflag:s25], $0x4000  }
0xe8: {  	[sflag:s25] =	ssyncset.done $0x0  }
0xe9: {  	[sflag:s25] =	ssyncadd.s32 $0xFFFFC000  }
0xea: {  	[hbm4b:s19+s3] =	stream.linear.scatter [tilespmem:s24], [sflag:$0x2], $0x4000, $0x38;
	[tilespmem:$0x1E800] =	vst v63  }
0xeb: {  	_ =	swait.ge [sflag:s25], $0x4000  }
0xec: {  	[sflag:s25] =	ssyncset.done $0x0  }
0xed: {  	[sflag:s25] =	ssyncadd.s32 $0xFFFFC000  }
0xee: {  	[tilespmem:s24], [sflag:$0x2] =	stream.linear.gather [spmem:s20], $0x4000, $0x38;
	[tilespmem:$0x1E800] =	vst v63  }
0xef: {  	_ =	swait.ge [sflag:s25], $0x4000  }
0xf0: {  	[sflag:s25] =	ssyncset.done $0x0  }
0xf1: {  	[sflag:s25] =	ssyncadd.s32 $0xFFFFC000  }
0xf2: {  	[hbm4b:s21+s3] =	stream.linear.scatter [tilespmem:s24], [sflag:$0x2], $0x4000, $0x38;
	[tilespmem:$0x1E800] =	vst v63  }
0xf3: {  	_ =	swait.ge [sflag:s25], $0x4000  }
0xf4: {  	[sflag:s25] =	ssyncset.done $0x0  }
0xf5: {  	[sflag:s25] =	ssyncadd.s32 $0xFFFFC000  }
0xf6: {  	[tilespmem:s24], [sflag:$0x2] =	stream.linear.gather [spmem:s22], $0x4000, $0x38;
	[tilespmem:$0x1E800] =	vst v63  }
0xf7: {  	_ =	swait.ge [sflag:s25], $0x4000  }
0xf8: {  	[sflag:s25] =	ssyncset.done $0x0  }
0xf9: {  	[sflag:s25] =	ssyncadd.s32 $0xFFFFC000  }
0xfa: {  	[hbm4b:s23+s3] =	stream.linear.scatter [tilespmem:s24], [sflag:$0x2], $0x4000, $0x38;
	[tilespmem:$0x1E800] =	vst v63  }
0xfb: {  	_ =	swait.ge [sflag:s25], $0x4000  }
0xfc: {  	s6 =	sadd.s32 $0x1, s6;
	s11 =	rddreg [dreg:$0x7]  }
0xfd: {  	p0 =	sne.s32 s6, s11  }
.Ltmp3:
0xfe: {  	_ = 	snop;
	(pc) =	sbr.rel @p0 .LBB2_1-.Ltmp3, $3  }
0xff: {  	_ =	sdelay $0x1  }
0x100: {  	[sflag:s25] =	ssyncset.done $0x0  }
0x101: {  	[sflag:s25] =	ssyncadd.s32 $0xFFFFC000  }
0x102: {  	_ =	sfence.sel $0x180000  }
0x103: {  	[bflag:$0x0] =	sbarrier.arrive $0xFFFF  }
0x104: {  	_ =	strace $0x9000004D  }
0x105: {  	s0 =	stileid.u32;
	[bflag:$0x2] =	sbarrier.arrive $0xFFFF  }
0x106: {  	p0 =	sne.s32 s0, $0x0;
	s0 =	rddreg [dreg:$0x2]  }
0x107: {  	s0 =	sadd.s32 @!p0 $0x100000, s0  }
0x108: {  	[sflag:s0] =	ssyncadd.tile.s32 @!p0 $0x1;
	_ =	shalt  }
.Lfunc_end2:
_tile_overlayer_lowered:
.L_overlay_start_2:
0x109: {  	(tag) =	ssettag $0x2  }
0x10a: {  	s0 =	rddreg [dreg:$0x0];
	s2 =	stileid.u32  }
0x10b: {  	s1 =	rddreg [dreg:$0x1];
	p0 =	sne.s32 s2, $0x0  }
0x10c: {  	s3 =	rddreg [dreg:$0x2];
	[bflag:$0x3] =	sbarrier.arrive $0xFFFF;
	s2 =	simm.s32 @!p0 $0x1C02  }
0x10d: {  	[timem:s3], [sflag:s2] =	dma.local @!p0 [hbm:s0], s1  }
0x10e: {  	s0 =	simm.s32 @!p0 $0x2  }
0x10f: {  	_ =	swait.ge @!p0 [sflag:s0], s1  }
0x110: {  	s1 =	ssub.s32 @!p0 $0x0, s1;
	[sflag:s0] =	ssyncset.done @!p0 $0x0  }
0x111: {  	[sflag:s0] =	ssyncadd.s32 @!p0 s1  }
0x112: {  	[bflag:$0x3] =	sbarrier.arrive $0xFFFF  }
0x113: {  	_ =	shalt  }

// kernel: kernel.9.cloned.1.call-start
scs
__scs_entry_jumppad:
0x0: {  	(pc) =	sbr.rel $0x88, $3  }
0x1: {  	(tag) =	ssettag $0x0;
	lr =	simm.s32 $0x1  }
0x2: {  	[smem:$0x3F89] =	sst lr;
	_ =	strace $0xD0000000  }
0x3: {  	_ = 	snop  }
0x4: {  	_ = 	snop  }
0x5: {  	_ = 	snop  }
0x6: {  	_ = 	snop  }
0x7: {  	_ = 	snop  }
__scs_overlays_trampoline_lowered:
0x8: {  	[smem:$0x3F98] =	sst s0  }
0x9: {  	[smem:$0x3F99] =	sst s1  }
0xa: {  	[smem:$0x3F9A] =	sst s2  }
0xb: {  	[smem:$0x3F9B] =	sst s3  }
0xc: {  	[smem:$0x3F9C] =	sst s4  }
0xd: {  	[smem:$0x3F9D] =	sst s5  }
0xe: {  	[smem:$0x3F9E] =	sst s6  }
0xf: {  	[smem:$0x3F9F] =	sst s7  }
0x10: {  	[smem:$0x3FA0] =	sst s8  }
0x11: {  	[smem:$0x3FA1] =	sst s9;
	s0 =	simm.s32 @!p0 $0x0  }
0x12: {  	s1 =	sld [smem:$0x3F87];
	s0 =	simm.s32 @p0 $0x1  }
0x13: {  	[smem:$0x3FA2] =	sst s0;
	s0 =	simm.s32 @!p1 $0x0  }
0x14: {  	s2 =	sld [smem:$0x3F86];
	s0 =	simm.s32 @p1 $0x1  }
0x15: {  	[smem:$0x3FA3] =	sst s0;
	s0 =	simm.s32 @!p2 $0x0  }
0x16: {  	s3 =	sld [smem:$0x3FDB];
	s0 =	simm.s32 @p2 $0x1  }
0x17: {  	s4 =	simm.s32 $0x1BF5;
	[smem:$0x3FA5] =	sst s0  }
0x18: {  	s0 =	sld [smem:$0x3F88];
	_ =	swait.ge [sflag:s4], $0x0  }
0x19: {  	s7 =	sld [smem:$0x3F89]  }
0x1a: {  	s8 =	sadd.s32 $0xFFFFE003, lr  }
0x1b: {  	s9 =	sadd.s32 $0xFFFFFEF7, lr;
	s5 =	simm.s32 $0xFFFFFFFF;
	p2 =	slt.u32 s8, $0xFFFFF086  }
0x1c: {  	p1 =	slt.u32 s9, $0xF7A;
	s5 =	simm.s32 @!p2 $0x0  }
0x1d: {  	s5 =	simm.s32 @p1 $0x1;
	p0 =	seq.s32 s7, s2  }
0x1e: {  	s7 =	smul.u32 @!p0 $0xF7A, s2;
	p2 =	seq.s32 @!p0 s5, $0x0  }
0x1f: {  	s9 =	smul.u32 $0xF7A, s1;
	s8 =	simm.s32 @!p0 $0x1BF5;
	p2 =	por !p2, p0  }
0x20: {  	[sflag:s8] =	ssyncset.s32 @!p0 $0xFFFFF086;
	s6 =	sadd.s32 @!p0 s3, s7;
	s7 =	simm.s32 @!p0 $0x108  }
0x21: {  	s3 =	sadd.s32 s3, s9;
	s6 =	sadd.s32 @!p0 $0x88, s6;
	s7 =	simm.s32 @p2 $0x1082  }
0x22: {  	[simem:s7], [sflag:s8] =	dma.local @!p0 [hbm:s6], $0xF7A  }
0x23: {  	s9 =	sor.u32 $0xD0000000, s2;
	s6 =	simm.s32 $0x108;
	_ =	swait.ge @!p0 [sflag:s8], $0x0  }
0x24: {  	s3 =	sadd.s32 $0x88, s3;
	s6 =	simm.s32 @!p1 $0x1082;
	[sflag:s4] =	ssyncset.s32 $0xFFFFF086  }
0x25: {  	[simem:s6], [sflag:s4] =	dma.local [hbm:s3], $0xF7A  }
0x26: {  	[smem:$0x3F89] =	sst s1;
	(tag) =	ssettag s2;
	_ =	strace s9  }
0x27: {  	s1 =	sld [smem:$0x3F99]  }
0x28: {  	s2 =	sld [smem:$0x3F9A]  }
0x29: {  	s4 =	sld [smem:$0x3F9C]  }
0x2a: {  	p0 =	seq.s32 s5, $0x0;
	s5 =	sld [smem:$0x3F9D]  }
0x2b: {  	s6 =	sld [smem:$0x3F9E]  }
0x2c: {  	s7 =	sld [smem:$0x3F9F]  }
0x2d: {  	s3 =	simm.s32 $0x108;
	s8 =	sld [smem:$0x3FA0]  }
0x2e: {  	s3 =	simm.s32 @!p0 $0x1082;
	s9 =	sld [smem:$0x3FA1]  }
0x2f: {  	lr =	sadd.s32 s0, s3;
	s0 =	sld [smem:$0x3F98]  }
0x30: {  	s3 =	sld [smem:$0x3F9B]  }
0x31: {  	[smem:$0x3FA4] =	sst s10  }
0x32: {  	s10 =	sld [smem:$0x3FA2];
	_ =	sdelay $0x3  }
0x33: {  	p0 =	seq.s32 s10, $0x1;
	s10 =	sld [smem:$0x3FA4];
	_ =	sdelay $0x3  }
0x34: {  	[smem:$0x3FA4] =	sst s10  }
0x35: {  	s10 =	sld [smem:$0x3FA3];
	_ =	sdelay $0x3  }
0x36: {  	p1 =	seq.s32 s10, $0x1;
	s10 =	sld [smem:$0x3FA4];
	_ =	sdelay $0x3  }
0x37: {  	[smem:$0x3FA4] =	sst s10  }
0x38: {  	s10 =	sld [smem:$0x3FA5]  }
0x39: {  	_ = 	snop;
	(pc) =	sbr.ind lr, $3  }
0x3a: {  	_ = 	snop  }
0x3b: {  	_ = 	snop  }
0x3c: {  	p2 =	seq.s32 s10, $0x1;
	s10 =	sld [smem:$0x3FA4]  }
0x3d: {  	_ =	shalt  }
0x3e: {  	_ =	shalt  }
0x3f: {  	_ =	shalt  }
0x40: {  	_ =	shalt  }
0x41: {  	_ =	shalt  }
0x42: {  	_ =	shalt  }
0x43: {  	_ =	shalt  }
0x44: {  	_ =	shalt  }
0x45: {  	_ =	shalt  }
0x46: {  	_ =	shalt  }
0x47: {  	_ =	shalt  }
0x48: {  	_ =	shalt  }
0x49: {  	_ =	shalt  }
0x4a: {  	_ =	shalt  }
0x4b: {  	_ =	shalt  }
0x4c: {  	_ =	shalt  }
0x4d: {  	_ =	shalt  }
0x4e: {  	_ =	shalt  }
0x4f: {  	_ =	shalt  }
0x50: {  	_ =	shalt  }
0x51: {  	_ =	shalt  }
0x52: {  	_ =	shalt  }
0x53: {  	_ =	shalt  }
0x54: {  	_ =	shalt  }
0x55: {  	_ =	shalt  }
0x56: {  	_ =	shalt  }
0x57: {  	_ =	shalt  }
0x58: {  	_ =	shalt  }
0x59: {  	_ =	shalt  }
0x5a: {  	_ =	shalt  }
0x5b: {  	_ =	shalt  }
0x5c: {  	_ =	shalt  }
0x5d: {  	_ =	shalt  }
0x5e: {  	_ =	shalt  }
0x5f: {  	_ =	shalt  }
0x60: {  	_ =	shalt  }
0x61: {  	_ =	shalt  }
0x62: {  	_ =	shalt  }
0x63: {  	_ =	shalt  }
0x64: {  	_ =	shalt  }
0x65: {  	_ =	shalt  }
0x66: {  	_ =	shalt  }
0x67: {  	_ =	shalt  }
0x68: {  	_ =	shalt  }
0x69: {  	_ =	shalt  }
0x6a: {  	_ =	shalt  }
0x6b: {  	_ =	shalt  }
0x6c: {  	_ =	shalt  }
0x6d: {  	_ =	shalt  }
0x6e: {  	_ =	shalt  }
0x6f: {  	_ =	shalt  }
0x70: {  	_ =	shalt  }
0x71: {  	_ =	shalt  }
0x72: {  	_ =	shalt  }
0x73: {  	_ =	shalt  }
0x74: {  	_ =	shalt  }
0x75: {  	_ =	shalt  }
0x76: {  	_ =	shalt  }
0x77: {  	_ =	shalt  }
0x78: {  	_ =	shalt  }
0x79: {  	_ =	shalt  }
0x7a: {  	_ =	shalt  }
0x7b: {  	_ =	shalt  }
0x7c: {  	_ =	shalt  }
0x7d: {  	_ =	shalt  }
0x7e: {  	_ =	shalt  }
0x7f: {  	_ =	shalt  }
0x80: {  	_ =	shalt  }
0x81: {  	_ =	shalt  }
0x82: {  	_ =	shalt  }
0x83: {  	_ =	shalt  }
0x84: {  	_ =	shalt  }
0x85: {  	_ =	shalt  }
0x86: {  	_ =	shalt  }
0x87: {  	_ =	shalt  }
.Lfunc_end0:
.L_simem_size_0:
called_computation_lowered:
.L_overlay_start_0:
0x88: {  	s2 =	sld [smem:$0x3FD9]  }
0x89: {  	s3 =	sld [smem:$0x3FFE];
	_ =	sdelay $0x1  }
0x8a: {  	s1 =	srdreg.scid  }
0x8b: {  	s0 =	sand.u32 $0x1, s1  }
0x8c: {  	s16 =	sshll.u32 s0, $0xA;
	s2 =	sadd.s32 s3, s2  }
0x8d: {  	s2 =	sadd.s32 s2, s16  }
0x8e: {  	[smem:$0x3FB0] =	sst s2  }
0x8f: {  	_ = 	snop  }
0x90: {  	(tm) =	ssettm $0x1  }
0x91: {  	s17 =	sld [smem:$0x3FFB];
	_ =	sdelay $0x3  }
0x92: {  	_ =	strace s17  }
0x93: {  	s2 =	sld [smem:$0x3FFC];
	_ =	sdelay $0x3  }
0x94: {  	_ =	strace s2  }
0x95: {  	s2 =	sld [smem:$0x3FFD];
	_ =	sdelay $0x3  }
0x96: {  	_ =	strace s2  }
0x97: {  	_ =	strace $0x8FFFFFFF  }
0x98: {  	s18 =	sld [smem:$0x3FDB];
	_ =	sdelay $0x1  }
0x99: {  	s19 =	simm.s32 $_scs_section_size  }
0x9a: {  	s4 =	simm.s32 $_size__tile_overlayer_lowered;
	s5 =	simm.s32 $_tile_overlayer_lowered  }
0x9b: {  	s22 =	simm.s32 $0x1BFF;
	s21 =	sshll.u32 s5, $0x1;
	s2 =	sadd.s32 s19, s18  }
0x9c: {  	s6 =	simm.s32 $0x0;
	s20 =	sshll.u32 s4, $0x1;
	s4 =	sadd.s32 s21, s2  }
0x9d: {  	[timem:s6], [sflag:s22] =	dma.local [hbm:s4], s20  }
0x9e: {  	_ =	swait.ge [sflag:s22], s20  }
0x9f: {  	s3 =	ssub.s32 $0x0, s20;
	[sflag:s22] =	ssyncset.done $0x0  }
0xa0: {  	[sflag:s22] =	ssyncadd.s32 s3;
	_ =	sdelay $0x1  }
0xa1: {  	s23 =	simm.s32 $0x1B8B  }
0xa2: {  	_ =	swait.ge [sflag:s23], $0x1  }
0xa3: {  	[sflag:s23] =	ssyncset.done $0x0  }
0xa4: {  	s25 =	simm.s32 $0x1B8E;
	s24 =	sld [smem:$0x3FFE];
	[sflag:s23] =	ssyncadd.s32 $0xFFFFFFFF  }
0xa5: {  	s26 =	simm.s32 $execute0_lowered;
	[smem:$0x3FD2] =	sst s25  }
0xa6: {  	s4 =	sshll.u32 s26, $0x1;
	_ =	strace $0x80000046;
	[dreg:$0x1] =	wrdreg $0xFFFFFFFF  }
0xa7: {  	s28 =	simm.s32 $_size_execute0_lowered;
	s2 =	sadd.s32 s2, s4;
	[dreg:$0x0] =	wrdreg $0x0  }
0xa8: {  	s4 =	sshll.u32 s28, $0x1;
	[dreg:$0x2] =	wrdreg s2  }
0xa9: {  	[dreg:$0x3] =	wrdreg s4  }
0xaa: {  	[dreg:$0x4] =	wrdreg $0xC0  }
0xab: {  	_ =	task [dreg:s6], $0x5FFFF  }
0xac: {  	[dreg:$0x1] =	wrdreg $0xFFFFFFFF  }
0xad: {  	[dreg:$0x0] =	wrdreg $0x60  }
0xae: {  	[dreg:$0x2] =	wrdreg s24  }
0xaf: {  	[dreg:$0x3] =	wrdreg $0x68000  }
0xb0: {  	[dreg:$0x4] =	wrdreg $0x9  }
0xb1: {  	_ =	task.clear_ibuf [dreg:s6], $0x5FFFF;
	_ =	strace $0x90000046  }
0xb2: {  	s29 =	simm.s32 $0x9;
	_ =	strace $0x80000048  }
0xb3: {  	_ =	swait.ge [sflag:s29], $0x1  }
0xb4: {  	[sflag:s29] =	ssyncadd.s32 $0xFFFFFFFF  }
0xb5: {  	_ =	strace $0x90000048  }
0xb6: {  	_ =	sfence  }
0xb7: {  	s30 =	sld [smem:$0x0];
	_ =	sdelay $0x2  }
0xb8: {  	s31 =	sshll.u32 s1, $0xD;
	s1 =	sshrl.u32 s1, $0x2  }
0xb9: {  	s3 =	sand.u32 $0x4000, s31;
	s1 =	sadd.s32 s1, s30  }
0xba: {  	s0 =	sor.u32 s3, s0;
	s1 =	sshll.u32 s1, $0x11  }
0xbb: {  	s0 =	sor.u32 s1, s0  }
0xbc: {  	s0 =	sadd.s32 $0x8F2B, s0  }
0xbd: {  	[sflag:s0] =	ssyncadd.remote.s32 $0x1  }
0xbe: {  	_ =	sfence.sel $0xFFFF  }
0xbf: {  	[dreg:$0x0] =	wrdreg $0xFFFFFFFF;
	(pc) =	sbr.abs _section_cstart, $3  }
0xc0: {  	[dreg:$0x1] =	wrdreg $0xFFFFFFFF  }
0xc1: {  	_ =	task.clear_ibuf [dreg:s6], $0x2FFFF;
	_ =	strace $0x9FFFFFFF  }
0xc2: {  	(tm) =	ssettm $0x7FFFFFFF  }
0xc3: {  	_ =	shalt  }
tec
execute0_lowered:
.L_overlay_start_1:
0x0: {  	(tag) =	ssettag $0x1  }
0x1: {  	s5 =	rddreg [dreg:$0x0];
	s1 =	srdreg.scid  }
0x2: {  	s0 =	stileid.u32;
	s2 =	rddreg [dreg:$0x1];
	s3 =	simm.s32 $0x0  }
0x3: {  	s23 =	simm.s32 $0x80;
	s24 =	simm.s32 $0x100;
	s25 =	simm.s32 $0x180  }
0x4: {  	s26 =	simm.s32 $0x1;
	s28 =	simm.s32 $0x0;
	s6 =	sand.u32 $0x1, s1  }
0x5: {  	s4 =	sshll.u32 s0, $0x1;
	s1 =	rddreg [dreg:$0x2];
	s8 =	smul.u32 $0x50000, s0  }
0x6: {  	[smem:$0x7FF] =	sst s3;
	s20 =	sadd.s32 $0x19400, s5;
	s16 =	smul.u32 $0x14000, s0  }
0x7: {  	s4 =	sor.u32 s6, s4;
	_ =	strace $0x80000047;
	s17 =	smul.u32 $0x140000, s6  }
0x8: {  	s29 =	ssub.s32 $0x2, s6;
	s7 =	smul.u32 $0x500, s4;
	s4 =	sadd.s32 $0x18C00, s5  }
0x9: {  	s9 =	sshrl.u32 s29, $0x1;
	s8 =	sshrl.u32 s8, $0x2;
	s13 =	sadd.s32 $0x4000, s16  }
0xa: {  	s18 =	sadd.s32 $0x8000, s16;
	s19 =	sadd.s32 $0xC000, s16;
	s22 =	sadd.s32 $0x10000, s16  }
0xb: {  	s9 =	ssub.s32 s29, s9;
	s11 =	sadd.s32 s17, s16;
	s14 =	sadd.s32 s17, s13  }
0xc: {  	s13 =	sadd.s32 s13, s2;
	s15 =	sadd.s32 s18, s2;
	s18 =	sadd.s32 s17, s18  }
0xd: {  	s21 =	sadd.s32 s17, s19;
	s31 =	sadd.s32 s17, s22;
	s17 =	sadd.s32 s19, s2  }
0xe: {  	s19 =	sadd.s32 s22, s2;
	s22 =	simm.s32 $0x2;
	s7 =	sadd.s32 s7, s5  }
0xf: {  	s5 =	sadd.s32 s8, s2;
	s12 =	sshrl.u32 s11, $0x3;
	s14 =	sshrl.u32 s14, $0x3  }
0x10: {  	s18 =	sshrl.u32 s18, $0x3;
	s30 =	sshrl.u32 s21, $0x3;
	s21 =	sshrl.u32 s31, $0x3  }
0x11: {  	s6 =	sadd.s32 $0x4C00, s7;
	s7 =	smax.u32 s9, $0x1;
	s8 =	sadd.s32 $0x4000, s5  }
0x12: {  	s9 =	sadd.s32 $0x8000, s5;
	s10 =	sadd.s32 $0xC000, s5;
	s11 =	sadd.s32 $0x10000, s5  }
0x13: {  	s12 =	sadd.s32 s20, s12;
	s14 =	sadd.s32 s20, s14;
	s16 =	sadd.s32 s20, s18  }
0x14: {  	v0 =	vimm.f32 $0.0e+00;
	s18 =	sadd.s32 s20, s30;
	s20 =	sadd.s32 s20, s21;
	s21 =	simm.s32 $0x2800  }
.LBB2_1:
0x15: {  	s29 =	simm.s32 $0x0;
	s30 =	simm.s32 $0x200  }
.LBB2_2:
0x16: {  	p0 =	sne.s32 s30, $0xFE00;
	[tilespmem:s29+$0x2870] =	vst v0  }
0x17: {  	[tilespmem:s29+$0x2800] =	vst v0  }
0x18: {  	[tilespmem:s29+$0x2810] =	vst v0  }
.Ltmp0:
0x19: {  	[tilespmem:s29+$0x2820] =	vst v0;
	(pc) =	sbr.rel @p0 .LBB2_2-.Ltmp0, $4  }
0x1a: {  	[tilespmem:s29+$0x2830] =	vst v0  }
0x1b: {  	[tilespmem:s29+$0x2840] =	vst v0  }
0x1c: {  	[tilespmem:s29+$0x2850] =	vst v0  }
0x1d: {  	[tilespmem:s29+$0x2860] =	vst v0;
	s29 =	sshra.s32 s30, $0x2;
	s30 =	sadd.s32 $0x200, s30  }
0x1e: {  	[tilespmem:s29+$0x2870] =	vst v0  }
0x1f: {  	[tilespmem:s29+$0x2800] =	vst v0  }
0x20: {  	[tilespmem:s29+$0x2810] =	vst v0  }
0x21: {  	[tilespmem:s29+$0x2820] =	vst v0  }
0x22: {  	[tilespmem:s29+$0x2830] =	vst v0  }
0x23: {  	[tilespmem:s29+$0x2840] =	vst v0  }
0x24: {  	[tilespmem:s29+$0x2850] =	vst v0  }
0x25: {  	[tilespmem:s29+$0x2860] =	vst v0  }
0x26: {  	[spmem:s5] =	stream.linear.scatter [tilespmem:s21], [sflag:$0x2], $0x4000, $0x38;
	[tilespmem:$0x1A800] =	vst v63  }
0x27: {  	_ =	swait.ge [sflag:s22], $0x4000  }
0x28: {  	[sflag:s22] =	ssyncset.done $0x0  }
0x29: {  	[sflag:s22] =	ssyncadd.s32 $0xFFFFC000  }
0x2a: {  	[spmem:s8] =	stream.linear.scatter [tilespmem:s21], [sflag:$0x2], $0x4000, $0x38;
	[tilespmem:$0x1A800] =	vst v63  }
0x2b: {  	_ =	swait.ge [sflag:s22], $0x4000  }
0x2c: {  	[sflag:s22] =	ssyncset.done $0x0  }
0x2d: {  	[sflag:s22] =	ssyncadd.s32 $0xFFFFC000  }
0x2e: {  	[spmem:s9] =	stream.linear.scatter [tilespmem:s21], [sflag:$0x2], $0x4000, $0x38;
	[tilespmem:$0x1A800] =	vst v63  }
0x2f: {  	_ =	swait.ge [sflag:s22], $0x4000  }
0x30: {  	[sflag:s22] =	ssyncset.done $0x0  }
0x31: {  	[sflag:s22] =	ssyncadd.s32 $0xFFFFC000  }
0x32: {  	[spmem:s10] =	stream.linear.scatter [tilespmem:s21], [sflag:$0x2], $0x4000, $0x38;
	[tilespmem:$0x1A800] =	vst v63  }
0x33: {  	_ =	swait.ge [sflag:s22], $0x4000  }
0x34: {  	[sflag:s22] =	ssyncset.done $0x0  }
0x35: {  	[sflag:s22] =	ssyncadd.s32 $0xFFFFC000  }
0x36: {  	[spmem:s11] =	stream.linear.scatter [tilespmem:s21], [sflag:$0x2], $0x4000, $0x38;
	[tilespmem:$0x1A800] =	vst v63  }
0x37: {  	_ =	swait.ge [sflag:s22], $0x4000  }
0x38: {  	[sflag:s22] =	ssyncset.done $0x0  }
0x39: {  	[sflag:s22] =	ssyncadd.s32 $0xFFFFC000  }
0x3a: {  	[tilespmem:s21], [sflag:$0x2] =	stream.linear.gather [hbm4b:s4+s3], $0x4000, $0x38;
	[tilespmem:$0x1A800] =	vst v63  }
0x3b: {  	_ =	swait.ge [sflag:s22], $0x4000  }
0x3c: {  	[sflag:s22] =	ssyncset.done $0x0  }
0x3d: {  	[sflag:s22] =	ssyncadd.s32 $0xFFFFC000  }
0x3e: {  	[tilespmem:s3], [sflag:$0x2] =	stream.linear.gather [hbm4b:s6+s3], $0x2800, $0x38;
	[tilespmem:$0x1A800] =	vst v63  }
0x3f: {  	_ =	swait.ge [sflag:s22], $0x2800  }
0x40: {  	[sflag:s22] =	ssyncset.done $0x0  }
0x41: {  	[sflag:s22] =	ssyncadd.s32 $0xFFFFD800  }
0x42: {  	[bflag:$0x0] =	sbarrier.arrive $0xFFFF  }
0x43: {  	[spmem:s2] =	stream.indirect.scatter.add.f32 [tilespmem:s21], [sflag:$0x1], $0x80, s3, s23, $0xb8;
	[tilespmem:$0x1A800] =	vst v63  }
0x44: {  	_ = 	snop  }
0x45: {  	[spmem:s2] =	stream.indirect.scatter.add.f32 [tilespmem:s21], [sflag:$0x1], $0x80, s23, s23, $0xb8;
	[tilespmem:$0x1A800] =	vst v63  }
0x46: {  	_ = 	snop  }
0x47: {  	[spmem:s2] =	stream.indirect.scatter.add.f32 [tilespmem:s21], [sflag:$0x1], $0x80, s24, s23, $0xb8;
	[tilespmem:$0x1A800] =	vst v63  }
0x48: {  	_ = 	snop  }
0x49: {  	[spmem:s2] =	stream.indirect.scatter.add.f32 [tilespmem:s21], [sflag:$0x1], $0x80, s25, s23, $0xb8;
	[tilespmem:$0x1A800] =	vst v63  }
0x4a: {  	s29 =	simm.s32 $0x200  }
0x4b: {  	[spmem:s2] =	stream.indirect.scatter.add.f32 [tilespmem:s21], [sflag:$0x1], $0x80, s29, s23, $0xb8;
	[tilespmem:$0x1A800] =	vst v63  }
0x4c: {  	_ =	swait.ge [sflag:s26], $0x4000  }
0x4d: {  	s29 =	simm.s32 $0xA00;
	[sflag:s26] =	ssyncset.done $0x0  }
.LBB2_4:
0x4e: {  	s30 =	sshra.s32 s29, $0x2;
	[sflag:s26] =	ssyncadd.s32 $0xFFFFC000;
	p0 =	sne.s32 s29, $0x9E00  }
0x4f: {  	[spmem:s2] =	stream.indirect.scatter.add.f32 [tilespmem:s21], [sflag:$0x1], $0x80, s30, s23, $0xb8;
	[tilespmem:$0x1A800] =	vst v63  }
.Ltmp1:
0x50: {  	_ = 	snop;
	(pc) =	sbr.rel @p0 .LBB2_4-.Ltmp1, $4  }
0x51: {  	_ = 	snop  }
0x52: {  	s29 =	sadd.s32 $0x200, s29  }
0x53: {  	_ =	swait.ge [sflag:s26], $0x4000  }
0x54: {  	[sflag:s26] =	ssyncset.done $0x0  }
0x55: {  	[sflag:s26] =	ssyncadd.s32 $0xFFFFC000  }
0x56: {  	_ =	swait.ge [sflag:s26], $0x4000  }
0x57: {  	[sflag:s26] =	ssyncset.done $0x0  }
0x58: {  	[sflag:s26] =	ssyncadd.s32 $0xFFFFC000  }
0x59: {  	_ =	swait.ge [sflag:s26], $0x4000  }
0x5a: {  	[sflag:s26] =	ssyncset.done $0x0  }
0x5b: {  	[sflag:s26] =	ssyncadd.s32 $0xFFFFC000  }
0x5c: {  	_ =	swait.ge [sflag:s26], $0x4000  }
0x5d: {  	[sflag:s26] =	ssyncset.done $0x0  }
0x5e: {  	[sflag:s26] =	ssyncadd.s32 $0xFFFFC000  }
0x5f: {  	_ =	swait.ge [sflag:s26], $0x4000  }
0x60: {  	[sflag:s26] =	ssyncset.done $0x0  }
0x61: {  	[sflag:s26] =	ssyncadd.s32 $0xFFFFC000  }
0x62: {  	[bflag:$0x0] =	sbarrier.arrive $0xFFFF  }
0x63: {  	[tilespmem:s21], [sflag:$0x2] =	stream.linear.gather [spmem:s5], $0x4000, $0x38;
	[tilespmem:$0x1A800] =	vst v63  }
0x64: {  	_ =	swait.ge [sflag:s22], $0x4000  }
0x65: {  	[sflag:s22] =	ssyncset.done $0x0  }
0x66: {  	[sflag:s22] =	ssyncadd.s32 $0xFFFFC000  }
0x67: {  	[hbm4b:s12+s3] =	stream.linear.scatter [tilespmem:s21], [sflag:$0x2], $0x4000, $0x38;
	[tilespmem:$0x1A800] =	vst v63  }
0x68: {  	_ =	swait.ge [sflag:s22], $0x4000  }
0x69: {  	[sflag:s22] =	ssyncset.done $0x0  }
0x6a: {  	[sflag:s22] =	ssyncadd.s32 $0xFFFFC000  }
0x6b: {  	[tilespmem:s21], [sflag:$0x2] =	stream.linear.gather [spmem:s13], $0x4000, $0x38;
	[tilespmem:$0x1A800] =	vst v63  }
0x6c: {  	_ =	swait.ge [sflag:s22], $0x4000  }
0x6d: {  	[sflag:s22] =	ssyncset.done $0x0  }
0x6e: {  	[sflag:s22] =	ssyncadd.s32 $0xFFFFC000  }
0x6f: {  	[hbm4b:s14+s3] =	stream.linear.scatter [tilespmem:s21], [sflag:$0x2], $0x4000, $0x38;
	[tilespmem:$0x1A800] =	vst v63  }
0x70: {  	_ =	swait.ge [sflag:s22], $0x4000  }
0x71: {  	[sflag:s22] =	ssyncset.done $0x0  }
0x72: {  	[sflag:s22] =	ssyncadd.s32 $0xFFFFC000  }
0x73: {  	[tilespmem:s21], [sflag:$0x2] =	stream.linear.gather [spmem:s15], $0x4000, $0x38;
	[tilespmem:$0x1A800] =	vst v63  }
0x74: {  	_ =	swait.ge [sflag:s22], $0x4000  }
0x75: {  	[sflag:s22] =	ssyncset.done $0x0  }
0x76: {  	[sflag:s22] =	ssyncadd.s32 $0xFFFFC000  }
0x77: {  	[hbm4b:s16+s3] =	stream.linear.scatter [tilespmem:s21], [sflag:$0x2], $0x4000, $0x38;
	[tilespmem:$0x1A800] =	vst v63  }
0x78: {  	_ =	swait.ge [sflag:s22], $0x4000  }
0x79: {  	[sflag:s22] =	ssyncset.done $0x0  }
0x7a: {  	[sflag:s22] =	ssyncadd.s32 $0xFFFFC000  }
0x7b: {  	[tilespmem:s21], [sflag:$0x2] =	stream.linear.gather [spmem:s17], $0x4000, $0x38;
	[tilespmem:$0x1A800] =	vst v63  }
0x7c: {  	_ =	swait.ge [sflag:s22], $0x4000  }
0x7d: {  	[sflag:s22] =	ssyncset.done $0x0  }
0x7e: {  	[sflag:s22] =	ssyncadd.s32 $0xFFFFC000  }
0x7f: {  	[hbm4b:s18+s3] =	stream.linear.scatter [tilespmem:s21], [sflag:$0x2], $0x4000, $0x38;
	[tilespmem:$0x1A800] =	vst v63  }
0x80: {  	_ =	swait.ge [sflag:s22], $0x4000  }
0x81: {  	[sflag:s22] =	ssyncset.done $0x0  }
0x82: {  	[sflag:s22] =	ssyncadd.s32 $0xFFFFC000  }
0x83: {  	[tilespmem:s21], [sflag:$0x2] =	stream.linear.gather [spmem:s19], $0x4000, $0x38;
	[tilespmem:$0x1A800] =	vst v63  }
0x84: {  	s28 =	sadd.s32 $0x1, s28;
	_ =	swait.ge [sflag:s22], $0x4000  }
0x85: {  	p0 =	sne.s32 s28, s7;
	[sflag:s22] =	ssyncset.done $0x0  }
.Ltmp2:
0x86: {  	[sflag:s22] =	ssyncadd.s32 $0xFFFFC000;
	(pc) =	sbr.rel @p0 .LBB2_1-.Ltmp2, $4  }
0x87: {  	[hbm4b:s20+s3] =	stream.linear.scatter [tilespmem:s21], [sflag:$0x2], $0x4000, $0x38;
	[tilespmem:$0x1A800] =	vst v63  }
0x88: {  	_ =	swait.ge [sflag:s22], $0x4000  }
0x89: {  	[sflag:s22] =	ssyncset.done $0x0  }
0x8a: {  	[sflag:s22] =	ssyncadd.s32 $0xFFFFC000  }
0x8b: {  	_ =	sfence.sel $0x180000  }
0x8c: {  	[bflag:$0x0] =	sbarrier.arrive $0xFFFF  }
0x8d: {  	p0 =	sne.s32 s0, $0x0;
	_ =	strace $0x90000047  }
0x8e: {  	s0 =	sadd.s32 @!p0 $0x100000, s1;
	[bflag:$0x2] =	sbarrier.arrive $0xFFFF  }
0x8f: {  	[sflag:s0] =	ssyncadd.tile.s32 @!p0 $0x1;
	_ =	shalt  }
.Lfunc_end2:
_tile_overlayer_lowered:
.L_overlay_start_2:
0x90: {  	(tag) =	ssettag $0x2  }
0x91: {  	s0 =	rddreg [dreg:$0x0];
	s2 =	stileid.u32  }
0x92: {  	s1 =	rddreg [dreg:$0x1];
	p0 =	sne.s32 s2, $0x0  }
0x93: {  	s3 =	rddreg [dreg:$0x2];
	[bflag:$0x3] =	sbarrier.arrive $0xFFFF;
	s2 =	simm.s32 @!p0 $0x1C02  }
0x94: {  	[timem:s3], [sflag:s2] =	dma.local @!p0 [hbm:s0], s1  }
0x95: {  	s0 =	simm.s32 @!p0 $0x2  }
0x96: {  	_ =	swait.ge @!p0 [sflag:s0], s1  }
0x97: {  	s1 =	ssub.s32 @!p0 $0x0, s1;
	[sflag:s0] =	ssyncset.done @!p0 $0x0  }
0x98: {  	[sflag:s0] =	ssyncadd.s32 @!p0 s1  }
0x99: {  	[bflag:$0x3] =	sbarrier.arrive $0xFFFF  }
0x9a: {  	_ =	shalt  }

</sc_bundles>
